<compile_context>
chip_gen: v7x
topology: tpu7x:2x2x1
jax: 0.10.2.dev20260603
libtpu: 0.0.44.dev20260713+nightly
codegen_flags: <defaults>
</compile_context>

<pallas_src>
import functools

import jax
import jax.numpy as jnp
from jax import lax
from jax.experimental import pallas as pl
from jax.experimental.pallas import tpu as pltpu
from jax.experimental.pallas import tpu_sc as plsc

N = 10000
E = 320000
D = 128
HD = 64
G = 64
NC, NS, LANES = 2, 16, 16
CHUNK = 128
CHUNKS_PER_TILE = 160
EP = NS * CHUNKS_PER_TILE * CHUNK
ROWS = 10240
RPT = ROWS // NS
PAD_ROW = N

_mesh = plsc.VectorSubcoreMesh(core_axis_name="c", subcore_axis_name="s")
_sc_params = pltpu.CompilerParams(use_tc_tiling_on_sc=False)


@functools.partial(
    pl.kernel,
    out_type=jax.ShapeDtypeStruct((NC, ROWS, LANES), jnp.float32),
    mesh=_mesh,
    scratch_types=[
        pltpu.VMEM((CHUNKS_PER_TILE, CHUNK), jnp.int32),
        pltpu.VMEM((CHUNK, LANES), jnp.float32),
        pltpu.VMEM((RPT, LANES), jnp.float32),
        pltpu.VMEM_SHARED((ROWS, LANES), jnp.float32),
        pltpu.SemaphoreType.DMA,
    ],
    compiler_params=_sc_params,
)
def _sc_deg(dst_hbm, ones_hbm, zeros_hbm, out_hbm, dstv, onesv, ztile, acc, sem):
    c = lax.axis_index("c")
    s = lax.axis_index("s")
    pltpu.async_copy(dst_hbm.at[s], dstv, sem).wait()
    pltpu.async_copy(ones_hbm, onesv, sem).wait()
    pltpu.async_copy(zeros_hbm, ztile, sem).wait()
    pltpu.sync_copy(ztile, acc.at[pl.ds(s * RPT, RPT)])
    plsc.subcore_barrier()

    @pl.loop(0, CHUNKS_PER_TILE // 2)
    def _(j):
        pltpu.sync_copy(onesv, acc.at[dstv.at[2 * j + c]], add=True)

    plsc.subcore_barrier()
    pltpu.sync_copy(acc.at[pl.ds(s * RPT, RPT)],
                    out_hbm.at[c, pl.ds(s * RPT, RPT)])


@functools.partial(
    pl.kernel,
    out_type=jax.ShapeDtypeStruct((NC, ROWS, HD), jnp.float32),
    mesh=_mesh,
    scratch_types=[
        pltpu.VMEM((CHUNKS_PER_TILE, CHUNK), jnp.int32),
        pltpu.VMEM((CHUNKS_PER_TILE, CHUNK), jnp.int32),
        pltpu.VMEM((CHUNK, HD), jnp.float32),
        pltpu.VMEM((CHUNK, HD), jnp.float32),
        pltpu.VMEM((CHUNK, HD), jnp.float32),
        pltpu.VMEM((CHUNK, HD), jnp.float32),
        pltpu.VMEM((CHUNK, HD), jnp.float32),
        pltpu.VMEM_SHARED((ROWS, HD), jnp.float32),
        pltpu.SemaphoreType.DMA,
        pltpu.SemaphoreType.DMA,
        pltpu.SemaphoreType.DMA,
        pltpu.SemaphoreType.DMA,
        pltpu.SemaphoreType.DMA,
        pltpu.SemaphoreType.DMA,
        pltpu.SemaphoreType.DMA,
        pltpu.SemaphoreType.DMA,
        pltpu.SemaphoreType.DMA,
        pltpu.SemaphoreType.DMA,
        pltpu.SemaphoreType.DMA,
    ],
    compiler_params=_sc_params,
)
def _sc_agg(gh_hbm, src_hbm, dst_hbm, zrow_hbm, out_hbm,
            srcv, dstv, rows0, rows1, rows2, rows3, rows4, acc,
            sg0, sg1, sg2, sg3, sg4, ss0, ss1, ss2, ss3, ss4, semz):
    c = lax.axis_index("c")
    s = lax.axis_index("s")
    table = gh_hbm.at[c]
    bufs = (rows0, rows1, rows2, rows3, rows4)
    sgs = (sg0, sg1, sg2, sg3, sg4)
    sss = (ss0, ss1, ss2, ss3, ss4)
    pltpu.async_copy(src_hbm.at[s], srcv, semz).wait()
    pltpu.async_copy(dst_hbm.at[s], dstv, semz).wait()
    pltpu.async_copy(zrow_hbm, rows0, semz).wait()

    @pl.loop(0, RPT // CHUNK)
    def _(k):
        pltpu.sync_copy(rows0, acc.at[pl.ds(s * RPT + k * CHUNK, CHUNK)])

    plsc.subcore_barrier()

    @pl.loop(0, CHUNKS_PER_TILE + 5, step=5)
    def _(j):
        for k in range(5):
            ci = j + k
            cc = ci - 3
            kc = (k + 2) % 5

            @pl.when(ci >= 5)
            def _():
                pltpu.make_async_copy(
                    bufs[k], acc.at[dstv.at[ci - 5]], sss[k]).wait()

            @pl.when(ci < CHUNKS_PER_TILE)
            def _():
                pltpu.async_copy(table.at[srcv.at[ci]], bufs[k], sgs[k])

            @pl.when((cc >= 0) & (cc < CHUNKS_PER_TILE))
            def _():
                pltpu.make_async_copy(
                    table.at[srcv.at[cc]], bufs[kc], sgs[kc]).wait()
                pltpu.async_copy(
                    bufs[kc], acc.at[dstv.at[cc]], sss[kc], add=True)

    plsc.subcore_barrier()

    @pl.loop(0, RPT // CHUNK)
    def _(k):
        pltpu.sync_copy(acc.at[pl.ds(s * RPT + k * CHUNK, CHUNK)],
                        out_hbm.at[c, pl.ds(s * RPT + k * CHUNK, CHUNK)])


def _mm_k(x_ref, w_ref, o_ref):
    o_ref[...] = jnp.dot(x_ref[...], w_ref[...],
                         preferred_element_type=jnp.float32)


def _mm(x, w):
    return pl.pallas_call(
        _mm_k,
        out_shape=jax.ShapeDtypeStruct((x.shape[0], w.shape[1]), jnp.float32),
    )(x, w)


def _split_write(gout_ref, g):
    gout_ref[0] = g[:, :HD]
    gout_ref[1] = g[:, HD:]


def _prep_k(degp_ref, hw_ref, dinv_ref, g_ref):
    d = degp_ref[0, :N, 0:1] + degp_ref[1, :N, 0:1] + 1.0
    dinv = jax.lax.rsqrt(d)
    dinvb = jnp.broadcast_to(dinv, (N, D))
    dinv_ref[...] = dinvb
    _split_write(g_ref, dinvb * hw_ref[...])


def _prep(degp, hw):
    return pl.pallas_call(
        _prep_k,
        out_shape=[jax.ShapeDtypeStruct((N, D), jnp.float32),
                   jax.ShapeDtypeStruct((NC, N, HD), jnp.float32)],
    )(degp, hw)


def _merge(s_ref, g_ref):
    s_full = jnp.concatenate([s_ref[0, :N, :], s_ref[1, :N, :]], axis=1)
    g_full = jnp.concatenate([g_ref[0], g_ref[1]], axis=1)
    return s_full + g_full


def _layer_k(s_ref, g_ref, dinv_ref, b_ref, w_ref, gout_ref):
    agg = _merge(s_ref, g_ref)
    dinv = dinv_ref[...]
    h = jnp.maximum(dinv * agg + b_ref[...], 0.0)
    _split_write(gout_ref, dinv * jnp.dot(h, w_ref[...],
                                          preferred_element_type=jnp.float32))


def _layer(s, g, dinvb, b, w):
    return pl.pallas_call(
        _layer_k,
        out_shape=jax.ShapeDtypeStruct((NC, N, HD), jnp.float32),
    )(s, g, dinvb, b, w)


def _head_k(s_ref, g_ref, dinv_ref, b_ref, batch_ref,
            wc1_ref, bc1_ref, wc2_ref, bc2_ref, out_ref):
    agg = _merge(s_ref, g_ref)
    h = jnp.maximum(dinv_ref[...] * agg + b_ref[...], 0.0)
    b = batch_ref[...]
    gids = jax.lax.broadcasted_iota(jnp.int32, (G, N), 0)
    oh = (b[None, :] == gids).astype(jnp.float32)
    sums = jnp.dot(oh, h, preferred_element_type=jnp.float32)
    counts = jnp.sum(oh, axis=1, keepdims=True)
    pooled = sums / jnp.maximum(counts, 1.0)
    z = jnp.maximum(
        jnp.dot(pooled, wc1_ref[...], preferred_element_type=jnp.float32)
        + bc1_ref[...], 0.0)
    logits = (jnp.dot(z, wc2_ref[...], preferred_element_type=jnp.float32)
              + bc2_ref[...])
    m = jnp.max(logits, axis=1, keepdims=True)
    lse = jnp.log(jnp.sum(jnp.exp(logits - m), axis=1, keepdims=True)) + m
    out_ref[...] = logits - lse


def _head(s, g, dinvb, b, batch, wc1, bc1, wc2, bc2):
    return pl.pallas_call(
        _head_k,
        out_shape=jax.ShapeDtypeStruct((G, 2), jnp.float32),
    )(s, g, dinvb, b, batch, wc1, bc1, wc2, bc2)


def kernel(x, edge_index, batch, W1, b1, W2, b2, W3, b3, Wc1, bc1, Wc2, bc2):
    src = edge_index[0].astype(jnp.int32)
    dst = edge_index[1].astype(jnp.int32)
    src_p = jnp.concatenate(
        [src, jnp.zeros((EP - E,), jnp.int32)]
    ).reshape(NS, CHUNKS_PER_TILE, CHUNK)
    pad_dst = PAD_ROW + jnp.arange(EP - E, dtype=jnp.int32) % (ROWS - N)
    dst_p = jnp.concatenate([dst, pad_dst]).reshape(NS, CHUNKS_PER_TILE, CHUNK)
    ones16 = jnp.ones((CHUNK, LANES), jnp.float32)
    z16 = jnp.zeros((RPT, LANES), jnp.float32)
    zrow = jnp.zeros((CHUNK, HD), jnp.float32)

    degp = _sc_deg(dst_p, ones16, z16)
    hw1 = _mm(x, W1)
    dinvb, g1 = _prep(degp, hw1)
    s1 = _sc_agg(g1, src_p, dst_p, zrow)
    g2 = _layer(s1, g1, dinvb, b1, W2)
    s2 = _sc_agg(g2, src_p, dst_p, zrow)
    g3 = _layer(s2, g2, dinvb, b2, W3)
    s3 = _sc_agg(g3, src_p, dst_p, zrow)
    return _head(s3, g3, dinvb, b3, batch.astype(jnp.int32),
                 Wc1, bc1, Wc2, bc2)

# --- scband reference (transcript-rebuilt; emitter-appended) ---
"""Pipeline reference for scband-bot-gnn-9079560864460 (READ-ONLY COPY).

The authoritative reference and input builder live on the scoring server;
editing this copy changes nothing except your own understanding.
"""

import jax, jax.numpy as jnp
import numpy as np

N = 10000
E = 320000
D = 128
H = 128
C = 2
G = 64


def setup_inputs(seed: int = 0) -> dict:
    key = jax.random.key(seed)
    ks = jax.random.split(key, 12)
    x = jax.random.normal(ks[0], (N, D), dtype=jnp.float32)
    edge_index = jax.random.randint(ks[1], (2, E), 0, N)
    batch = jnp.sort(jax.random.randint(ks[2], (N,), 0, G))
    W1 = jax.random.normal(ks[3], (D, H), dtype=jnp.float32) / np.sqrt(D)
    b1 = jnp.zeros((H,), dtype=jnp.float32)
    W2 = jax.random.normal(ks[4], (H, H), dtype=jnp.float32) / np.sqrt(H)
    b2 = jnp.zeros((H,), dtype=jnp.float32)
    W3 = jax.random.normal(ks[5], (H, H), dtype=jnp.float32) / np.sqrt(H)
    b3 = jnp.zeros((H,), dtype=jnp.float32)
    Wc1 = jax.random.normal(ks[6], (H, H // 2), dtype=jnp.float32) / np.sqrt(H)
    bc1 = jnp.zeros((H // 2,), dtype=jnp.float32)
    Wc2 = jax.random.normal(ks[7], (H // 2, C), dtype=jnp.float32) / np.sqrt(H // 2)
    bc2 = jnp.zeros((C,), dtype=jnp.float32)
    return {"x": x, "edge_index": edge_index, "batch": batch,
            "W1": W1, "b1": b1, "W2": W2, "b2": b2, "W3": W3, "b3": b3,
            "Wc1": Wc1, "bc1": bc1, "Wc2": Wc2, "bc2": bc2}


def _gcn_conv(h, src, dst, norm, W, b, n_nodes):
    h = h @ W
    msgs = h[src] * norm[:, None]
    out = jax.ops.segment_sum(msgs, dst, num_segments=n_nodes)
    return out + b


def reference(x, edge_index, batch, W1, b1, W2, b2, W3, b3, Wc1, bc1, Wc2, bc2):
    n_nodes = x.shape[0]
    loops = jnp.arange(n_nodes, dtype=edge_index.dtype)
    src = jnp.concatenate([edge_index[0], loops])
    dst = jnp.concatenate([edge_index[1], loops])
    # symmetric GCN normalization with self-loops
    deg = jax.ops.segment_sum(jnp.ones_like(dst, dtype=jnp.float32), dst, num_segments=n_nodes)
    dinv = jnp.where(deg > 0, 1.0 / jnp.sqrt(deg), 0.0)
    norm = dinv[src] * dinv[dst]
    h = jax.nn.relu(_gcn_conv(x, src, dst, norm, W1, b1, n_nodes))
    h = jax.nn.relu(_gcn_conv(h, src, dst, norm, W2, b2, n_nodes))
    h = jax.nn.relu(_gcn_conv(h, src, dst, norm, W3, b3, n_nodes))
    # global mean pool over graphs
    sums = jax.ops.segment_sum(h, batch, num_segments=G)
    counts = jax.ops.segment_sum(jnp.ones((n_nodes,), dtype=jnp.float32), batch, num_segments=G)
    pooled = sums / jnp.clip(counts, 1.0)[:, None]
    # classifier (dropout is identity in eval)
    z = jax.nn.relu(pooled @ Wc1 + bc1)
    logits = z @ Wc2 + bc2
    return jax.nn.log_softmax(logits, axis=1)

if __name__ == "__main__":
    import jax
    _d = setup_inputs()
    print(jax.jit(kernel)(*tuple(_d.values())))

</pallas_src>

<mosaic_0001>
#map = affine_map<(d0, d1) -> (0, 0, 0)>
#map1 = affine_map<(d0, d1) -> (0, 0)>
module attributes {stable_mosaic.version = 14 : i64} {
  func.func @_sc_agg(%arg0: i32, %arg1: i32, %arg2: memref<2x10000x64xf32, #tpu.memory_space<hbm>>, %arg3: memref<16x160x128xi32, #tpu.memory_space<hbm>>, %arg4: memref<16x160x128xi32, #tpu.memory_space<hbm>>, %arg5: memref<128x64xf32, #tpu.memory_space<hbm>>, %arg6: memref<2x10240x64xf32, #tpu.memory_space<hbm>>, %arg7: memref<160x128xi32, #tpu.memory_space<vmem>>, %arg8: memref<160x128xi32, #tpu.memory_space<vmem>>, %arg9: memref<128x64xf32, #tpu.memory_space<vmem>>, %arg10: memref<128x64xf32, #tpu.memory_space<vmem>>, %arg11: memref<128x64xf32, #tpu.memory_space<vmem>>, %arg12: memref<128x64xf32, #tpu.memory_space<vmem>>, %arg13: memref<128x64xf32, #tpu.memory_space<vmem>>, %arg14: memref<10240x64xf32, #tpu.memory_space<vmem_shared>>, %arg15: memref<!tpu.dma_semaphore, #tpu.memory_space<semaphore_mem>>, %arg16: memref<!tpu.dma_semaphore, #tpu.memory_space<semaphore_mem>>, %arg17: memref<!tpu.dma_semaphore, #tpu.memory_space<semaphore_mem>>, %arg18: memref<!tpu.dma_semaphore, #tpu.memory_space<semaphore_mem>>, %arg19: memref<!tpu.dma_semaphore, #tpu.memory_space<semaphore_mem>>, %arg20: memref<!tpu.dma_semaphore, #tpu.memory_space<semaphore_mem>>, %arg21: memref<!tpu.dma_semaphore, #tpu.memory_space<semaphore_mem>>, %arg22: memref<!tpu.dma_semaphore, #tpu.memory_space<semaphore_mem>>, %arg23: memref<!tpu.dma_semaphore, #tpu.memory_space<semaphore_mem>>, %arg24: memref<!tpu.dma_semaphore, #tpu.memory_space<semaphore_mem>>, %arg25: memref<!tpu.dma_semaphore, #tpu.memory_space<semaphore_mem>>) attributes {dimension_semantics = [#tpu.dimension_semantics<core_parallel>, #tpu.dimension_semantics<subcore_parallel>], iteration_bounds = array<i64: 2, 16>, scalar_prefetch = 0 : i64, scratch_operands = 19 : i64, tpu.core_type = #tpu.core_type<sc_vector_subcore>, window_params = [{transform_indices = #map}, {transform_indices = #map}, {transform_indices = #map}, {transform_indices = #map1}, {transform_indices = #map}]} {
    %dma_start3A = arith.constant 0 : i32
    %dma_start3A_0 = arith.constant 0 : i32
    %dma_start3A_1 = tpu.memref_slice %arg3[%arg1, %dma_start3A, %dma_start3A_0] : memref<16x160x128xi32, #tpu.memory_space<hbm>> -> memref<1x160x128xi32, #tpu.memory_space<hbm>>
    %dma_start3A_2 = tpu.memref_squeeze %dma_start3A_1 : memref<1x160x128xi32, #tpu.memory_space<hbm>> -> memref<160x128xi32, #tpu.memory_space<hbm>>
    %dma_start3A_3 = arith.constant 0 : i32
    %dma_start3A_4 = arith.constant 0 : i32
    %dma_start3A_5 = tpu.memref_slice %arg3[%arg1, %dma_start3A_3, %dma_start3A_4] : memref<16x160x128xi32, #tpu.memory_space<hbm>> -> memref<1x160x128xi32, #tpu.memory_space<hbm>>
    %dma_start3A_6 = tpu.memref_squeeze %dma_start3A_5 : memref<1x160x128xi32, #tpu.memory_space<hbm>> -> memref<160x128xi32, #tpu.memory_space<hbm>>
    tpu.enqueue_dma source(%dma_start3A_6 : memref<160x128xi32, #tpu.memory_space<hbm>>) target(%arg7 : memref<160x128xi32, #tpu.memory_space<vmem>>) target_semaphore(%arg25 : memref<!tpu.dma_semaphore, #tpu.memory_space<semaphore_mem>>)
    %dma_wait3A = arith.constant 0 : i32
    %dma_wait3A_7 = arith.constant 0 : i32
    %dma_wait3A_8 = tpu.memref_slice %arg3[%arg1, %dma_wait3A, %dma_wait3A_7] : memref<16x160x128xi32, #tpu.memory_space<hbm>> -> memref<1x160x128xi32, #tpu.memory_space<hbm>>
    %dma_wait3A_9 = tpu.memref_squeeze %dma_wait3A_8 : memref<1x160x128xi32, #tpu.memory_space<hbm>> -> memref<160x128xi32, #tpu.memory_space<hbm>>
    %dma_wait3A_10 = arith.constant 0 : i32
    %dma_wait3A_11 = arith.constant 0 : i32
    %dma_wait3A_12 = tpu.memref_slice %arg3[%arg1, %dma_wait3A_10, %dma_wait3A_11] : memref<16x160x128xi32, #tpu.memory_space<hbm>> -> memref<1x160x128xi32, #tpu.memory_space<hbm>>
    %dma_wait3A_13 = tpu.memref_squeeze %dma_wait3A_12 : memref<1x160x128xi32, #tpu.memory_space<hbm>> -> memref<160x128xi32, #tpu.memory_space<hbm>>
    tpu.wait_dma2 semaphore(%arg25 : memref<!tpu.dma_semaphore, #tpu.memory_space<semaphore_mem>>) src(%dma_wait3A_13 : memref<160x128xi32, #tpu.memory_space<hbm>>) dst(%arg7 : memref<160x128xi32, #tpu.memory_space<vmem>>)
    %dma_start3A_14 = arith.constant 0 : i32
    %dma_start3A_15 = arith.constant 0 : i32
    %dma_start3A_16 = tpu.memref_slice %arg4[%arg1, %dma_start3A_14, %dma_start3A_15] : memref<16x160x128xi32, #tpu.memory_space<hbm>> -> memref<1x160x128xi32, #tpu.memory_space<hbm>>
    %dma_start3A_17 = tpu.memref_squeeze %dma_start3A_16 : memref<1x160x128xi32, #tpu.memory_space<hbm>> -> memref<160x128xi32, #tpu.memory_space<hbm>>
    %dma_start3A_18 = arith.constant 0 : i32
    %dma_start3A_19 = arith.constant 0 : i32
    %dma_start3A_20 = tpu.memref_slice %arg4[%arg1, %dma_start3A_18, %dma_start3A_19] : memref<16x160x128xi32, #tpu.memory_space<hbm>> -> memref<1x160x128xi32, #tpu.memory_space<hbm>>
    %dma_start3A_21 = tpu.memref_squeeze %dma_start3A_20 : memref<1x160x128xi32, #tpu.memory_space<hbm>> -> memref<160x128xi32, #tpu.memory_space<hbm>>
    tpu.enqueue_dma source(%dma_start3A_21 : memref<160x128xi32, #tpu.memory_space<hbm>>) target(%arg8 : memref<160x128xi32, #tpu.memory_space<vmem>>) target_semaphore(%arg25 : memref<!tpu.dma_semaphore, #tpu.memory_space<semaphore_mem>>)
    %dma_wait3A_22 = arith.constant 0 : i32
    %dma_wait3A_23 = arith.constant 0 : i32
    %dma_wait3A_24 = tpu.memref_slice %arg4[%arg1, %dma_wait3A_22, %dma_wait3A_23] : memref<16x160x128xi32, #tpu.memory_space<hbm>> -> memref<1x160x128xi32, #tpu.memory_space<hbm>>
    %dma_wait3A_25 = tpu.memref_squeeze %dma_wait3A_24 : memref<1x160x128xi32, #tpu.memory_space<hbm>> -> memref<160x128xi32, #tpu.memory_space<hbm>>
    %dma_wait3A_26 = arith.constant 0 : i32
    %dma_wait3A_27 = arith.constant 0 : i32
    %dma_wait3A_28 = tpu.memref_slice %arg4[%arg1, %dma_wait3A_26, %dma_wait3A_27] : memref<16x160x128xi32, #tpu.memory_space<hbm>> -> memref<1x160x128xi32, #tpu.memory_space<hbm>>
    %dma_wait3A_29 = tpu.memref_squeeze %dma_wait3A_28 : memref<1x160x128xi32, #tpu.memory_space<hbm>> -> memref<160x128xi32, #tpu.memory_space<hbm>>
    tpu.wait_dma2 semaphore(%arg25 : memref<!tpu.dma_semaphore, #tpu.memory_space<semaphore_mem>>) src(%dma_wait3A_29 : memref<160x128xi32, #tpu.memory_space<hbm>>) dst(%arg8 : memref<160x128xi32, #tpu.memory_space<vmem>>)
    tpu.enqueue_dma source(%arg5 : memref<128x64xf32, #tpu.memory_space<hbm>>) target(%arg9 : memref<128x64xf32, #tpu.memory_space<vmem>>) target_semaphore(%arg25 : memref<!tpu.dma_semaphore, #tpu.memory_space<semaphore_mem>>)
    tpu.wait_dma2 semaphore(%arg25 : memref<!tpu.dma_semaphore, #tpu.memory_space<semaphore_mem>>) src(%arg5 : memref<128x64xf32, #tpu.memory_space<hbm>>) dst(%arg9 : memref<128x64xf32, #tpu.memory_space<vmem>>)
    %scan3A = arith.constant 0 : i32
    %scan3A_30 = arith.constant 5 : i32
    %scan3A_31 = arith.addi %scan3A, %scan3A_30 : i32
    %scan3A_32 = arith.constant 1 : i32
    scf.for %scan3A_45 = %scan3A to %scan3A_31 step %scan3A_32  : i32 {
      %mul3A = arith.constant 1 : i32
      %mul3A_46 = arith.muli %scan3A_45, %mul3A : i32
      %add3A = arith.constant 0 : i32
      %add3A_47 = arith.addi %add3A, %mul3A_46 : i32
      %mul3A_48 = arith.constant 640 : i32
      %mul3A_49 = arith.muli %arg1, %mul3A_48 : i32
      %mul3A_50 = arith.constant 128 : i32
      %mul3A_51 = arith.muli %add3A_47, %mul3A_50 : i32
      %add3A_52 = arith.addi %mul3A_49, %mul3A_51 : i32
      "tpu.region"() ({
        %run_scoped3A = tpu.sem_alloc : memref<!tpu.dma_semaphore, #tpu.memory_space<semaphore_mem>>
        %dma_start3A_53 = arith.constant 0 : i32
        %dma_start3A_54 = tpu.memref_slice %arg14[%add3A_52, %dma_start3A_53] : memref<10240x64xf32, #tpu.memory_space<vmem_shared>> -> memref<128x64xf32, #tpu.memory_space<vmem_shared>>
        %dma_start3A_55 = arith.constant 0 : i32
        %dma_start3A_56 = tpu.memref_slice %arg14[%add3A_52, %dma_start3A_55] : memref<10240x64xf32, #tpu.memory_space<vmem_shared>> -> memref<128x64xf32, #tpu.memory_space<vmem_shared>>
        tpu.enqueue_dma source(%arg9 : memref<128x64xf32, #tpu.memory_space<vmem>>) target(%dma_start3A_56 : memref<128x64xf32, #tpu.memory_space<vmem_shared>>) target_semaphore(%run_scoped3A : memref<!tpu.dma_semaphore, #tpu.memory_space<semaphore_mem>>)
        %dma_wait3A_57 = arith.constant 0 : i32
        %dma_wait3A_58 = tpu.memref_slice %arg14[%add3A_52, %dma_wait3A_57] : memref<10240x64xf32, #tpu.memory_space<vmem_shared>> -> memref<128x64xf32, #tpu.memory_space<vmem_shared>>
        %dma_wait3A_59 = arith.constant 0 : i32
        %dma_wait3A_60 = tpu.memref_slice %arg14[%add3A_52, %dma_wait3A_59] : memref<10240x64xf32, #tpu.memory_space<vmem_shared>> -> memref<128x64xf32, #tpu.memory_space<vmem_shared>>
        tpu.wait_dma2 semaphore(%run_scoped3A : memref<!tpu.dma_semaphore, #tpu.memory_space<semaphore_mem>>) src(%arg9 : memref<128x64xf32, #tpu.memory_space<vmem>>) dst(%dma_wait3A_60 : memref<128x64xf32, #tpu.memory_space<vmem_shared>>)
        tpu.yield
      }) : () -> ()
    }
    %scan3A_33 = arith.constant 5 : i32
    %barrier3A = arith.constant 0 : index
    tpu.barrier barrier_id(%barrier3A)
    %scan3A_34 = arith.constant 0 : i32
    %scan3A_35 = arith.constant 33 : i32
    %scan3A_36 = arith.addi %scan3A_34, %scan3A_35 : i32
    %scan3A_37 = arith.constant 1 : i32
    scf.for %scan3A_45 = %scan3A_34 to %scan3A_36 step %scan3A_37  : i32 {
      %mul3A = arith.constant 5 : i32
      %mul3A_46 = arith.muli %scan3A_45, %mul3A : i32
      %add3A = arith.constant 0 : i32
      %add3A_47 = arith.addi %add3A, %mul3A_46 : i32
      %add3A_48 = arith.constant 0 : i32
      %add3A_49 = arith.addi %add3A_47, %add3A_48 : i32
      %sub3A = arith.constant 3 : i32
      %sub3A_50 = arith.subi %add3A_49, %sub3A : i32
      %ge3A = arith.constant 5 : i32
      %ge3A_51 = arith.cmpi sge, %add3A_49, %ge3A : i32
      %convert_element_type3A = arith.extui %ge3A_51 : i1 to i32
      %cond3A = arith.constant 0 : i32
      %cond3A_52 = arith.cmpi ne, %convert_element_type3A, %cond3A : i32
      scf.if %cond3A_52 {
        %sub3A_152 = arith.constant 5 : i32
        %sub3A_153 = arith.subi %add3A_49, %sub3A_152 : i32
        %dma_wait3A_154 = arith.constant 0 : i32
        %dma_wait3A_155 = tpu.memref_slice %arg8[%sub3A_153, %dma_wait3A_154] : memref<160x128xi32, #tpu.memory_space<vmem>> -> memref<1x128xi32, #tpu.memory_space<vmem>>
        %dma_wait3A_156 = tpu.memref_squeeze %dma_wait3A_155 : memref<1x128xi32, #tpu.memory_space<vmem>> -> memref<128xi32, #tpu.memory_space<vmem>>
        %dma_wait3A_157 = arith.constant 0 : i32
        %dma_wait3A_158 = arith.constant 0 : i32
        %dma_wait3A_159 = tpu.memref_slice %arg14[%dma_wait3A_157, %dma_wait3A_158] : memref<10240x64xf32, #tpu.memory_space<vmem_shared>> -> memref<10240x64xf32, #tpu.memory_space<vmem_shared>>
        tpu.wait_indirect_dma semaphore(%arg20 : memref<!tpu.dma_semaphore, #tpu.memory_space<semaphore_mem>>) src(%arg9 : memref<128x64xf32, #tpu.memory_space<vmem>>) dst(%dma_wait3A_159 : memref<10240x64xf32, #tpu.memory_space<vmem_shared>>)
      } else {
      }
      %lt3A = arith.constant 160 : i32
      %lt3A_53 = arith.cmpi slt, %add3A_49, %lt3A : i32
      %convert_element_type3A_54 = arith.extui %lt3A_53 : i1 to i32
      %cond3A_55 = arith.constant 0 : i32
      %cond3A_56 = arith.cmpi ne, %convert_element_type3A_54, %cond3A_55 : i32
      scf.if %cond3A_56 {
        %dma_start3A_152 = arith.constant 0 : i32
        %dma_start3A_153 = tpu.memref_slice %arg7[%add3A_49, %dma_start3A_152] : memref<160x128xi32, #tpu.memory_space<vmem>> -> memref<1x128xi32, #tpu.memory_space<vmem>>
        %dma_start3A_154 = tpu.memref_squeeze %dma_start3A_153 : memref<1x128xi32, #tpu.memory_space<vmem>> -> memref<128xi32, #tpu.memory_space<vmem>>
        %dma_start3A_155 = arith.constant 0 : i32
        %dma_start3A_156 = arith.constant 0 : i32
        %dma_start3A_157 = tpu.memref_slice %arg2[%arg0, %dma_start3A_155, %dma_start3A_156] : memref<2x10000x64xf32, #tpu.memory_space<hbm>> -> memref<1x10000x64xf32, #tpu.memory_space<hbm>>
        %dma_start3A_158 = tpu.memref_squeeze %dma_start3A_157 : memref<1x10000x64xf32, #tpu.memory_space<hbm>> -> memref<10000x64xf32, #tpu.memory_space<hbm>>
        %dma_start3A_159 = arith.constant 0 : i32
        %dma_start3A_160 = arith.constant 0 : i32
        %dma_start3A_161 = tpu.memref_slice %dma_start3A_158[%dma_start3A_159, %dma_start3A_160] : memref<10000x64xf32, #tpu.memory_space<hbm>> -> memref<10000x64xf32, #tpu.memory_space<hbm>>
        tpu.enqueue_indirect_dma source(%dma_start3A_161 : memref<10000x64xf32, #tpu.memory_space<hbm>>) target(%arg9 : memref<128x64xf32, #tpu.memory_space<vmem>>) offsets(%dma_start3A_154 : memref<128xi32, #tpu.memory_space<vmem>>) semaphore(%arg15 : memref<!tpu.dma_semaphore, #tpu.memory_space<semaphore_mem>>)
      } else {
      }
      %ge3A_57 = arith.constant 0 : i32
      %ge3A_58 = arith.cmpi sge, %sub3A_50, %ge3A_57 : i32
      %lt3A_59 = arith.constant 160 : i32
      %lt3A_60 = arith.cmpi slt, %sub3A_50, %lt3A_59 : i32
      %and3A = arith.andi %ge3A_58, %lt3A_60 : i1
      %convert_element_type3A_61 = arith.extui %and3A : i1 to i32
      %cond3A_62 = arith.constant 0 : i32
      %cond3A_63 = arith.cmpi ne, %convert_element_type3A_61, %cond3A_62 : i32
      scf.if %cond3A_63 {
        %dma_wait3A_152 = arith.constant 0 : i32
        %dma_wait3A_153 = tpu.memref_slice %arg7[%sub3A_50, %dma_wait3A_152] : memref<160x128xi32, #tpu.memory_space<vmem>> -> memref<1x128xi32, #tpu.memory_space<vmem>>
        %dma_wait3A_154 = tpu.memref_squeeze %dma_wait3A_153 : memref<1x128xi32, #tpu.memory_space<vmem>> -> memref<128xi32, #tpu.memory_space<vmem>>
        %dma_wait3A_155 = arith.constant 0 : i32
        %dma_wait3A_156 = arith.constant 0 : i32
        %dma_wait3A_157 = tpu.memref_slice %arg2[%arg0, %dma_wait3A_155, %dma_wait3A_156] : memref<2x10000x64xf32, #tpu.memory_space<hbm>> -> memref<1x10000x64xf32, #tpu.memory_space<hbm>>
        %dma_wait3A_158 = tpu.memref_squeeze %dma_wait3A_157 : memref<1x10000x64xf32, #tpu.memory_space<hbm>> -> memref<10000x64xf32, #tpu.memory_space<hbm>>
        %dma_wait3A_159 = arith.constant 0 : i32
        %dma_wait3A_160 = arith.constant 0 : i32
        %dma_wait3A_161 = tpu.memref_slice %dma_wait3A_158[%dma_wait3A_159, %dma_wait3A_160] : memref<10000x64xf32, #tpu.memory_space<hbm>> -> memref<10000x64xf32, #tpu.memory_space<hbm>>
        tpu.wait_indirect_dma semaphore(%arg17 : memref<!tpu.dma_semaphore, #tpu.memory_space<semaphore_mem>>) src(%dma_wait3A_161 : memref<10000x64xf32, #tpu.memory_space<hbm>>) dst(%arg11 : memref<128x64xf32, #tpu.memory_space<vmem>>)
        %dma_start3A_162 = arith.constant 0 : i32
        %dma_start3A_163 = tpu.memref_slice %arg8[%sub3A_50, %dma_start3A_162] : memref<160x128xi32, #tpu.memory_space<vmem>> -> memref<1x128xi32, #tpu.memory_space<vmem>>
        %dma_start3A_164 = tpu.memref_squeeze %dma_start3A_163 : memref<1x128xi32, #tpu.memory_space<vmem>> -> memref<128xi32, #tpu.memory_space<vmem>>
        %dma_start3A_165 = arith.constant 0 : i32
        %dma_start3A_166 = arith.constant 0 : i32
        %dma_start3A_167 = tpu.memref_slice %arg14[%dma_start3A_165, %dma_start3A_166] : memref<10240x64xf32, #tpu.memory_space<vmem_shared>> -> memref<10240x64xf32, #tpu.memory_space<vmem_shared>>
        tpu.enqueue_indirect_dma source(%arg11 : memref<128x64xf32, #tpu.memory_space<vmem>>) target(%dma_start3A_167 : memref<10240x64xf32, #tpu.memory_space<vmem_shared>>) offsets(%dma_start3A_164 : memref<128xi32, #tpu.memory_space<vmem>>) semaphore(%arg22 : memref<!tpu.dma_semaphore, #tpu.memory_space<semaphore_mem>>) {add = true}
      } else {
      }
      %add3A_64 = arith.constant 1 : i32
      %add3A_65 = arith.addi %add3A_47, %add3A_64 : i32
      %sub3A_66 = arith.constant 3 : i32
      %sub3A_67 = arith.subi %add3A_65, %sub3A_66 : i32
      %ge3A_68 = arith.constant 5 : i32
      %ge3A_69 = arith.cmpi sge, %add3A_65, %ge3A_68 : i32
      %convert_element_type3A_70 = arith.extui %ge3A_69 : i1 to i32
      %cond3A_71 = arith.constant 0 : i32
      %cond3A_72 = arith.cmpi ne, %convert_element_type3A_70, %cond3A_71 : i32
      scf.if %cond3A_72 {
        %sub3A_152 = arith.constant 5 : i32
        %sub3A_153 = arith.subi %add3A_65, %sub3A_152 : i32
        %dma_wait3A_154 = arith.constant 0 : i32
        %dma_wait3A_155 = tpu.memref_slice %arg8[%sub3A_153, %dma_wait3A_154] : memref<160x128xi32, #tpu.memory_space<vmem>> -> memref<1x128xi32, #tpu.memory_space<vmem>>
        %dma_wait3A_156 = tpu.memref_squeeze %dma_wait3A_155 : memref<1x128xi32, #tpu.memory_space<vmem>> -> memref<128xi32, #tpu.memory_space<vmem>>
        %dma_wait3A_157 = arith.constant 0 : i32
        %dma_wait3A_158 = arith.constant 0 : i32
        %dma_wait3A_159 = tpu.memref_slice %arg14[%dma_wait3A_157, %dma_wait3A_158] : memref<10240x64xf32, #tpu.memory_space<vmem_shared>> -> memref<10240x64xf32, #tpu.memory_space<vmem_shared>>
        tpu.wait_indirect_dma semaphore(%arg21 : memref<!tpu.dma_semaphore, #tpu.memory_space<semaphore_mem>>) src(%arg10 : memref<128x64xf32, #tpu.memory_space<vmem>>) dst(%dma_wait3A_159 : memref<10240x64xf32, #tpu.memory_space<vmem_shared>>)
      } else {
      }
      %lt3A_73 = arith.constant 160 : i32
      %lt3A_74 = arith.cmpi slt, %add3A_65, %lt3A_73 : i32
      %convert_element_type3A_75 = arith.extui %lt3A_74 : i1 to i32
      %cond3A_76 = arith.constant 0 : i32
      %cond3A_77 = arith.cmpi ne, %convert_element_type3A_75, %cond3A_76 : i32
      scf.if %cond3A_77 {
        %dma_start3A_152 = arith.constant 0 : i32
        %dma_start3A_153 = tpu.memref_slice %arg7[%add3A_65, %dma_start3A_152] : memref<160x128xi32, #tpu.memory_space<vmem>> -> memref<1x128xi32, #tpu.memory_space<vmem>>
        %dma_start3A_154 = tpu.memref_squeeze %dma_start3A_153 : memref<1x128xi32, #tpu.memory_space<vmem>> -> memref<128xi32, #tpu.memory_space<vmem>>
        %dma_start3A_155 = arith.constant 0 : i32
        %dma_start3A_156 = arith.constant 0 : i32
        %dma_start3A_157 = tpu.memref_slice %arg2[%arg0, %dma_start3A_155, %dma_start3A_156] : memref<2x10000x64xf32, #tpu.memory_space<hbm>> -> memref<1x10000x64xf32, #tpu.memory_space<hbm>>
        %dma_start3A_158 = tpu.memref_squeeze %dma_start3A_157 : memref<1x10000x64xf32, #tpu.memory_space<hbm>> -> memref<10000x64xf32, #tpu.memory_space<hbm>>
        %dma_start3A_159 = arith.constant 0 : i32
        %dma_start3A_160 = arith.constant 0 : i32
        %dma_start3A_161 = tpu.memref_slice %dma_start3A_158[%dma_start3A_159, %dma_start3A_160] : memref<10000x64xf32, #tpu.memory_space<hbm>> -> memref<10000x64xf32, #tpu.memory_space<hbm>>
        tpu.enqueue_indirect_dma source(%dma_start3A_161 : memref<10000x64xf32, #tpu.memory_space<hbm>>) target(%arg10 : memref<128x64xf32, #tpu.memory_space<vmem>>) offsets(%dma_start3A_154 : memref<128xi32, #tpu.memory_space<vmem>>) semaphore(%arg16 : memref<!tpu.dma_semaphore, #tpu.memory_space<semaphore_mem>>)
      } else {
      }
      %ge3A_78 = arith.constant 0 : i32
      %ge3A_79 = arith.cmpi sge, %sub3A_67, %ge3A_78 : i32
      %lt3A_80 = arith.constant 160 : i32
      %lt3A_81 = arith.cmpi slt, %sub3A_67, %lt3A_80 : i32
      %and3A_82 = arith.andi %ge3A_79, %lt3A_81 : i1
      %convert_element_type3A_83 = arith.extui %and3A_82 : i1 to i32
      %cond3A_84 = arith.constant 0 : i32
      %cond3A_85 = arith.cmpi ne, %convert_element_type3A_83, %cond3A_84 : i32
      scf.if %cond3A_85 {
        %dma_wait3A_152 = arith.constant 0 : i32
        %dma_wait3A_153 = tpu.memref_slice %arg7[%sub3A_67, %dma_wait3A_152] : memref<160x128xi32, #tpu.memory_space<vmem>> -> memref<1x128xi32, #tpu.memory_space<vmem>>
        %dma_wait3A_154 = tpu.memref_squeeze %dma_wait3A_153 : memref<1x128xi32, #tpu.memory_space<vmem>> -> memref<128xi32, #tpu.memory_space<vmem>>
        %dma_wait3A_155 = arith.constant 0 : i32
        %dma_wait3A_156 = arith.constant 0 : i32
        %dma_wait3A_157 = tpu.memref_slice %arg2[%arg0, %dma_wait3A_155, %dma_wait3A_156] : memref<2x10000x64xf32, #tpu.memory_space<hbm>> -> memref<1x10000x64xf32, #tpu.memory_space<hbm>>
        %dma_wait3A_158 = tpu.memref_squeeze %dma_wait3A_157 : memref<1x10000x64xf32, #tpu.memory_space<hbm>> -> memref<10000x64xf32, #tpu.memory_space<hbm>>
        %dma_wait3A_159 = arith.constant 0 : i32
        %dma_wait3A_160 = arith.constant 0 : i32
        %dma_wait3A_161 = tpu.memref_slice %dma_wait3A_158[%dma_wait3A_159, %dma_wait3A_160] : memref<10000x64xf32, #tpu.memory_space<hbm>> -> memref<10000x64xf32, #tpu.memory_space<hbm>>
        tpu.wait_indirect_dma semaphore(%arg18 : memref<!tpu.dma_semaphore, #tpu.memory_space<semaphore_mem>>) src(%dma_wait3A_161 : memref<10000x64xf32, #tpu.memory_space<hbm>>) dst(%arg12 : memref<128x64xf32, #tpu.memory_space<vmem>>)
        %dma_start3A_162 = arith.constant 0 : i32
        %dma_start3A_163 = tpu.memref_slice %arg8[%sub3A_67, %dma_start3A_162] : memref<160x128xi32, #tpu.memory_space<vmem>> -> memref<1x128xi32, #tpu.memory_space<vmem>>
        %dma_start3A_164 = tpu.memref_squeeze %dma_start3A_163 : memref<1x128xi32, #tpu.memory_space<vmem>> -> memref<128xi32, #tpu.memory_space<vmem>>
        %dma_start3A_165 = arith.constant 0 : i32
        %dma_start3A_166 = arith.constant 0 : i32
        %dma_start3A_167 = tpu.memref_slice %arg14[%dma_start3A_165, %dma_start3A_166] : memref<10240x64xf32, #tpu.memory_space<vmem_shared>> -> memref<10240x64xf32, #tpu.memory_space<vmem_shared>>
        tpu.enqueue_indirect_dma source(%arg12 : memref<128x64xf32, #tpu.memory_space<vmem>>) target(%dma_start3A_167 : memref<10240x64xf32, #tpu.memory_space<vmem_shared>>) offsets(%dma_start3A_164 : memref<128xi32, #tpu.memory_space<vmem>>) semaphore(%arg23 : memref<!tpu.dma_semaphore, #tpu.memory_space<semaphore_mem>>) {add = true}
      } else {
      }
      %add3A_86 = arith.constant 2 : i32
      %add3A_87 = arith.addi %add3A_47, %add3A_86 : i32
      %sub3A_88 = arith.constant 3 : i32
      %sub3A_89 = arith.subi %add3A_87, %sub3A_88 : i32
      %ge3A_90 = arith.constant 5 : i32
      %ge3A_91 = arith.cmpi sge, %add3A_87, %ge3A_90 : i32
      %convert_element_type3A_92 = arith.extui %ge3A_91 : i1 to i32
      %cond3A_93 = arith.constant 0 : i32
      %cond3A_94 = arith.cmpi ne, %convert_element_type3A_92, %cond3A_93 : i32
      scf.if %cond3A_94 {
        %sub3A_152 = arith.constant 5 : i32
        %sub3A_153 = arith.subi %add3A_87, %sub3A_152 : i32
        %dma_wait3A_154 = arith.constant 0 : i32
        %dma_wait3A_155 = tpu.memref_slice %arg8[%sub3A_153, %dma_wait3A_154] : memref<160x128xi32, #tpu.memory_space<vmem>> -> memref<1x128xi32, #tpu.memory_space<vmem>>
        %dma_wait3A_156 = tpu.memref_squeeze %dma_wait3A_155 : memref<1x128xi32, #tpu.memory_space<vmem>> -> memref<128xi32, #tpu.memory_space<vmem>>
        %dma_wait3A_157 = arith.constant 0 : i32
        %dma_wait3A_158 = arith.constant 0 : i32
        %dma_wait3A_159 = tpu.memref_slice %arg14[%dma_wait3A_157, %dma_wait3A_158] : memref<10240x64xf32, #tpu.memory_space<vmem_shared>> -> memref<10240x64xf32, #tpu.memory_space<vmem_shared>>
        tpu.wait_indirect_dma semaphore(%arg22 : memref<!tpu.dma_semaphore, #tpu.memory_space<semaphore_mem>>) src(%arg11 : memref<128x64xf32, #tpu.memory_space<vmem>>) dst(%dma_wait3A_159 : memref<10240x64xf32, #tpu.memory_space<vmem_shared>>)
      } else {
      }
      %lt3A_95 = arith.constant 160 : i32
      %lt3A_96 = arith.cmpi slt, %add3A_87, %lt3A_95 : i32
      %convert_element_type3A_97 = arith.extui %lt3A_96 : i1 to i32
      %cond3A_98 = arith.constant 0 : i32
      %cond3A_99 = arith.cmpi ne, %convert_element_type3A_97, %cond3A_98 : i32
      scf.if %cond3A_99 {
        %dma_start3A_152 = arith.constant 0 : i32
        %dma_start3A_153 = tpu.memref_slice %arg7[%add3A_87, %dma_start3A_152] : memref<160x128xi32, #tpu.memory_space<vmem>> -> memref<1x128xi32, #tpu.memory_space<vmem>>
        %dma_start3A_154 = tpu.memref_squeeze %dma_start3A_153 : memref<1x128xi32, #tpu.memory_space<vmem>> -> memref<128xi32, #tpu.memory_space<vmem>>
        %dma_start3A_155 = arith.constant 0 : i32
        %dma_start3A_156 = arith.constant 0 : i32
        %dma_start3A_157 = tpu.memref_slice %arg2[%arg0, %dma_start3A_155, %dma_start3A_156] : memref<2x10000x64xf32, #tpu.memory_space<hbm>> -> memref<1x10000x64xf32, #tpu.memory_space<hbm>>
        %dma_start3A_158 = tpu.memref_squeeze %dma_start3A_157 : memref<1x10000x64xf32, #tpu.memory_space<hbm>> -> memref<10000x64xf32, #tpu.memory_space<hbm>>
        %dma_start3A_159 = arith.constant 0 : i32
        %dma_start3A_160 = arith.constant 0 : i32
        %dma_start3A_161 = tpu.memref_slice %dma_start3A_158[%dma_start3A_159, %dma_start3A_160] : memref<10000x64xf32, #tpu.memory_space<hbm>> -> memref<10000x64xf32, #tpu.memory_space<hbm>>
        tpu.enqueue_indirect_dma source(%dma_start3A_161 : memref<10000x64xf32, #tpu.memory_space<hbm>>) target(%arg11 : memref<128x64xf32, #tpu.memory_space<vmem>>) offsets(%dma_start3A_154 : memref<128xi32, #tpu.memory_space<vmem>>) semaphore(%arg17 : memref<!tpu.dma_semaphore, #tpu.memory_space<semaphore_mem>>)
      } else {
      }
      %ge3A_100 = arith.constant 0 : i32
      %ge3A_101 = arith.cmpi sge, %sub3A_89, %ge3A_100 : i32
      %lt3A_102 = arith.constant 160 : i32
      %lt3A_103 = arith.cmpi slt, %sub3A_89, %lt3A_102 : i32
      %and3A_104 = arith.andi %ge3A_101, %lt3A_103 : i1
      %convert_element_type3A_105 = arith.extui %and3A_104 : i1 to i32
      %cond3A_106 = arith.constant 0 : i32
      %cond3A_107 = arith.cmpi ne, %convert_element_type3A_105, %cond3A_106 : i32
      scf.if %cond3A_107 {
        %dma_wait3A_152 = arith.constant 0 : i32
        %dma_wait3A_153 = tpu.memref_slice %arg7[%sub3A_89, %dma_wait3A_152] : memref<160x128xi32, #tpu.memory_space<vmem>> -> memref<1x128xi32, #tpu.memory_space<vmem>>
        %dma_wait3A_154 = tpu.memref_squeeze %dma_wait3A_153 : memref<1x128xi32, #tpu.memory_space<vmem>> -> memref<128xi32, #tpu.memory_space<vmem>>
        %dma_wait3A_155 = arith.constant 0 : i32
        %dma_wait3A_156 = arith.constant 0 : i32
        %dma_wait3A_157 = tpu.memref_slice %arg2[%arg0, %dma_wait3A_155, %dma_wait3A_156] : memref<2x10000x64xf32, #tpu.memory_space<hbm>> -> memref<1x10000x64xf32, #tpu.memory_space<hbm>>
        %dma_wait3A_158 = tpu.memref_squeeze %dma_wait3A_157 : memref<1x10000x64xf32, #tpu.memory_space<hbm>> -> memref<10000x64xf32, #tpu.memory_space<hbm>>
        %dma_wait3A_159 = arith.constant 0 : i32
        %dma_wait3A_160 = arith.constant 0 : i32
        %dma_wait3A_161 = tpu.memref_slice %dma_wait3A_158[%dma_wait3A_159, %dma_wait3A_160] : memref<10000x64xf32, #tpu.memory_space<hbm>> -> memref<10000x64xf32, #tpu.memory_space<hbm>>
        tpu.wait_indirect_dma semaphore(%arg19 : memref<!tpu.dma_semaphore, #tpu.memory_space<semaphore_mem>>) src(%dma_wait3A_161 : memref<10000x64xf32, #tpu.memory_space<hbm>>) dst(%arg13 : memref<128x64xf32, #tpu.memory_space<vmem>>)
        %dma_start3A_162 = arith.constant 0 : i32
        %dma_start3A_163 = tpu.memref_slice %arg8[%sub3A_89, %dma_start3A_162] : memref<160x128xi32, #tpu.memory_space<vmem>> -> memref<1x128xi32, #tpu.memory_space<vmem>>
        %dma_start3A_164 = tpu.memref_squeeze %dma_start3A_163 : memref<1x128xi32, #tpu.memory_space<vmem>> -> memref<128xi32, #tpu.memory_space<vmem>>
        %dma_start3A_165 = arith.constant 0 : i32
        %dma_start3A_166 = arith.constant 0 : i32
        %dma_start3A_167 = tpu.memref_slice %arg14[%dma_start3A_165, %dma_start3A_166] : memref<10240x64xf32, #tpu.memory_space<vmem_shared>> -> memref<10240x64xf32, #tpu.memory_space<vmem_shared>>
        tpu.enqueue_indirect_dma source(%arg13 : memref<128x64xf32, #tpu.memory_space<vmem>>) target(%dma_start3A_167 : memref<10240x64xf32, #tpu.memory_space<vmem_shared>>) offsets(%dma_start3A_164 : memref<128xi32, #tpu.memory_space<vmem>>) semaphore(%arg24 : memref<!tpu.dma_semaphore, #tpu.memory_space<semaphore_mem>>) {add = true}
      } else {
      }
      %add3A_108 = arith.constant 3 : i32
      %add3A_109 = arith.addi %add3A_47, %add3A_108 : i32
      %sub3A_110 = arith.constant 3 : i32
      %sub3A_111 = arith.subi %add3A_109, %sub3A_110 : i32
      %ge3A_112 = arith.constant 5 : i32
      %ge3A_113 = arith.cmpi sge, %add3A_109, %ge3A_112 : i32
      %convert_element_type3A_114 = arith.extui %ge3A_113 : i1 to i32
      %cond3A_115 = arith.constant 0 : i32
      %cond3A_116 = arith.cmpi ne, %convert_element_type3A_114, %cond3A_115 : i32
      scf.if %cond3A_116 {
        %sub3A_152 = arith.constant 5 : i32
        %sub3A_153 = arith.subi %add3A_109, %sub3A_152 : i32
        %dma_wait3A_154 = arith.constant 0 : i32
        %dma_wait3A_155 = tpu.memref_slice %arg8[%sub3A_153, %dma_wait3A_154] : memref<160x128xi32, #tpu.memory_space<vmem>> -> memref<1x128xi32, #tpu.memory_space<vmem>>
        %dma_wait3A_156 = tpu.memref_squeeze %dma_wait3A_155 : memref<1x128xi32, #tpu.memory_space<vmem>> -> memref<128xi32, #tpu.memory_space<vmem>>
        %dma_wait3A_157 = arith.constant 0 : i32
        %dma_wait3A_158 = arith.constant 0 : i32
        %dma_wait3A_159 = tpu.memref_slice %arg14[%dma_wait3A_157, %dma_wait3A_158] : memref<10240x64xf32, #tpu.memory_space<vmem_shared>> -> memref<10240x64xf32, #tpu.memory_space<vmem_shared>>
        tpu.wait_indirect_dma semaphore(%arg23 : memref<!tpu.dma_semaphore, #tpu.memory_space<semaphore_mem>>) src(%arg12 : memref<128x64xf32, #tpu.memory_space<vmem>>) dst(%dma_wait3A_159 : memref<10240x64xf32, #tpu.memory_space<vmem_shared>>)
      } else {
      }
      %lt3A_117 = arith.constant 160 : i32
      %lt3A_118 = arith.cmpi slt, %add3A_109, %lt3A_117 : i32
      %convert_element_type3A_119 = arith.extui %lt3A_118 : i1 to i32
      %cond3A_120 = arith.constant 0 : i32
      %cond3A_121 = arith.cmpi ne, %convert_element_type3A_119, %cond3A_120 : i32
      scf.if %cond3A_121 {
        %dma_start3A_152 = arith.constant 0 : i32
        %dma_start3A_153 = tpu.memref_slice %arg7[%add3A_109, %dma_start3A_152] : memref<160x128xi32, #tpu.memory_space<vmem>> -> memref<1x128xi32, #tpu.memory_space<vmem>>
        %dma_start3A_154 = tpu.memref_squeeze %dma_start3A_153 : memref<1x128xi32, #tpu.memory_space<vmem>> -> memref<128xi32, #tpu.memory_space<vmem>>
        %dma_start3A_155 = arith.constant 0 : i32
        %dma_start3A_156 = arith.constant 0 : i32
        %dma_start3A_157 = tpu.memref_slice %arg2[%arg0, %dma_start3A_155, %dma_start3A_156] : memref<2x10000x64xf32, #tpu.memory_space<hbm>> -> memref<1x10000x64xf32, #tpu.memory_space<hbm>>
        %dma_start3A_158 = tpu.memref_squeeze %dma_start3A_157 : memref<1x10000x64xf32, #tpu.memory_space<hbm>> -> memref<10000x64xf32, #tpu.memory_space<hbm>>
        %dma_start3A_159 = arith.constant 0 : i32
        %dma_start3A_160 = arith.constant 0 : i32
        %dma_start3A_161 = tpu.memref_slice %dma_start3A_158[%dma_start3A_159, %dma_start3A_160] : memref<10000x64xf32, #tpu.memory_space<hbm>> -> memref<10000x64xf32, #tpu.memory_space<hbm>>
        tpu.enqueue_indirect_dma source(%dma_start3A_161 : memref<10000x64xf32, #tpu.memory_space<hbm>>) target(%arg12 : memref<128x64xf32, #tpu.memory_space<vmem>>) offsets(%dma_start3A_154 : memref<128xi32, #tpu.memory_space<vmem>>) semaphore(%arg18 : memref<!tpu.dma_semaphore, #tpu.memory_space<semaphore_mem>>)
      } else {
      }
      %ge3A_122 = arith.constant 0 : i32
      %ge3A_123 = arith.cmpi sge, %sub3A_111, %ge3A_122 : i32
      %lt3A_124 = arith.constant 160 : i32
      %lt3A_125 = arith.cmpi slt, %sub3A_111, %lt3A_124 : i32
      %and3A_126 = arith.andi %ge3A_123, %lt3A_125 : i1
      %convert_element_type3A_127 = arith.extui %and3A_126 : i1 to i32
      %cond3A_128 = arith.constant 0 : i32
      %cond3A_129 = arith.cmpi ne, %convert_element_type3A_127, %cond3A_128 : i32
      scf.if %cond3A_129 {
        %dma_wait3A_152 = arith.constant 0 : i32
        %dma_wait3A_153 = tpu.memref_slice %arg7[%sub3A_111, %dma_wait3A_152] : memref<160x128xi32, #tpu.memory_space<vmem>> -> memref<1x128xi32, #tpu.memory_space<vmem>>
        %dma_wait3A_154 = tpu.memref_squeeze %dma_wait3A_153 : memref<1x128xi32, #tpu.memory_space<vmem>> -> memref<128xi32, #tpu.memory_space<vmem>>
        %dma_wait3A_155 = arith.constant 0 : i32
        %dma_wait3A_156 = arith.constant 0 : i32
        %dma_wait3A_157 = tpu.memref_slice %arg2[%arg0, %dma_wait3A_155, %dma_wait3A_156] : memref<2x10000x64xf32, #tpu.memory_space<hbm>> -> memref<1x10000x64xf32, #tpu.memory_space<hbm>>
        %dma_wait3A_158 = tpu.memref_squeeze %dma_wait3A_157 : memref<1x10000x64xf32, #tpu.memory_space<hbm>> -> memref<10000x64xf32, #tpu.memory_space<hbm>>
        %dma_wait3A_159 = arith.constant 0 : i32
        %dma_wait3A_160 = arith.constant 0 : i32
        %dma_wait3A_161 = tpu.memref_slice %dma_wait3A_158[%dma_wait3A_159, %dma_wait3A_160] : memref<10000x64xf32, #tpu.memory_space<hbm>> -> memref<10000x64xf32, #tpu.memory_space<hbm>>
        tpu.wait_indirect_dma semaphore(%arg15 : memref<!tpu.dma_semaphore, #tpu.memory_space<semaphore_mem>>) src(%dma_wait3A_161 : memref<10000x64xf32, #tpu.memory_space<hbm>>) dst(%arg9 : memref<128x64xf32, #tpu.memory_space<vmem>>)
        %dma_start3A_162 = arith.constant 0 : i32
        %dma_start3A_163 = tpu.memref_slice %arg8[%sub3A_111, %dma_start3A_162] : memref<160x128xi32, #tpu.memory_space<vmem>> -> memref<1x128xi32, #tpu.memory_space<vmem>>
        %dma_start3A_164 = tpu.memref_squeeze %dma_start3A_163 : memref<1x128xi32, #tpu.memory_space<vmem>> -> memref<128xi32, #tpu.memory_space<vmem>>
        %dma_start3A_165 = arith.constant 0 : i32
        %dma_start3A_166 = arith.constant 0 : i32
        %dma_start3A_167 = tpu.memref_slice %arg14[%dma_start3A_165, %dma_start3A_166] : memref<10240x64xf32, #tpu.memory_space<vmem_shared>> -> memref<10240x64xf32, #tpu.memory_space<vmem_shared>>
        tpu.enqueue_indirect_dma source(%arg9 : memref<128x64xf32, #tpu.memory_space<vmem>>) target(%dma_start3A_167 : memref<10240x64xf32, #tpu.memory_space<vmem_shared>>) offsets(%dma_start3A_164 : memref<128xi32, #tpu.memory_space<vmem>>) semaphore(%arg20 : memref<!tpu.dma_semaphore, #tpu.memory_space<semaphore_mem>>) {add = true}
      } else {
      }
      %add3A_130 = arith.constant 4 : i32
      %add3A_131 = arith.addi %add3A_47, %add3A_130 : i32
      %sub3A_132 = arith.constant 3 : i32
      %sub3A_133 = arith.subi %add3A_131, %sub3A_132 : i32
      %ge3A_134 = arith.constant 5 : i32
      %ge3A_135 = arith.cmpi sge, %add3A_131, %ge3A_134 : i32
      %convert_element_type3A_136 = arith.extui %ge3A_135 : i1 to i32
      %cond3A_137 = arith.constant 0 : i32
      %cond3A_138 = arith.cmpi ne, %convert_element_type3A_136, %cond3A_137 : i32
      scf.if %cond3A_138 {
        %sub3A_152 = arith.constant 5 : i32
        %sub3A_153 = arith.subi %add3A_131, %sub3A_152 : i32
        %dma_wait3A_154 = arith.constant 0 : i32
        %dma_wait3A_155 = tpu.memref_slice %arg8[%sub3A_153, %dma_wait3A_154] : memref<160x128xi32, #tpu.memory_space<vmem>> -> memref<1x128xi32, #tpu.memory_space<vmem>>
        %dma_wait3A_156 = tpu.memref_squeeze %dma_wait3A_155 : memref<1x128xi32, #tpu.memory_space<vmem>> -> memref<128xi32, #tpu.memory_space<vmem>>
        %dma_wait3A_157 = arith.constant 0 : i32
        %dma_wait3A_158 = arith.constant 0 : i32
        %dma_wait3A_159 = tpu.memref_slice %arg14[%dma_wait3A_157, %dma_wait3A_158] : memref<10240x64xf32, #tpu.memory_space<vmem_shared>> -> memref<10240x64xf32, #tpu.memory_space<vmem_shared>>
        tpu.wait_indirect_dma semaphore(%arg24 : memref<!tpu.dma_semaphore, #tpu.memory_space<semaphore_mem>>) src(%arg13 : memref<128x64xf32, #tpu.memory_space<vmem>>) dst(%dma_wait3A_159 : memref<10240x64xf32, #tpu.memory_space<vmem_shared>>)
      } else {
      }
      %lt3A_139 = arith.constant 160 : i32
      %lt3A_140 = arith.cmpi slt, %add3A_131, %lt3A_139 : i32
      %convert_element_type3A_141 = arith.extui %lt3A_140 : i1 to i32
      %cond3A_142 = arith.constant 0 : i32
      %cond3A_143 = arith.cmpi ne, %convert_element_type3A_141, %cond3A_142 : i32
      scf.if %cond3A_143 {
        %dma_start3A_152 = arith.constant 0 : i32
        %dma_start3A_153 = tpu.memref_slice %arg7[%add3A_131, %dma_start3A_152] : memref<160x128xi32, #tpu.memory_space<vmem>> -> memref<1x128xi32, #tpu.memory_space<vmem>>
        %dma_start3A_154 = tpu.memref_squeeze %dma_start3A_153 : memref<1x128xi32, #tpu.memory_space<vmem>> -> memref<128xi32, #tpu.memory_space<vmem>>
        %dma_start3A_155 = arith.constant 0 : i32
        %dma_start3A_156 = arith.constant 0 : i32
        %dma_start3A_157 = tpu.memref_slice %arg2[%arg0, %dma_start3A_155, %dma_start3A_156] : memref<2x10000x64xf32, #tpu.memory_space<hbm>> -> memref<1x10000x64xf32, #tpu.memory_space<hbm>>
        %dma_start3A_158 = tpu.memref_squeeze %dma_start3A_157 : memref<1x10000x64xf32, #tpu.memory_space<hbm>> -> memref<10000x64xf32, #tpu.memory_space<hbm>>
        %dma_start3A_159 = arith.constant 0 : i32
        %dma_start3A_160 = arith.constant 0 : i32
        %dma_start3A_161 = tpu.memref_slice %dma_start3A_158[%dma_start3A_159, %dma_start3A_160] : memref<10000x64xf32, #tpu.memory_space<hbm>> -> memref<10000x64xf32, #tpu.memory_space<hbm>>
        tpu.enqueue_indirect_dma source(%dma_start3A_161 : memref<10000x64xf32, #tpu.memory_space<hbm>>) target(%arg13 : memref<128x64xf32, #tpu.memory_space<vmem>>) offsets(%dma_start3A_154 : memref<128xi32, #tpu.memory_space<vmem>>) semaphore(%arg19 : memref<!tpu.dma_semaphore, #tpu.memory_space<semaphore_mem>>)
      } else {
      }
      %ge3A_144 = arith.constant 0 : i32
      %ge3A_145 = arith.cmpi sge, %sub3A_133, %ge3A_144 : i32
      %lt3A_146 = arith.constant 160 : i32
      %lt3A_147 = arith.cmpi slt, %sub3A_133, %lt3A_146 : i32
      %and3A_148 = arith.andi %ge3A_145, %lt3A_147 : i1
      %convert_element_type3A_149 = arith.extui %and3A_148 : i1 to i32
      %cond3A_150 = arith.constant 0 : i32
      %cond3A_151 = arith.cmpi ne, %convert_element_type3A_149, %cond3A_150 : i32
      scf.if %cond3A_151 {
        %dma_wait3A_152 = arith.constant 0 : i32
        %dma_wait3A_153 = tpu.memref_slice %arg7[%sub3A_133, %dma_wait3A_152] : memref<160x128xi32, #tpu.memory_space<vmem>> -> memref<1x128xi32, #tpu.memory_space<vmem>>
        %dma_wait3A_154 = tpu.memref_squeeze %dma_wait3A_153 : memref<1x128xi32, #tpu.memory_space<vmem>> -> memref<128xi32, #tpu.memory_space<vmem>>
        %dma_wait3A_155 = arith.constant 0 : i32
        %dma_wait3A_156 = arith.constant 0 : i32
        %dma_wait3A_157 = tpu.memref_slice %arg2[%arg0, %dma_wait3A_155, %dma_wait3A_156] : memref<2x10000x64xf32, #tpu.memory_space<hbm>> -> memref<1x10000x64xf32, #tpu.memory_space<hbm>>
        %dma_wait3A_158 = tpu.memref_squeeze %dma_wait3A_157 : memref<1x10000x64xf32, #tpu.memory_space<hbm>> -> memref<10000x64xf32, #tpu.memory_space<hbm>>
        %dma_wait3A_159 = arith.constant 0 : i32
        %dma_wait3A_160 = arith.constant 0 : i32
        %dma_wait3A_161 = tpu.memref_slice %dma_wait3A_158[%dma_wait3A_159, %dma_wait3A_160] : memref<10000x64xf32, #tpu.memory_space<hbm>> -> memref<10000x64xf32, #tpu.memory_space<hbm>>
        tpu.wait_indirect_dma semaphore(%arg16 : memref<!tpu.dma_semaphore, #tpu.memory_space<semaphore_mem>>) src(%dma_wait3A_161 : memref<10000x64xf32, #tpu.memory_space<hbm>>) dst(%arg10 : memref<128x64xf32, #tpu.memory_space<vmem>>)
        %dma_start3A_162 = arith.constant 0 : i32
        %dma_start3A_163 = tpu.memref_slice %arg8[%sub3A_133, %dma_start3A_162] : memref<160x128xi32, #tpu.memory_space<vmem>> -> memref<1x128xi32, #tpu.memory_space<vmem>>
        %dma_start3A_164 = tpu.memref_squeeze %dma_start3A_163 : memref<1x128xi32, #tpu.memory_space<vmem>> -> memref<128xi32, #tpu.memory_space<vmem>>
        %dma_start3A_165 = arith.constant 0 : i32
        %dma_start3A_166 = arith.constant 0 : i32
        %dma_start3A_167 = tpu.memref_slice %arg14[%dma_start3A_165, %dma_start3A_166] : memref<10240x64xf32, #tpu.memory_space<vmem_shared>> -> memref<10240x64xf32, #tpu.memory_space<vmem_shared>>
        tpu.enqueue_indirect_dma source(%arg10 : memref<128x64xf32, #tpu.memory_space<vmem>>) target(%dma_start3A_167 : memref<10240x64xf32, #tpu.memory_space<vmem_shared>>) offsets(%dma_start3A_164 : memref<128xi32, #tpu.memory_space<vmem>>) semaphore(%arg21 : memref<!tpu.dma_semaphore, #tpu.memory_space<semaphore_mem>>) {add = true}
      } else {
      }
    }
    %scan3A_38 = arith.constant 33 : i32
    %barrier3A_39 = arith.constant 0 : index
    tpu.barrier barrier_id(%barrier3A_39)
    %scan3A_40 = arith.constant 0 : i32
    %scan3A_41 = arith.constant 5 : i32
    %scan3A_42 = arith.addi %scan3A_40, %scan3A_41 : i32
    %scan3A_43 = arith.constant 1 : i32
    scf.for %scan3A_45 = %scan3A_40 to %scan3A_42 step %scan3A_43  : i32 {
      %mul3A = arith.constant 1 : i32
      %mul3A_46 = arith.muli %scan3A_45, %mul3A : i32
      %add3A = arith.constant 0 : i32
      %add3A_47 = arith.addi %add3A, %mul3A_46 : i32
      %mul3A_48 = arith.constant 640 : i32
      %mul3A_49 = arith.muli %arg1, %mul3A_48 : i32
      %mul3A_50 = arith.constant 128 : i32
      %mul3A_51 = arith.muli %add3A_47, %mul3A_50 : i32
      %add3A_52 = arith.addi %mul3A_49, %mul3A_51 : i32
      %mul3A_53 = arith.constant 640 : i32
      %mul3A_54 = arith.muli %arg1, %mul3A_53 : i32
      %mul3A_55 = arith.constant 128 : i32
      %mul3A_56 = arith.muli %add3A_47, %mul3A_55 : i32
      %add3A_57 = arith.addi %mul3A_54, %mul3A_56 : i32
      "tpu.region"() ({
        %run_scoped3A = tpu.sem_alloc : memref<!tpu.dma_semaphore, #tpu.memory_space<semaphore_mem>>
        %dma_start3A_58 = arith.constant 0 : i32
        %dma_start3A_59 = tpu.memref_slice %arg6[%arg0, %add3A_57, %dma_start3A_58] : memref<2x10240x64xf32, #tpu.memory_space<hbm>> -> memref<1x128x64xf32, #tpu.memory_space<hbm>>
        %dma_start3A_60 = tpu.memref_squeeze %dma_start3A_59 : memref<1x128x64xf32, #tpu.memory_space<hbm>> -> memref<128x64xf32, #tpu.memory_space<hbm>>
        %dma_start3A_61 = arith.constant 0 : i32
        %dma_start3A_62 = tpu.memref_slice %arg14[%add3A_52, %dma_start3A_61] : memref<10240x64xf32, #tpu.memory_space<vmem_shared>> -> memref<128x64xf32, #tpu.memory_space<vmem_shared>>
        tpu.enqueue_dma source(%dma_start3A_62 : memref<128x64xf32, #tpu.memory_space<vmem_shared>>) target(%dma_start3A_60 : memref<128x64xf32, #tpu.memory_space<hbm>>) target_semaphore(%run_scoped3A : memref<!tpu.dma_semaphore, #tpu.memory_space<semaphore_mem>>)
        %dma_wait3A_63 = arith.constant 0 : i32
        %dma_wait3A_64 = tpu.memref_slice %arg6[%arg0, %add3A_57, %dma_wait3A_63] : memref<2x10240x64xf32, #tpu.memory_space<hbm>> -> memref<1x128x64xf32, #tpu.memory_space<hbm>>
        %dma_wait3A_65 = tpu.memref_squeeze %dma_wait3A_64 : memref<1x128x64xf32, #tpu.memory_space<hbm>> -> memref<128x64xf32, #tpu.memory_space<hbm>>
        %dma_wait3A_66 = arith.constant 0 : i32
        %dma_wait3A_67 = tpu.memref_slice %arg14[%add3A_52, %dma_wait3A_66] : memref<10240x64xf32, #tpu.memory_space<vmem_shared>> -> memref<128x64xf32, #tpu.memory_space<vmem_shared>>
        tpu.wait_dma2 semaphore(%run_scoped3A : memref<!tpu.dma_semaphore, #tpu.memory_space<semaphore_mem>>) src(%dma_wait3A_67 : memref<128x64xf32, #tpu.memory_space<vmem_shared>>) dst(%dma_wait3A_65 : memref<128x64xf32, #tpu.memory_space<hbm>>)
        tpu.yield
      }) : () -> ()
    }
    %scan3A_44 = arith.constant 5 : i32
    return
  }
}

#map = affine_map<(d0, d1) -> (0, 0, 0)>
#map1 = affine_map<(d0, d1) -> (0, 0)>
module attributes {stable_mosaic.version = 14 : i64} {
  func.func @_sc_agg(%arg0: i32, %arg1: i32, %arg2: memref<2x10000x64xf32, #tpu.memory_space<hbm>>, %arg3: memref<16x160x128xi32, #tpu.memory_space<hbm>>, %arg4: memref<16x160x128xi32, #tpu.memory_space<hbm>>, %arg5: memref<128x64xf32, #tpu.memory_space<hbm>>, %arg6: memref<2x10240x64xf32, #tpu.memory_space<hbm>>, %arg7: memref<160x128xi32, #tpu.memory_space<vmem>>, %arg8: memref<160x128xi32, #tpu.memory_space<vmem>>, %arg9: memref<128x64xf32, #tpu.memory_space<vmem>>, %arg10: memref<128x64xf32, #tpu.memory_space<vmem>>, %arg11: memref<128x64xf32, #tpu.memory_space<vmem>>, %arg12: memref<128x64xf32, #tpu.memory_space<vmem>>, %arg13: memref<128x64xf32, #tpu.memory_space<vmem>>, %arg14: memref<10240x64xf32, #tpu.memory_space<vmem_shared>>, %arg15: memref<!tpu.dma_semaphore, #tpu.memory_space<semaphore_mem>>, %arg16: memref<!tpu.dma_semaphore, #tpu.memory_space<semaphore_mem>>, %arg17: memref<!tpu.dma_semaphore, #tpu.memory_space<semaphore_mem>>, %arg18: memref<!tpu.dma_semaphore, #tpu.memory_space<semaphore_mem>>, %arg19: memref<!tpu.dma_semaphore, #tpu.memory_space<semaphore_mem>>, %arg20: memref<!tpu.dma_semaphore, #tpu.memory_space<semaphore_mem>>, %arg21: memref<!tpu.dma_semaphore, #tpu.memory_space<semaphore_mem>>, %arg22: memref<!tpu.dma_semaphore, #tpu.memory_space<semaphore_mem>>, %arg23: memref<!tpu.dma_semaphore, #tpu.memory_space<semaphore_mem>>, %arg24: memref<!tpu.dma_semaphore, #tpu.memory_space<semaphore_mem>>, %arg25: memref<!tpu.dma_semaphore, #tpu.memory_space<semaphore_mem>>) attributes {dimension_semantics = [#tpu.dimension_semantics<core_parallel>, #tpu.dimension_semantics<subcore_parallel>], iteration_bounds = array<i64: 2, 16>, scalar_prefetch = 0 : i64, scratch_operands = 19 : i64, tpu.core_type = #tpu.core_type<sc_vector_subcore>, window_params = [{transform_indices = #map}, {transform_indices = #map}, {transform_indices = #map}, {transform_indices = #map1}, {transform_indices = #map}]} {
    %dma_start3A = arith.constant 0 : i32
    %dma_start3A_0 = arith.constant 0 : i32
    %dma_start3A_1 = tpu.memref_slice %arg3[%arg1, %dma_start3A, %dma_start3A_0] : memref<16x160x128xi32, #tpu.memory_space<hbm>> -> memref<1x160x128xi32, #tpu.memory_space<hbm>>
    %dma_start3A_2 = tpu.memref_squeeze %dma_start3A_1 : memref<1x160x128xi32, #tpu.memory_space<hbm>> -> memref<160x128xi32, #tpu.memory_space<hbm>>
    %dma_start3A_3 = arith.constant 0 : i32
    %dma_start3A_4 = arith.constant 0 : i32
    %dma_start3A_5 = tpu.memref_slice %arg3[%arg1, %dma_start3A_3, %dma_start3A_4] : memref<16x160x128xi32, #tpu.memory_space<hbm>> -> memref<1x160x128xi32, #tpu.memory_space<hbm>>
    %dma_start3A_6 = tpu.memref_squeeze %dma_start3A_5 : memref<1x160x128xi32, #tpu.memory_space<hbm>> -> memref<160x128xi32, #tpu.memory_space<hbm>>
    tpu.enqueue_dma source(%dma_start3A_6 : memref<160x128xi32, #tpu.memory_space<hbm>>) target(%arg7 : memref<160x128xi32, #tpu.memory_space<vmem>>) target_semaphore(%arg25 : memref<!tpu.dma_semaphore, #tpu.memory_space<semaphore_mem>>)
    %dma_wait3A = arith.constant 0 : i32
    %dma_wait3A_7 = arith.constant 0 : i32
    %dma_wait3A_8 = tpu.memref_slice %arg3[%arg1, %dma_wait3A, %dma_wait3A_7] : memref<16x160x128xi32, #tpu.memory_space<hbm>> -> memref<1x160x128xi32, #tpu.memory_space<hbm>>
    %dma_wait3A_9 = tpu.memref_squeeze %dma_wait3A_8 : memref<1x160x128xi32, #tpu.memory_space<hbm>> -> memref<160x128xi32, #tpu.memory_space<hbm>>
    %dma_wait3A_10 = arith.constant 0 : i32
    %dma_wait3A_11 = arith.constant 0 : i32
    %dma_wait3A_12 = tpu.memref_slice %arg3[%arg1, %dma_wait3A_10, %dma_wait3A_11] : memref<16x160x128xi32, #tpu.memory_space<hbm>> -> memref<1x160x128xi32, #tpu.memory_space<hbm>>
    %dma_wait3A_13 = tpu.memref_squeeze %dma_wait3A_12 : memref<1x160x128xi32, #tpu.memory_space<hbm>> -> memref<160x128xi32, #tpu.memory_space<hbm>>
    tpu.wait_dma2 semaphore(%arg25 : memref<!tpu.dma_semaphore, #tpu.memory_space<semaphore_mem>>) src(%dma_wait3A_13 : memref<160x128xi32, #tpu.memory_space<hbm>>) dst(%arg7 : memref<160x128xi32, #tpu.memory_space<vmem>>)
    %dma_start3A_14 = arith.constant 0 : i32
    %dma_start3A_15 = arith.constant 0 : i32
    %dma_start3A_16 = tpu.memref_slice %arg4[%arg1, %dma_start3A_14, %dma_start3A_15] : memref<16x160x128xi32, #tpu.memory_space<hbm>> -> memref<1x160x128xi32, #tpu.memory_space<hbm>>
    %dma_start3A_17 = tpu.memref_squeeze %dma_start3A_16 : memref<1x160x128xi32, #tpu.memory_space<hbm>> -> memref<160x128xi32, #tpu.memory_space<hbm>>
    %dma_start3A_18 = arith.constant 0 : i32
    %dma_start3A_19 = arith.constant 0 : i32
    %dma_start3A_20 = tpu.memref_slice %arg4[%arg1, %dma_start3A_18, %dma_start3A_19] : memref<16x160x128xi32, #tpu.memory_space<hbm>> -> memref<1x160x128xi32, #tpu.memory_space<hbm>>
    %dma_start3A_21 = tpu.memref_squeeze %dma_start3A_20 : memref<1x160x128xi32, #tpu.memory_space<hbm>> -> memref<160x128xi32, #tpu.memory_space<hbm>>
    tpu.enqueue_dma source(%dma_start3A_21 : memref<160x128xi32, #tpu.memory_space<hbm>>) target(%arg8 : memref<160x128xi32, #tpu.memory_space<vmem>>) target_semaphore(%arg25 : memref<!tpu.dma_semaphore, #tpu.memory_space<semaphore_mem>>)
    %dma_wait3A_22 = arith.constant 0 : i32
    %dma_wait3A_23 = arith.constant 0 : i32
    %dma_wait3A_24 = tpu.memref_slice %arg4[%arg1, %dma_wait3A_22, %dma_wait3A_23] : memref<16x160x128xi32, #tpu.memory_space<hbm>> -> memref<1x160x128xi32, #tpu.memory_space<hbm>>
    %dma_wait3A_25 = tpu.memref_squeeze %dma_wait3A_24 : memref<1x160x128xi32, #tpu.memory_space<hbm>> -> memref<160x128xi32, #tpu.memory_space<hbm>>
    %dma_wait3A_26 = arith.constant 0 : i32
    %dma_wait3A_27 = arith.constant 0 : i32
    %dma_wait3A_28 = tpu.memref_slice %arg4[%arg1, %dma_wait3A_26, %dma_wait3A_27] : memref<16x160x128xi32, #tpu.memory_space<hbm>> -> memref<1x160x128xi32, #tpu.memory_space<hbm>>
    %dma_wait3A_29 = tpu.memref_squeeze %dma_wait3A_28 : memref<1x160x128xi32, #tpu.memory_space<hbm>> -> memref<160x128xi32, #tpu.memory_space<hbm>>
    tpu.wait_dma2 semaphore(%arg25 : memref<!tpu.dma_semaphore, #tpu.memory_space<semaphore_mem>>) src(%dma_wait3A_29 : memref<160x128xi32, #tpu.memory_space<hbm>>) dst(%arg8 : memref<160x128xi32, #tpu.memory_space<vmem>>)
    tpu.enqueue_dma source(%arg5 : memref<128x64xf32, #tpu.memory_space<hbm>>) target(%arg9 : memref<128x64xf32, #tpu.memory_space<vmem>>) target_semaphore(%arg25 : memref<!tpu.dma_semaphore, #tpu.memory_space<semaphore_mem>>)
    tpu.wait_dma2 semaphore(%arg25 : memref<!tpu.dma_semaphore, #tpu.memory_space<semaphore_mem>>) src(%arg5 : memref<128x64xf32, #tpu.memory_space<hbm>>) dst(%arg9 : memref<128x64xf32, #tpu.memory_space<vmem>>)
    %scan3A = arith.constant 0 : i32
    %scan3A_30 = arith.constant 5 : i32
    %scan3A_31 = arith.addi %scan3A, %scan3A_30 : i32
    %scan3A_32 = arith.constant 1 : i32
    scf.for %scan3A_45 = %scan3A to %scan3A_31 step %scan3A_32  : i32 {
      %mul3A = arith.constant 1 : i32
      %mul3A_46 = arith.muli %scan3A_45, %mul3A : i32
      %add3A = arith.constant 0 : i32
      %add3A_47 = arith.addi %add3A, %mul3A_46 : i32
      %mul3A_48 = arith.constant 640 : i32
      %mul3A_49 = arith.muli %arg1, %mul3A_48 : i32
      %mul3A_50 = arith.constant 128 : i32
      %mul3A_51 = arith.muli %add3A_47, %mul3A_50 : i32
      %add3A_52 = arith.addi %mul3A_49, %mul3A_51 : i32
      "tpu.region"() ({
        %run_scoped3A = tpu.sem_alloc : memref<!tpu.dma_semaphore, #tpu.memory_space<semaphore_mem>>
        %dma_start3A_53 = arith.constant 0 : i32
        %dma_start3A_54 = tpu.memref_slice %arg14[%add3A_52, %dma_start3A_53] : memref<10240x64xf32, #tpu.memory_space<vmem_shared>> -> memref<128x64xf32, #tpu.memory_space<vmem_shared>>
        %dma_start3A_55 = arith.constant 0 : i32
        %dma_start3A_56 = tpu.memref_slice %arg14[%add3A_52, %dma_start3A_55] : memref<10240x64xf32, #tpu.memory_space<vmem_shared>> -> memref<128x64xf32, #tpu.memory_space<vmem_shared>>
        tpu.enqueue_dma source(%arg9 : memref<128x64xf32, #tpu.memory_space<vmem>>) target(%dma_start3A_56 : memref<128x64xf32, #tpu.memory_space<vmem_shared>>) target_semaphore(%run_scoped3A : memref<!tpu.dma_semaphore, #tpu.memory_space<semaphore_mem>>)
        %dma_wait3A_57 = arith.constant 0 : i32
        %dma_wait3A_58 = tpu.memref_slice %arg14[%add3A_52, %dma_wait3A_57] : memref<10240x64xf32, #tpu.memory_space<vmem_shared>> -> memref<128x64xf32, #tpu.memory_space<vmem_shared>>
        %dma_wait3A_59 = arith.constant 0 : i32
        %dma_wait3A_60 = tpu.memref_slice %arg14[%add3A_52, %dma_wait3A_59] : memref<10240x64xf32, #tpu.memory_space<vmem_shared>> -> memref<128x64xf32, #tpu.memory_space<vmem_shared>>
        tpu.wait_dma2 semaphore(%run_scoped3A : memref<!tpu.dma_semaphore, #tpu.memory_space<semaphore_mem>>) src(%arg9 : memref<128x64xf32, #tpu.memory_space<vmem>>) dst(%dma_wait3A_60 : memref<128x64xf32, #tpu.memory_space<vmem_shared>>)
        tpu.yield
      }) : () -> ()
    }
    %scan3A_33 = arith.constant 5 : i32
    %barrier3A = arith.constant 0 : index
    tpu.barrier barrier_id(%barrier3A)
    %scan3A_34 = arith.constant 0 : i32
    %scan3A_35 = arith.constant 33 : i32
    %scan3A_36 = arith.addi %scan3A_34, %scan3A_35 : i32
    %scan3A_37 = arith.constant 1 : i32
    scf.for %scan3A_45 = %scan3A_34 to %scan3A_36 step %scan3A_37  : i32 {
      %mul3A = arith.constant 5 : i32
      %mul3A_46 = arith.muli %scan3A_45, %mul3A : i32
      %add3A = arith.constant 0 : i32
      %add3A_47 = arith.addi %add3A, %mul3A_46 : i32
      %add3A_48 = arith.constant 0 : i32
      %add3A_49 = arith.addi %add3A_47, %add3A_48 : i32
      %sub3A = arith.constant 3 : i32
      %sub3A_50 = arith.subi %add3A_49, %sub3A : i32
      %ge3A = arith.constant 5 : i32
      %ge3A_51 = arith.cmpi sge, %add3A_49, %ge3A : i32
      %convert_element_type3A = arith.extui %ge3A_51 : i1 to i32
      %cond3A = arith.constant 0 : i32
      %cond3A_52 = arith.cmpi ne, %convert_element_type3A, %cond3A : i32
      scf.if %cond3A_52 {
        %sub3A_152 = arith.constant 5 : i32
        %sub3A_153 = arith.subi %add3A_49, %sub3A_152 : i32
        %dma_wait3A_154 = arith.constant 0 : i32
        %dma_wait3A_155 = tpu.memref_slice %arg8[%sub3A_153, %dma_wait3A_154] : memref<160x128xi32, #tpu.memory_space<vmem>> -> memref<1x128xi32, #tpu.memory_space<vmem>>
        %dma_wait3A_156 = tpu.memref_squeeze %dma_wait3A_155 : memref<1x128xi32, #tpu.memory_space<vmem>> -> memref<128xi32, #tpu.memory_space<vmem>>
        %dma_wait3A_157 = arith.constant 0 : i32
        %dma_wait3A_158 = arith.constant 0 : i32
        %dma_wait3A_159 = tpu.memref_slice %arg14[%dma_wait3A_157, %dma_wait3A_158] : memref<10240x64xf32, #tpu.memory_space<vmem_shared>> -> memref<10240x64xf32, #tpu.memory_space<vmem_shared>>
        tpu.wait_indirect_dma semaphore(%arg20 : memref<!tpu.dma_semaphore, #tpu.memory_space<semaphore_mem>>) src(%arg9 : memref<128x64xf32, #tpu.memory_space<vmem>>) dst(%dma_wait3A_159 : memref<10240x64xf32, #tpu.memory_space<vmem_shared>>)
      } else {
      }
      %lt3A = arith.constant 160 : i32
      %lt3A_53 = arith.cmpi slt, %add3A_49, %lt3A : i32
      %convert_element_type3A_54 = arith.extui %lt3A_53 : i1 to i32
      %cond3A_55 = arith.constant 0 : i32
      %cond3A_56 = arith.cmpi ne, %convert_element_type3A_54, %cond3A_55 : i32
      scf.if %cond3A_56 {
        %dma_start3A_152 = arith.constant 0 : i32
        %dma_start3A_153 = tpu.memref_slice %arg7[%add3A_49, %dma_start3A_152] : memref<160x128xi32, #tpu.memory_space<vmem>> -> memref<1x128xi32, #tpu.memory_space<vmem>>
        %dma_start3A_154 = tpu.memref_squeeze %dma_start3A_153 : memref<1x128xi32, #tpu.memory_space<vmem>> -> memref<128xi32, #tpu.memory_space<vmem>>
        %dma_start3A_155 = arith.constant 0 : i32
        %dma_start3A_156 = arith.constant 0 : i32
        %dma_start3A_157 = tpu.memref_slice %arg2[%arg0, %dma_start3A_155, %dma_start3A_156] : memref<2x10000x64xf32, #tpu.memory_space<hbm>> -> memref<1x10000x64xf32, #tpu.memory_space<hbm>>
        %dma_start3A_158 = tpu.memref_squeeze %dma_start3A_157 : memref<1x10000x64xf32, #tpu.memory_space<hbm>> -> memref<10000x64xf32, #tpu.memory_space<hbm>>
        %dma_start3A_159 = arith.constant 0 : i32
        %dma_start3A_160 = arith.constant 0 : i32
        %dma_start3A_161 = tpu.memref_slice %dma_start3A_158[%dma_start3A_159, %dma_start3A_160] : memref<10000x64xf32, #tpu.memory_space<hbm>> -> memref<10000x64xf32, #tpu.memory_space<hbm>>
        tpu.enqueue_indirect_dma source(%dma_start3A_161 : memref<10000x64xf32, #tpu.memory_space<hbm>>) target(%arg9 : memref<128x64xf32, #tpu.memory_space<vmem>>) offsets(%dma_start3A_154 : memref<128xi32, #tpu.memory_space<vmem>>) semaphore(%arg15 : memref<!tpu.dma_semaphore, #tpu.memory_space<semaphore_mem>>)
      } else {
      }
      %ge3A_57 = arith.constant 0 : i32
      %ge3A_58 = arith.cmpi sge, %sub3A_50, %ge3A_57 : i32
      %lt3A_59 = arith.constant 160 : i32
      %lt3A_60 = arith.cmpi slt, %sub3A_50, %lt3A_59 : i32
      %and3A = arith.andi %ge3A_58, %lt3A_60 : i1
      %convert_element_type3A_61 = arith.extui %and3A : i1 to i32
      %cond3A_62 = arith.constant 0 : i32
      %cond3A_63 = arith.cmpi ne, %convert_element_type3A_61, %cond3A_62 : i32
      scf.if %cond3A_63 {
        %dma_wait3A_152 = arith.constant 0 : i32
        %dma_wait3A_153 = tpu.memref_slice %arg7[%sub3A_50, %dma_wait3A_152] : memref<160x128xi32, #tpu.memory_space<vmem>> -> memref<1x128xi32, #tpu.memory_space<vmem>>
        %dma_wait3A_154 = tpu.memref_squeeze %dma_wait3A_153 : memref<1x128xi32, #tpu.memory_space<vmem>> -> memref<128xi32, #tpu.memory_space<vmem>>
        %dma_wait3A_155 = arith.constant 0 : i32
        %dma_wait3A_156 = arith.constant 0 : i32
        %dma_wait3A_157 = tpu.memref_slice %arg2[%arg0, %dma_wait3A_155, %dma_wait3A_156] : memref<2x10000x64xf32, #tpu.memory_space<hbm>> -> memref<1x10000x64xf32, #tpu.memory_space<hbm>>
        %dma_wait3A_158 = tpu.memref_squeeze %dma_wait3A_157 : memref<1x10000x64xf32, #tpu.memory_space<hbm>> -> memref<10000x64xf32, #tpu.memory_space<hbm>>
        %dma_wait3A_159 = arith.constant 0 : i32
        %dma_wait3A_160 = arith.constant 0 : i32
        %dma_wait3A_161 = tpu.memref_slice %dma_wait3A_158[%dma_wait3A_159, %dma_wait3A_160] : memref<10000x64xf32, #tpu.memory_space<hbm>> -> memref<10000x64xf32, #tpu.memory_space<hbm>>
        tpu.wait_indirect_dma semaphore(%arg17 : memref<!tpu.dma_semaphore, #tpu.memory_space<semaphore_mem>>) src(%dma_wait3A_161 : memref<10000x64xf32, #tpu.memory_space<hbm>>) dst(%arg11 : memref<128x64xf32, #tpu.memory_space<vmem>>)
        %dma_start3A_162 = arith.constant 0 : i32
        %dma_start3A_163 = tpu.memref_slice %arg8[%sub3A_50, %dma_start3A_162] : memref<160x128xi32, #tpu.memory_space<vmem>> -> memref<1x128xi32, #tpu.memory_space<vmem>>
        %dma_start3A_164 = tpu.memref_squeeze %dma_start3A_163 : memref<1x128xi32, #tpu.memory_space<vmem>> -> memref<128xi32, #tpu.memory_space<vmem>>
        %dma_start3A_165 = arith.constant 0 : i32
        %dma_start3A_166 = arith.constant 0 : i32
        %dma_start3A_167 = tpu.memref_slice %arg14[%dma_start3A_165, %dma_start3A_166] : memref<10240x64xf32, #tpu.memory_space<vmem_shared>> -> memref<10240x64xf32, #tpu.memory_space<vmem_shared>>
        tpu.enqueue_indirect_dma source(%arg11 : memref<128x64xf32, #tpu.memory_space<vmem>>) target(%dma_start3A_167 : memref<10240x64xf32, #tpu.memory_space<vmem_shared>>) offsets(%dma_start3A_164 : memref<128xi32, #tpu.memory_space<vmem>>) semaphore(%arg22 : memref<!tpu.dma_semaphore, #tpu.memory_space<semaphore_mem>>) {add = true}
      } else {
      }
      %add3A_64 = arith.constant 1 : i32
      %add3A_65 = arith.addi %add3A_47, %add3A_64 : i32
      %sub3A_66 = arith.constant 3 : i32
      %sub3A_67 = arith.subi %add3A_65, %sub3A_66 : i32
      %ge3A_68 = arith.constant 5 : i32
      %ge3A_69 = arith.cmpi sge, %add3A_65, %ge3A_68 : i32
      %convert_element_type3A_70 = arith.extui %ge3A_69 : i1 to i32
      %cond3A_71 = arith.constant 0 : i32
      %cond3A_72 = arith.cmpi ne, %convert_element_type3A_70, %cond3A_71 : i32
      scf.if %cond3A_72 {
        %sub3A_152 = arith.constant 5 : i32
        %sub3A_153 = arith.subi %add3A_65, %sub3A_152 : i32
        %dma_wait3A_154 = arith.constant 0 : i32
        %dma_wait3A_155 = tpu.memref_slice %arg8[%sub3A_153, %dma_wait3A_154] : memref<160x128xi32, #tpu.memory_space<vmem>> -> memref<1x128xi32, #tpu.memory_space<vmem>>
        %dma_wait3A_156 = tpu.memref_squeeze %dma_wait3A_155 : memref<1x128xi32, #tpu.memory_space<vmem>> -> memref<128xi32, #tpu.memory_space<vmem>>
        %dma_wait3A_157 = arith.constant 0 : i32
        %dma_wait3A_158 = arith.constant 0 : i32
        %dma_wait3A_159 = tpu.memref_slice %arg14[%dma_wait3A_157, %dma_wait3A_158] : memref<10240x64xf32, #tpu.memory_space<vmem_shared>> -> memref<10240x64xf32, #tpu.memory_space<vmem_shared>>
        tpu.wait_indirect_dma semaphore(%arg21 : memref<!tpu.dma_semaphore, #tpu.memory_space<semaphore_mem>>) src(%arg10 : memref<128x64xf32, #tpu.memory_space<vmem>>) dst(%dma_wait3A_159 : memref<10240x64xf32, #tpu.memory_space<vmem_shared>>)
      } else {
      }
      %lt3A_73 = arith.constant 160 : i32
      %lt3A_74 = arith.cmpi slt, %add3A_65, %lt3A_73 : i32
      %convert_element_type3A_75 = arith.extui %lt3A_74 : i1 to i32
      %cond3A_76 = arith.constant 0 : i32
      %cond3A_77 = arith.cmpi ne, %convert_element_type3A_75, %cond3A_76 : i32
      scf.if %cond3A_77 {
        %dma_start3A_152 = arith.constant 0 : i32
        %dma_start3A_153 = tpu.memref_slice %arg7[%add3A_65, %dma_start3A_152] : memref<160x128xi32, #tpu.memory_space<vmem>> -> memref<1x128xi32, #tpu.memory_space<vmem>>
        %dma_start3A_154 = tpu.memref_squeeze %dma_start3A_153 : memref<1x128xi32, #tpu.memory_space<vmem>> -> memref<128xi32, #tpu.memory_space<vmem>>
        %dma_start3A_155 = arith.constant 0 : i32
        %dma_start3A_156 = arith.constant 0 : i32
        %dma_start3A_157 = tpu.memref_slice %arg2[%arg0, %dma_start3A_155, %dma_start3A_156] : memref<2x10000x64xf32, #tpu.memory_space<hbm>> -> memref<1x10000x64xf32, #tpu.memory_space<hbm>>
        %dma_start3A_158 = tpu.memref_squeeze %dma_start3A_157 : memref<1x10000x64xf32, #tpu.memory_space<hbm>> -> memref<10000x64xf32, #tpu.memory_space<hbm>>
        %dma_start3A_159 = arith.constant 0 : i32
        %dma_start3A_160 = arith.constant 0 : i32
        %dma_start3A_161 = tpu.memref_slice %dma_start3A_158[%dma_start3A_159, %dma_start3A_160] : memref<10000x64xf32, #tpu.memory_space<hbm>> -> memref<10000x64xf32, #tpu.memory_space<hbm>>
        tpu.enqueue_indirect_dma source(%dma_start3A_161 : memref<10000x64xf32, #tpu.memory_space<hbm>>) target(%arg10 : memref<128x64xf32, #tpu.memory_space<vmem>>) offsets(%dma_start3A_154 : memref<128xi32, #tpu.memory_space<vmem>>) semaphore(%arg16 : memref<!tpu.dma_semaphore, #tpu.memory_space<semaphore_mem>>)
      } else {
      }
      %ge3A_78 = arith.constant 0 : i32
      %ge3A_79 = arith.cmpi sge, %sub3A_67, %ge3A_78 : i32
      %lt3A_80 = arith.constant 160 : i32
      %lt3A_81 = arith.cmpi slt, %sub3A_67, %lt3A_80 : i32
      %and3A_82 = arith.andi %ge3A_79, %lt3A_81 : i1
      %convert_element_type3A_83 = arith.extui %and3A_82 : i1 to i32
      %cond3A_84 = arith.constant 0 : i32
      %cond3A_85 = arith.cmpi ne, %convert_element_type3A_83, %cond3A_84 : i32
      scf.if %cond3A_85 {
        %dma_wait3A_152 = arith.constant 0 : i32
        %dma_wait3A_153 = tpu.memref_slice %arg7[%sub3A_67, %dma_wait3A_152] : memref<160x128xi32, #tpu.memory_space<vmem>> -> memref<1x128xi32, #tpu.memory_space<vmem>>
        %dma_wait3A_154 = tpu.memref_squeeze %dma_wait3A_153 : memref<1x128xi32, #tpu.memory_space<vmem>> -> memref<128xi32, #tpu.memory_space<vmem>>
        %dma_wait3A_155 = arith.constant 0 : i32
        %dma_wait3A_156 = arith.constant 0 : i32
        %dma_wait3A_157 = tpu.memref_slice %arg2[%arg0, %dma_wait3A_155, %dma_wait3A_156] : memref<2x10000x64xf32, #tpu.memory_space<hbm>> -> memref<1x10000x64xf32, #tpu.memory_space<hbm>>
        %dma_wait3A_158 = tpu.memref_squeeze %dma_wait3A_157 : memref<1x10000x64xf32, #tpu.memory_space<hbm>> -> memref<10000x64xf32, #tpu.memory_space<hbm>>
        %dma_wait3A_159 = arith.constant 0 : i32
        %dma_wait3A_160 = arith.constant 0 : i32
        %dma_wait3A_161 = tpu.memref_slice %dma_wait3A_158[%dma_wait3A_159, %dma_wait3A_160] : memref<10000x64xf32, #tpu.memory_space<hbm>> -> memref<10000x64xf32, #tpu.memory_space<hbm>>
        tpu.wait_indirect_dma semaphore(%arg18 : memref<!tpu.dma_semaphore, #tpu.memory_space<semaphore_mem>>) src(%dma_wait3A_161 : memref<10000x64xf32, #tpu.memory_space<hbm>>) dst(%arg12 : memref<128x64xf32, #tpu.memory_space<vmem>>)
        %dma_start3A_162 = arith.constant 0 : i32
        %dma_start3A_163 = tpu.memref_slice %arg8[%sub3A_67, %dma_start3A_162] : memref<160x128xi32, #tpu.memory_space<vmem>> -> memref<1x128xi32, #tpu.memory_space<vmem>>
        %dma_start3A_164 = tpu.memref_squeeze %dma_start3A_163 : memref<1x128xi32, #tpu.memory_space<vmem>> -> memref<128xi32, #tpu.memory_space<vmem>>
        %dma_start3A_165 = arith.constant 0 : i32
        %dma_start3A_166 = arith.constant 0 : i32
        %dma_start3A_167 = tpu.memref_slice %arg14[%dma_start3A_165, %dma_start3A_166] : memref<10240x64xf32, #tpu.memory_space<vmem_shared>> -> memref<10240x64xf32, #tpu.memory_space<vmem_shared>>
        tpu.enqueue_indirect_dma source(%arg12 : memref<128x64xf32, #tpu.memory_space<vmem>>) target(%dma_start3A_167 : memref<10240x64xf32, #tpu.memory_space<vmem_shared>>) offsets(%dma_start3A_164 : memref<128xi32, #tpu.memory_space<vmem>>) semaphore(%arg23 : memref<!tpu.dma_semaphore, #tpu.memory_space<semaphore_mem>>) {add = true}
      } else {
      }
      %add3A_86 = arith.constant 2 : i32
      %add3A_87 = arith.addi %add3A_47, %add3A_86 : i32
      %sub3A_88 = arith.constant 3 : i32
      %sub3A_89 = arith.subi %add3A_87, %sub3A_88 : i32
      %ge3A_90 = arith.constant 5 : i32
      %ge3A_91 = arith.cmpi sge, %add3A_87, %ge3A_90 : i32
      %convert_element_type3A_92 = arith.extui %ge3A_91 : i1 to i32
      %cond3A_93 = arith.constant 0 : i32
      %cond3A_94 = arith.cmpi ne, %convert_element_type3A_92, %cond3A_93 : i32
      scf.if %cond3A_94 {
        %sub3A_152 = arith.constant 5 : i32
        %sub3A_153 = arith.subi %add3A_87, %sub3A_152 : i32
        %dma_wait3A_154 = arith.constant 0 : i32
        %dma_wait3A_155 = tpu.memref_slice %arg8[%sub3A_153, %dma_wait3A_154] : memref<160x128xi32, #tpu.memory_space<vmem>> -> memref<1x128xi32, #tpu.memory_space<vmem>>
        %dma_wait3A_156 = tpu.memref_squeeze %dma_wait3A_155 : memref<1x128xi32, #tpu.memory_space<vmem>> -> memref<128xi32, #tpu.memory_space<vmem>>
        %dma_wait3A_157 = arith.constant 0 : i32
        %dma_wait3A_158 = arith.constant 0 : i32
        %dma_wait3A_159 = tpu.memref_slice %arg14[%dma_wait3A_157, %dma_wait3A_158] : memref<10240x64xf32, #tpu.memory_space<vmem_shared>> -> memref<10240x64xf32, #tpu.memory_space<vmem_shared>>
        tpu.wait_indirect_dma semaphore(%arg22 : memref<!tpu.dma_semaphore, #tpu.memory_space<semaphore_mem>>) src(%arg11 : memref<128x64xf32, #tpu.memory_space<vmem>>) dst(%dma_wait3A_159 : memref<10240x64xf32, #tpu.memory_space<vmem_shared>>)
      } else {
      }
      %lt3A_95 = arith.constant 160 : i32
      %lt3A_96 = arith.cmpi slt, %add3A_87, %lt3A_95 : i32
      %convert_element_type3A_97 = arith.extui %lt3A_96 : i1 to i32
      %cond3A_98 = arith.constant 0 : i32
      %cond3A_99 = arith.cmpi ne, %convert_element_type3A_97, %cond3A_98 : i32
      scf.if %cond3A_99 {
        %dma_start3A_152 = arith.constant 0 : i32
        %dma_start3A_153 = tpu.memref_slice %arg7[%add3A_87, %dma_start3A_152] : memref<160x128xi32, #tpu.memory_space<vmem>> -> memref<1x128xi32, #tpu.memory_space<vmem>>
        %dma_start3A_154 = tpu.memref_squeeze %dma_start3A_153 : memref<1x128xi32, #tpu.memory_space<vmem>> -> memref<128xi32, #tpu.memory_space<vmem>>
        %dma_start3A_155 = arith.constant 0 : i32
        %dma_start3A_156 = arith.constant 0 : i32
        %dma_start3A_157 = tpu.memref_slice %arg2[%arg0, %dma_start3A_155, %dma_start3A_156] : memref<2x10000x64xf32, #tpu.memory_space<hbm>> -> memref<1x10000x64xf32, #tpu.memory_space<hbm>>
        %dma_start3A_158 = tpu.memref_squeeze %dma_start3A_157 : memref<1x10000x64xf32, #tpu.memory_space<hbm>> -> memref<10000x64xf32, #tpu.memory_space<hbm>>
        %dma_start3A_159 = arith.constant 0 : i32
        %dma_start3A_160 = arith.constant 0 : i32
        %dma_start3A_161 = tpu.memref_slice %dma_start3A_158[%dma_start3A_159, %dma_start3A_160] : memref<10000x64xf32, #tpu.memory_space<hbm>> -> memref<10000x64xf32, #tpu.memory_space<hbm>>
        tpu.enqueue_indirect_dma source(%dma_start3A_161 : memref<10000x64xf32, #tpu.memory_space<hbm>>) target(%arg11 : memref<128x64xf32, #tpu.memory_space<vmem>>) offsets(%dma_start3A_154 : memref<128xi32, #tpu.memory_space<vmem>>) semaphore(%arg17 : memref<!tpu.dma_semaphore, #tpu.memory_space<semaphore_mem>>)
      } else {
      }
      %ge3A_100 = arith.constant 0 : i32
      %ge3A_101 = arith.cmpi sge, %sub3A_89, %ge3A_100 : i32
      %lt3A_102 = arith.constant 160 : i32
      %lt3A_103 = arith.cmpi slt, %sub3A_89, %lt3A_102 : i32
      %and3A_104 = arith.andi %ge3A_101, %lt3A_103 : i1
      %convert_element_type3A_105 = arith.extui %and3A_104 : i1 to i32
      %cond3A_106 = arith.constant 0 : i32
      %cond3A_107 = arith.cmpi ne, %convert_element_type3A_105, %cond3A_106 : i32
      scf.if %cond3A_107 {
        %dma_wait3A_152 = arith.constant 0 : i32
        %dma_wait3A_153 = tpu.memref_slice %arg7[%sub3A_89, %dma_wait3A_152] : memref<160x128xi32, #tpu.memory_space<vmem>> -> memref<1x128xi32, #tpu.memory_space<vmem>>
        %dma_wait3A_154 = tpu.memref_squeeze %dma_wait3A_153 : memref<1x128xi32, #tpu.memory_space<vmem>> -> memref<128xi32, #tpu.memory_space<vmem>>
        %dma_wait3A_155 = arith.constant 0 : i32
        %dma_wait3A_156 = arith.constant 0 : i32
        %dma_wait3A_157 = tpu.memref_slice %arg2[%arg0, %dma_wait3A_155, %dma_wait3A_156] : memref<2x10000x64xf32, #tpu.memory_space<hbm>> -> memref<1x10000x64xf32, #tpu.memory_space<hbm>>
        %dma_wait3A_158 = tpu.memref_squeeze %dma_wait3A_157 : memref<1x10000x64xf32, #tpu.memory_space<hbm>> -> memref<10000x64xf32, #tpu.memory_space<hbm>>
        %dma_wait3A_159 = arith.constant 0 : i32
        %dma_wait3A_160 = arith.constant 0 : i32
        %dma_wait3A_161 = tpu.memref_slice %dma_wait3A_158[%dma_wait3A_159, %dma_wait3A_160] : memref<10000x64xf32, #tpu.memory_space<hbm>> -> memref<10000x64xf32, #tpu.memory_space<hbm>>
        tpu.wait_indirect_dma semaphore(%arg19 : memref<!tpu.dma_semaphore, #tpu.memory_space<semaphore_mem>>) src(%dma_wait3A_161 : memref<10000x64xf32, #tpu.memory_space<hbm>>) dst(%arg13 : memref<128x64xf32, #tpu.memory_space<vmem>>)
        %dma_start3A_162 = arith.constant 0 : i32
        %dma_start3A_163 = tpu.memref_slice %arg8[%sub3A_89, %dma_start3A_162] : memref<160x128xi32, #tpu.memory_space<vmem>> -> memref<1x128xi32, #tpu.memory_space<vmem>>
        %dma_start3A_164 = tpu.memref_squeeze %dma_start3A_163 : memref<1x128xi32, #tpu.memory_space<vmem>> -> memref<128xi32, #tpu.memory_space<vmem>>
        %dma_start3A_165 = arith.constant 0 : i32
        %dma_start3A_166 = arith.constant 0 : i32
        %dma_start3A_167 = tpu.memref_slice %arg14[%dma_start3A_165, %dma_start3A_166] : memref<10240x64xf32, #tpu.memory_space<vmem_shared>> -> memref<10240x64xf32, #tpu.memory_space<vmem_shared>>
        tpu.enqueue_indirect_dma source(%arg13 : memref<128x64xf32, #tpu.memory_space<vmem>>) target(%dma_start3A_167 : memref<10240x64xf32, #tpu.memory_space<vmem_shared>>) offsets(%dma_start3A_164 : memref<128xi32, #tpu.memory_space<vmem>>) semaphore(%arg24 : memref<!tpu.dma_semaphore, #tpu.memory_space<semaphore_mem>>) {add = true}
      } else {
      }
      %add3A_108 = arith.constant 3 : i32
      %add3A_109 = arith.addi %add3A_47, %add3A_108 : i32
      %sub3A_110 = arith.constant 3 : i32
      %sub3A_111 = arith.subi %add3A_109, %sub3A_110 : i32
      %ge3A_112 = arith.constant 5 : i32
      %ge3A_113 = arith.cmpi sge, %add3A_109, %ge3A_112 : i32
      %convert_element_type3A_114 = arith.extui %ge3A_113 : i1 to i32
      %cond3A_115 = arith.constant 0 : i32
      %cond3A_116 = arith.cmpi ne, %convert_element_type3A_114, %cond3A_115 : i32
      scf.if %cond3A_116 {
        %sub3A_152 = arith.constant 5 : i32
        %sub3A_153 = arith.subi %add3A_109, %sub3A_152 : i32
        %dma_wait3A_154 = arith.constant 0 : i32
        %dma_wait3A_155 = tpu.memref_slice %arg8[%sub3A_153, %dma_wait3A_154] : memref<160x128xi32, #tpu.memory_space<vmem>> -> memref<1x128xi32, #tpu.memory_space<vmem>>
        %dma_wait3A_156 = tpu.memref_squeeze %dma_wait3A_155 : memref<1x128xi32, #tpu.memory_space<vmem>> -> memref<128xi32, #tpu.memory_space<vmem>>
        %dma_wait3A_157 = arith.constant 0 : i32
        %dma_wait3A_158 = arith.constant 0 : i32
        %dma_wait3A_159 = tpu.memref_slice %arg14[%dma_wait3A_157, %dma_wait3A_158] : memref<10240x64xf32, #tpu.memory_space<vmem_shared>> -> memref<10240x64xf32, #tpu.memory_space<vmem_shared>>
        tpu.wait_indirect_dma semaphore(%arg23 : memref<!tpu.dma_semaphore, #tpu.memory_space<semaphore_mem>>) src(%arg12 : memref<128x64xf32, #tpu.memory_space<vmem>>) dst(%dma_wait3A_159 : memref<10240x64xf32, #tpu.memory_space<vmem_shared>>)
      } else {
      }
      %lt3A_117 = arith.constant 160 : i32
      %lt3A_118 = arith.cmpi slt, %add3A_109, %lt3A_117 : i32
      %convert_element_type3A_119 = arith.extui %lt3A_118 : i1 to i32
      %cond3A_120 = arith.constant 0 : i32
      %cond3A_121 = arith.cmpi ne, %convert_element_type3A_119, %cond3A_120 : i32
      scf.if %cond3A_121 {
        %dma_start3A_152 = arith.constant 0 : i32
        %dma_start3A_153 = tpu.memref_slice %arg7[%add3A_109, %dma_start3A_152] : memref<160x128xi32, #tpu.memory_space<vmem>> -> memref<1x128xi32, #tpu.memory_space<vmem>>
        %dma_start3A_154 = tpu.memref_squeeze %dma_start3A_153 : memref<1x128xi32, #tpu.memory_space<vmem>> -> memref<128xi32, #tpu.memory_space<vmem>>
        %dma_start3A_155 = arith.constant 0 : i32
        %dma_start3A_156 = arith.constant 0 : i32
        %dma_start3A_157 = tpu.memref_slice %arg2[%arg0, %dma_start3A_155, %dma_start3A_156] : memref<2x10000x64xf32, #tpu.memory_space<hbm>> -> memref<1x10000x64xf32, #tpu.memory_space<hbm>>
        %dma_start3A_158 = tpu.memref_squeeze %dma_start3A_157 : memref<1x10000x64xf32, #tpu.memory_space<hbm>> -> memref<10000x64xf32, #tpu.memory_space<hbm>>
        %dma_start3A_159 = arith.constant 0 : i32
        %dma_start3A_160 = arith.constant 0 : i32
        %dma_start3A_161 = tpu.memref_slice %dma_start3A_158[%dma_start3A_159, %dma_start3A_160] : memref<10000x64xf32, #tpu.memory_space<hbm>> -> memref<10000x64xf32, #tpu.memory_space<hbm>>
        tpu.enqueue_indirect_dma source(%dma_start3A_161 : memref<10000x64xf32, #tpu.memory_space<hbm>>) target(%arg12 : memref<128x64xf32, #tpu.memory_space<vmem>>) offsets(%dma_start3A_154 : memref<128xi32, #tpu.memory_space<vmem>>) semaphore(%arg18 : memref<!tpu.dma_semaphore, #tpu.memory_space<semaphore_mem>>)
      } else {
      }
      %ge3A_122 = arith.constant 0 : i32
      %ge3A_123 = arith.cmpi sge, %sub3A_111, %ge3A_122 : i32
      %lt3A_124 = arith.constant 160 : i32
      %lt3A_125 = arith.cmpi slt, %sub3A_111, %lt3A_124 : i32
      %and3A_126 = arith.andi %ge3A_123, %lt3A_125 : i1
      %convert_element_type3A_127 = arith.extui %and3A_126 : i1 to i32
      %cond3A_128 = arith.constant 0 : i32
      %cond3A_129 = arith.cmpi ne, %convert_element_type3A_127, %cond3A_128 : i32
      scf.if %cond3A_129 {
        %dma_wait3A_152 = arith.constant 0 : i32
        %dma_wait3A_153 = tpu.memref_slice %arg7[%sub3A_111, %dma_wait3A_152] : memref<160x128xi32, #tpu.memory_space<vmem>> -> memref<1x128xi32, #tpu.memory_space<vmem>>
        %dma_wait3A_154 = tpu.memref_squeeze %dma_wait3A_153 : memref<1x128xi32, #tpu.memory_space<vmem>> -> memref<128xi32, #tpu.memory_space<vmem>>
        %dma_wait3A_155 = arith.constant 0 : i32
        %dma_wait3A_156 = arith.constant 0 : i32
        %dma_wait3A_157 = tpu.memref_slice %arg2[%arg0, %dma_wait3A_155, %dma_wait3A_156] : memref<2x10000x64xf32, #tpu.memory_space<hbm>> -> memref<1x10000x64xf32, #tpu.memory_space<hbm>>
        %dma_wait3A_158 = tpu.memref_squeeze %dma_wait3A_157 : memref<1x10000x64xf32, #tpu.memory_space<hbm>> -> memref<10000x64xf32, #tpu.memory_space<hbm>>
        %dma_wait3A_159 = arith.constant 0 : i32
        %dma_wait3A_160 = arith.constant 0 : i32
        %dma_wait3A_161 = tpu.memref_slice %dma_wait3A_158[%dma_wait3A_159, %dma_wait3A_160] : memref<10000x64xf32, #tpu.memory_space<hbm>> -> memref<10000x64xf32, #tpu.memory_space<hbm>>
        tpu.wait_indirect_dma semaphore(%arg15 : memref<!tpu.dma_semaphore, #tpu.memory_space<semaphore_mem>>) src(%dma_wait3A_161 : memref<10000x64xf32, #tpu.memory_space<hbm>>) dst(%arg9 : memref<128x64xf32, #tpu.memory_space<vmem>>)
        %dma_start3A_162 = arith.constant 0 : i32
        %dma_start3A_163 = tpu.memref_slice %arg8[%sub3A_111, %dma_start3A_162] : memref<160x128xi32, #tpu.memory_space<vmem>> -> memref<1x128xi32, #tpu.memory_space<vmem>>
        %dma_start3A_164 = tpu.memref_squeeze %dma_start3A_163 : memref<1x128xi32, #tpu.memory_space<vmem>> -> memref<128xi32, #tpu.memory_space<vmem>>
        %dma_start3A_165 = arith.constant 0 : i32
        %dma_start3A_166 = arith.constant 0 : i32
        %dma_start3A_167 = tpu.memref_slice %arg14[%dma_start3A_165, %dma_start3A_166] : memref<10240x64xf32, #tpu.memory_space<vmem_shared>> -> memref<10240x64xf32, #tpu.memory_space<vmem_shared>>
        tpu.enqueue_indirect_dma source(%arg9 : memref<128x64xf32, #tpu.memory_space<vmem>>) target(%dma_start3A_167 : memref<10240x64xf32, #tpu.memory_space<vmem_shared>>) offsets(%dma_start3A_164 : memref<128xi32, #tpu.memory_space<vmem>>) semaphore(%arg20 : memref<!tpu.dma_semaphore, #tpu.memory_space<semaphore_mem>>) {add = true}
      } else {
      }
      %add3A_130 = arith.constant 4 : i32
      %add3A_131 = arith.addi %add3A_47, %add3A_130 : i32
      %sub3A_132 = arith.constant 3 : i32
      %sub3A_133 = arith.subi %add3A_131, %sub3A_132 : i32
      %ge3A_134 = arith.constant 5 : i32
      %ge3A_135 = arith.cmpi sge, %add3A_131, %ge3A_134 : i32
      %convert_element_type3A_136 = arith.extui %ge3A_135 : i1 to i32
      %cond3A_137 = arith.constant 0 : i32
      %cond3A_138 = arith.cmpi ne, %convert_element_type3A_136, %cond3A_137 : i32
      scf.if %cond3A_138 {
        %sub3A_152 = arith.constant 5 : i32
        %sub3A_153 = arith.subi %add3A_131, %sub3A_152 : i32
        %dma_wait3A_154 = arith.constant 0 : i32
        %dma_wait3A_155 = tpu.memref_slice %arg8[%sub3A_153, %dma_wait3A_154] : memref<160x128xi32, #tpu.memory_space<vmem>> -> memref<1x128xi32, #tpu.memory_space<vmem>>
        %dma_wait3A_156 = tpu.memref_squeeze %dma_wait3A_155 : memref<1x128xi32, #tpu.memory_space<vmem>> -> memref<128xi32, #tpu.memory_space<vmem>>
        %dma_wait3A_157 = arith.constant 0 : i32
        %dma_wait3A_158 = arith.constant 0 : i32
        %dma_wait3A_159 = tpu.memref_slice %arg14[%dma_wait3A_157, %dma_wait3A_158] : memref<10240x64xf32, #tpu.memory_space<vmem_shared>> -> memref<10240x64xf32, #tpu.memory_space<vmem_shared>>
        tpu.wait_indirect_dma semaphore(%arg24 : memref<!tpu.dma_semaphore, #tpu.memory_space<semaphore_mem>>) src(%arg13 : memref<128x64xf32, #tpu.memory_space<vmem>>) dst(%dma_wait3A_159 : memref<10240x64xf32, #tpu.memory_space<vmem_shared>>)
      } else {
      }
      %lt3A_139 = arith.constant 160 : i32
      %lt3A_140 = arith.cmpi slt, %add3A_131, %lt3A_139 : i32
      %convert_element_type3A_141 = arith.extui %lt3A_140 : i1 to i32
      %cond3A_142 = arith.constant 0 : i32
      %cond3A_143 = arith.cmpi ne, %convert_element_type3A_141, %cond3A_142 : i32
      scf.if %cond3A_143 {
        %dma_start3A_152 = arith.constant 0 : i32
        %dma_start3A_153 = tpu.memref_slice %arg7[%add3A_131, %dma_start3A_152] : memref<160x128xi32, #tpu.memory_space<vmem>> -> memref<1x128xi32, #tpu.memory_space<vmem>>
        %dma_start3A_154 = tpu.memref_squeeze %dma_start3A_153 : memref<1x128xi32, #tpu.memory_space<vmem>> -> memref<128xi32, #tpu.memory_space<vmem>>
        %dma_start3A_155 = arith.constant 0 : i32
        %dma_start3A_156 = arith.constant 0 : i32
        %dma_start3A_157 = tpu.memref_slice %arg2[%arg0, %dma_start3A_155, %dma_start3A_156] : memref<2x10000x64xf32, #tpu.memory_space<hbm>> -> memref<1x10000x64xf32, #tpu.memory_space<hbm>>
        %dma_start3A_158 = tpu.memref_squeeze %dma_start3A_157 : memref<1x10000x64xf32, #tpu.memory_space<hbm>> -> memref<10000x64xf32, #tpu.memory_space<hbm>>
        %dma_start3A_159 = arith.constant 0 : i32
        %dma_start3A_160 = arith.constant 0 : i32
        %dma_start3A_161 = tpu.memref_slice %dma_start3A_158[%dma_start3A_159, %dma_start3A_160] : memref<10000x64xf32, #tpu.memory_space<hbm>> -> memref<10000x64xf32, #tpu.memory_space<hbm>>
        tpu.enqueue_indirect_dma source(%dma_start3A_161 : memref<10000x64xf32, #tpu.memory_space<hbm>>) target(%arg13 : memref<128x64xf32, #tpu.memory_space<vmem>>) offsets(%dma_start3A_154 : memref<128xi32, #tpu.memory_space<vmem>>) semaphore(%arg19 : memref<!tpu.dma_semaphore, #tpu.memory_space<semaphore_mem>>)
      } else {
      }
      %ge3A_144 = arith.constant 0 : i32
      %ge3A_145 = arith.cmpi sge, %sub3A_133, %ge3A_144 : i32
      %lt3A_146 = arith.constant 160 : i32
      %lt3A_147 = arith.cmpi slt, %sub3A_133, %lt3A_146 : i32
      %and3A_148 = arith.andi %ge3A_145, %lt3A_147 : i1
      %convert_element_type3A_149 = arith.extui %and3A_148 : i1 to i32
      %cond3A_150 = arith.constant 0 : i32
      %cond3A_151 = arith.cmpi ne, %convert_element_type3A_149, %cond3A_150 : i32
      scf.if %cond3A_151 {
        %dma_wait3A_152 = arith.constant 0 : i32
        %dma_wait3A_153 = tpu.memref_slice %arg7[%sub3A_133, %dma_wait3A_152] : memref<160x128xi32, #tpu.memory_space<vmem>> -> memref<1x128xi32, #tpu.memory_space<vmem>>
        %dma_wait3A_154 = tpu.memref_squeeze %dma_wait3A_153 : memref<1x128xi32, #tpu.memory_space<vmem>> -> memref<128xi32, #tpu.memory_space<vmem>>
        %dma_wait3A_155 = arith.constant 0 : i32
        %dma_wait3A_156 = arith.constant 0 : i32
        %dma_wait3A_157 = tpu.memref_slice %arg2[%arg0, %dma_wait3A_155, %dma_wait3A_156] : memref<2x10000x64xf32, #tpu.memory_space<hbm>> -> memref<1x10000x64xf32, #tpu.memory_space<hbm>>
        %dma_wait3A_158 = tpu.memref_squeeze %dma_wait3A_157 : memref<1x10000x64xf32, #tpu.memory_space<hbm>> -> memref<10000x64xf32, #tpu.memory_space<hbm>>
        %dma_wait3A_159 = arith.constant 0 : i32
        %dma_wait3A_160 = arith.constant 0 : i32
        %dma_wait3A_161 = tpu.memref_slice %dma_wait3A_158[%dma_wait3A_159, %dma_wait3A_160] : memref<10000x64xf32, #tpu.memory_space<hbm>> -> memref<10000x64xf32, #tpu.memory_space<hbm>>
        tpu.wait_indirect_dma semaphore(%arg16 : memref<!tpu.dma_semaphore, #tpu.memory_space<semaphore_mem>>) src(%dma_wait3A_161 : memref<10000x64xf32, #tpu.memory_space<hbm>>) dst(%arg10 : memref<128x64xf32, #tpu.memory_space<vmem>>)
        %dma_start3A_162 = arith.constant 0 : i32
        %dma_start3A_163 = tpu.memref_slice %arg8[%sub3A_133, %dma_start3A_162] : memref<160x128xi32, #tpu.memory_space<vmem>> -> memref<1x128xi32, #tpu.memory_space<vmem>>
        %dma_start3A_164 = tpu.memref_squeeze %dma_start3A_163 : memref<1x128xi32, #tpu.memory_space<vmem>> -> memref<128xi32, #tpu.memory_space<vmem>>
        %dma_start3A_165 = arith.constant 0 : i32
        %dma_start3A_166 = arith.constant 0 : i32
        %dma_start3A_167 = tpu.memref_slice %arg14[%dma_start3A_165, %dma_start3A_166] : memref<10240x64xf32, #tpu.memory_space<vmem_shared>> -> memref<10240x64xf32, #tpu.memory_space<vmem_shared>>
        tpu.enqueue_indirect_dma source(%arg10 : memref<128x64xf32, #tpu.memory_space<vmem>>) target(%dma_start3A_167 : memref<10240x64xf32, #tpu.memory_space<vmem_shared>>) offsets(%dma_start3A_164 : memref<128xi32, #tpu.memory_space<vmem>>) semaphore(%arg21 : memref<!tpu.dma_semaphore, #tpu.memory_space<semaphore_mem>>) {add = true}
      } else {
      }
    }
    %scan3A_38 = arith.constant 33 : i32
    %barrier3A_39 = arith.constant 0 : index
    tpu.barrier barrier_id(%barrier3A_39)
    %scan3A_40 = arith.constant 0 : i32
    %scan3A_41 = arith.constant 5 : i32
    %scan3A_42 = arith.addi %scan3A_40, %scan3A_41 : i32
    %scan3A_43 = arith.constant 1 : i32
    scf.for %scan3A_45 = %scan3A_40 to %scan3A_42 step %scan3A_43  : i32 {
      %mul3A = arith.constant 1 : i32
      %mul3A_46 = arith.muli %scan3A_45, %mul3A : i32
      %add3A = arith.constant 0 : i32
      %add3A_47 = arith.addi %add3A, %mul3A_46 : i32
      %mul3A_48 = arith.constant 640 : i32
      %mul3A_49 = arith.muli %arg1, %mul3A_48 : i32
      %mul3A_50 = arith.constant 128 : i32
      %mul3A_51 = arith.muli %add3A_47, %mul3A_50 : i32
      %add3A_52 = arith.addi %mul3A_49, %mul3A_51 : i32
      %mul3A_53 = arith.constant 640 : i32
      %mul3A_54 = arith.muli %arg1, %mul3A_53 : i32
      %mul3A_55 = arith.constant 128 : i32
      %mul3A_56 = arith.muli %add3A_47, %mul3A_55 : i32
      %add3A_57 = arith.addi %mul3A_54, %mul3A_56 : i32
      "tpu.region"() ({
        %run_scoped3A = tpu.sem_alloc : memref<!tpu.dma_semaphore, #tpu.memory_space<semaphore_mem>>
        %dma_start3A_58 = arith.constant 0 : i32
        %dma_start3A_59 = tpu.memref_slice %arg6[%arg0, %add3A_57, %dma_start3A_58] : memref<2x10240x64xf32, #tpu.memory_space<hbm>> -> memref<1x128x64xf32, #tpu.memory_space<hbm>>
        %dma_start3A_60 = tpu.memref_squeeze %dma_start3A_59 : memref<1x128x64xf32, #tpu.memory_space<hbm>> -> memref<128x64xf32, #tpu.memory_space<hbm>>
        %dma_start3A_61 = arith.constant 0 : i32
        %dma_start3A_62 = tpu.memref_slice %arg14[%add3A_52, %dma_start3A_61] : memref<10240x64xf32, #tpu.memory_space<vmem_shared>> -> memref<128x64xf32, #tpu.memory_space<vmem_shared>>
        tpu.enqueue_dma source(%dma_start3A_62 : memref<128x64xf32, #tpu.memory_space<vmem_shared>>) target(%dma_start3A_60 : memref<128x64xf32, #tpu.memory_space<hbm>>) target_semaphore(%run_scoped3A : memref<!tpu.dma_semaphore, #tpu.memory_space<semaphore_mem>>)
        %dma_wait3A_63 = arith.constant 0 : i32
        %dma_wait3A_64 = tpu.memref_slice %arg6[%arg0, %add3A_57, %dma_wait3A_63] : memref<2x10240x64xf32, #tpu.memory_space<hbm>> -> memref<1x128x64xf32, #tpu.memory_space<hbm>>
        %dma_wait3A_65 = tpu.memref_squeeze %dma_wait3A_64 : memref<1x128x64xf32, #tpu.memory_space<hbm>> -> memref<128x64xf32, #tpu.memory_space<hbm>>
        %dma_wait3A_66 = arith.constant 0 : i32
        %dma_wait3A_67 = tpu.memref_slice %arg14[%add3A_52, %dma_wait3A_66] : memref<10240x64xf32, #tpu.memory_space<vmem_shared>> -> memref<128x64xf32, #tpu.memory_space<vmem_shared>>
        tpu.wait_dma2 semaphore(%run_scoped3A : memref<!tpu.dma_semaphore, #tpu.memory_space<semaphore_mem>>) src(%dma_wait3A_67 : memref<128x64xf32, #tpu.memory_space<vmem_shared>>) dst(%dma_wait3A_65 : memref<128x64xf32, #tpu.memory_space<hbm>>)
        tpu.yield
      }) : () -> ()
    }
    %scan3A_44 = arith.constant 5 : i32
    return
  }
}

#map = affine_map<(d0, d1) -> (0, 0, 0)>
#map1 = affine_map<(d0, d1) -> (0, 0)>
module attributes {stable_mosaic.version = 14 : i64} {
  func.func @_sc_deg(%arg0: i32, %arg1: i32, %arg2: memref<16x160x128xi32, #tpu.memory_space<hbm>>, %arg3: memref<128x16xf32, #tpu.memory_space<hbm>>, %arg4: memref<640x16xf32, #tpu.memory_space<hbm>>, %arg5: memref<2x10240x16xf32, #tpu.memory_space<hbm>>, %arg6: memref<160x128xi32, #tpu.memory_space<vmem>>, %arg7: memref<128x16xf32, #tpu.memory_space<vmem>>, %arg8: memref<640x16xf32, #tpu.memory_space<vmem>>, %arg9: memref<10240x16xf32, #tpu.memory_space<vmem_shared>>, %arg10: memref<!tpu.dma_semaphore, #tpu.memory_space<semaphore_mem>>) attributes {dimension_semantics = [#tpu.dimension_semantics<core_parallel>, #tpu.dimension_semantics<subcore_parallel>], iteration_bounds = array<i64: 2, 16>, scalar_prefetch = 0 : i64, scratch_operands = 5 : i64, tpu.core_type = #tpu.core_type<sc_vector_subcore>, window_params = [{transform_indices = #map}, {transform_indices = #map1}, {transform_indices = #map1}, {transform_indices = #map}]} {
    %dma_start3A = arith.constant 0 : i32
    %dma_start3A_0 = arith.constant 0 : i32
    %dma_start3A_1 = tpu.memref_slice %arg2[%arg1, %dma_start3A, %dma_start3A_0] : memref<16x160x128xi32, #tpu.memory_space<hbm>> -> memref<1x160x128xi32, #tpu.memory_space<hbm>>
    %dma_start3A_2 = tpu.memref_squeeze %dma_start3A_1 : memref<1x160x128xi32, #tpu.memory_space<hbm>> -> memref<160x128xi32, #tpu.memory_space<hbm>>
    %dma_start3A_3 = arith.constant 0 : i32
    %dma_start3A_4 = arith.constant 0 : i32
    %dma_start3A_5 = tpu.memref_slice %arg2[%arg1, %dma_start3A_3, %dma_start3A_4] : memref<16x160x128xi32, #tpu.memory_space<hbm>> -> memref<1x160x128xi32, #tpu.memory_space<hbm>>
    %dma_start3A_6 = tpu.memref_squeeze %dma_start3A_5 : memref<1x160x128xi32, #tpu.memory_space<hbm>> -> memref<160x128xi32, #tpu.memory_space<hbm>>
    tpu.enqueue_dma source(%dma_start3A_6 : memref<160x128xi32, #tpu.memory_space<hbm>>) target(%arg6 : memref<160x128xi32, #tpu.memory_space<vmem>>) target_semaphore(%arg10 : memref<!tpu.dma_semaphore, #tpu.memory_space<semaphore_mem>>)
    %dma_wait3A = arith.constant 0 : i32
    %dma_wait3A_7 = arith.constant 0 : i32
    %dma_wait3A_8 = tpu.memref_slice %arg2[%arg1, %dma_wait3A, %dma_wait3A_7] : memref<16x160x128xi32, #tpu.memory_space<hbm>> -> memref<1x160x128xi32, #tpu.memory_space<hbm>>
    %dma_wait3A_9 = tpu.memref_squeeze %dma_wait3A_8 : memref<1x160x128xi32, #tpu.memory_space<hbm>> -> memref<160x128xi32, #tpu.memory_space<hbm>>
    %dma_wait3A_10 = arith.constant 0 : i32
    %dma_wait3A_11 = arith.constant 0 : i32
    %dma_wait3A_12 = tpu.memref_slice %arg2[%arg1, %dma_wait3A_10, %dma_wait3A_11] : memref<16x160x128xi32, #tpu.memory_space<hbm>> -> memref<1x160x128xi32, #tpu.memory_space<hbm>>
    %dma_wait3A_13 = tpu.memref_squeeze %dma_wait3A_12 : memref<1x160x128xi32, #tpu.memory_space<hbm>> -> memref<160x128xi32, #tpu.memory_space<hbm>>
    tpu.wait_dma2 semaphore(%arg10 : memref<!tpu.dma_semaphore, #tpu.memory_space<semaphore_mem>>) src(%dma_wait3A_13 : memref<160x128xi32, #tpu.memory_space<hbm>>) dst(%arg6 : memref<160x128xi32, #tpu.memory_space<vmem>>)
    tpu.enqueue_dma source(%arg3 : memref<128x16xf32, #tpu.memory_space<hbm>>) target(%arg7 : memref<128x16xf32, #tpu.memory_space<vmem>>) target_semaphore(%arg10 : memref<!tpu.dma_semaphore, #tpu.memory_space<semaphore_mem>>)
    tpu.wait_dma2 semaphore(%arg10 : memref<!tpu.dma_semaphore, #tpu.memory_space<semaphore_mem>>) src(%arg3 : memref<128x16xf32, #tpu.memory_space<hbm>>) dst(%arg7 : memref<128x16xf32, #tpu.memory_space<vmem>>)
    tpu.enqueue_dma source(%arg4 : memref<640x16xf32, #tpu.memory_space<hbm>>) target(%arg8 : memref<640x16xf32, #tpu.memory_space<vmem>>) target_semaphore(%arg10 : memref<!tpu.dma_semaphore, #tpu.memory_space<semaphore_mem>>)
    tpu.wait_dma2 semaphore(%arg10 : memref<!tpu.dma_semaphore, #tpu.memory_space<semaphore_mem>>) src(%arg4 : memref<640x16xf32, #tpu.memory_space<hbm>>) dst(%arg8 : memref<640x16xf32, #tpu.memory_space<vmem>>)
    %mul3A = arith.constant 640 : i32
    %mul3A_14 = arith.muli %arg1, %mul3A : i32
    "tpu.region"() ({
      %run_scoped3A = tpu.sem_alloc : memref<!tpu.dma_semaphore, #tpu.memory_space<semaphore_mem>>
      %dma_start3A_24 = arith.constant 0 : i32
      %dma_start3A_25 = tpu.memref_slice %arg9[%mul3A_14, %dma_start3A_24] : memref<10240x16xf32, #tpu.memory_space<vmem_shared>> -> memref<640x16xf32, #tpu.memory_space<vmem_shared>>
      %dma_start3A_26 = arith.constant 0 : i32
      %dma_start3A_27 = tpu.memref_slice %arg9[%mul3A_14, %dma_start3A_26] : memref<10240x16xf32, #tpu.memory_space<vmem_shared>> -> memref<640x16xf32, #tpu.memory_space<vmem_shared>>
      tpu.enqueue_dma source(%arg8 : memref<640x16xf32, #tpu.memory_space<vmem>>) target(%dma_start3A_27 : memref<640x16xf32, #tpu.memory_space<vmem_shared>>) target_semaphore(%run_scoped3A : memref<!tpu.dma_semaphore, #tpu.memory_space<semaphore_mem>>)
      %dma_wait3A_28 = arith.constant 0 : i32
      %dma_wait3A_29 = tpu.memref_slice %arg9[%mul3A_14, %dma_wait3A_28] : memref<10240x16xf32, #tpu.memory_space<vmem_shared>> -> memref<640x16xf32, #tpu.memory_space<vmem_shared>>
      %dma_wait3A_30 = arith.constant 0 : i32
      %dma_wait3A_31 = tpu.memref_slice %arg9[%mul3A_14, %dma_wait3A_30] : memref<10240x16xf32, #tpu.memory_space<vmem_shared>> -> memref<640x16xf32, #tpu.memory_space<vmem_shared>>
      tpu.wait_dma2 semaphore(%run_scoped3A : memref<!tpu.dma_semaphore, #tpu.memory_space<semaphore_mem>>) src(%arg8 : memref<640x16xf32, #tpu.memory_space<vmem>>) dst(%dma_wait3A_31 : memref<640x16xf32, #tpu.memory_space<vmem_shared>>)
      tpu.yield
    }) : () -> ()
    %barrier3A = arith.constant 0 : index
    tpu.barrier barrier_id(%barrier3A)
    %scan3A = arith.constant 0 : i32
    %scan3A_15 = arith.constant 80 : i32
    %scan3A_16 = arith.addi %scan3A, %scan3A_15 : i32
    %scan3A_17 = arith.constant 1 : i32
    scf.for %scan3A_24 = %scan3A to %scan3A_16 step %scan3A_17  : i32 {
      %mul3A_25 = arith.constant 1 : i32
      %mul3A_26 = arith.muli %scan3A_24, %mul3A_25 : i32
      %add3A = arith.constant 0 : i32
      %add3A_27 = arith.addi %add3A, %mul3A_26 : i32
      %mul3A_28 = arith.constant 2 : i32
      %mul3A_29 = arith.muli %mul3A_28, %add3A_27 : i32
      %add3A_30 = arith.addi %mul3A_29, %arg0 : i32
      "tpu.region"() ({
        %run_scoped3A = tpu.sem_alloc : memref<!tpu.dma_semaphore, #tpu.memory_space<semaphore_mem>>
        %dma_start3A_31 = arith.constant 0 : i32
        %dma_start3A_32 = tpu.memref_slice %arg6[%add3A_30, %dma_start3A_31] : memref<160x128xi32, #tpu.memory_space<vmem>> -> memref<1x128xi32, #tpu.memory_space<vmem>>
        %dma_start3A_33 = tpu.memref_squeeze %dma_start3A_32 : memref<1x128xi32, #tpu.memory_space<vmem>> -> memref<128xi32, #tpu.memory_space<vmem>>
        %dma_start3A_34 = arith.constant 0 : i32
        %dma_start3A_35 = arith.constant 0 : i32
        %dma_start3A_36 = tpu.memref_slice %arg9[%dma_start3A_34, %dma_start3A_35] : memref<10240x16xf32, #tpu.memory_space<vmem_shared>> -> memref<10240x16xf32, #tpu.memory_space<vmem_shared>>
        tpu.enqueue_indirect_dma source(%arg7 : memref<128x16xf32, #tpu.memory_space<vmem>>) target(%dma_start3A_36 : memref<10240x16xf32, #tpu.memory_space<vmem_shared>>) offsets(%dma_start3A_33 : memref<128xi32, #tpu.memory_space<vmem>>) semaphore(%run_scoped3A : memref<!tpu.dma_semaphore, #tpu.memory_space<semaphore_mem>>) {add = true}
        %dma_wait3A_37 = arith.constant 0 : i32
        %dma_wait3A_38 = tpu.memref_slice %arg6[%add3A_30, %dma_wait3A_37] : memref<160x128xi32, #tpu.memory_space<vmem>> -> memref<1x128xi32, #tpu.memory_space<vmem>>
        %dma_wait3A_39 = tpu.memref_squeeze %dma_wait3A_38 : memref<1x128xi32, #tpu.memory_space<vmem>> -> memref<128xi32, #tpu.memory_space<vmem>>
        %dma_wait3A_40 = arith.constant 0 : i32
        %dma_wait3A_41 = arith.constant 0 : i32
        %dma_wait3A_42 = tpu.memref_slice %arg9[%dma_wait3A_40, %dma_wait3A_41] : memref<10240x16xf32, #tpu.memory_space<vmem_shared>> -> memref<10240x16xf32, #tpu.memory_space<vmem_shared>>
        tpu.wait_indirect_dma semaphore(%run_scoped3A : memref<!tpu.dma_semaphore, #tpu.memory_space<semaphore_mem>>) src(%arg7 : memref<128x16xf32, #tpu.memory_space<vmem>>) dst(%dma_wait3A_42 : memref<10240x16xf32, #tpu.memory_space<vmem_shared>>)
        tpu.yield
      }) : () -> ()
    }
    %scan3A_18 = arith.constant 80 : i32
    %barrier3A_19 = arith.constant 0 : index
    tpu.barrier barrier_id(%barrier3A_19)
    %mul3A_20 = arith.constant 640 : i32
    %mul3A_21 = arith.muli %arg1, %mul3A_20 : i32
    %mul3A_22 = arith.constant 640 : i32
    %mul3A_23 = arith.muli %arg1, %mul3A_22 : i32
    "tpu.region"() ({
      %run_scoped3A = tpu.sem_alloc : memref<!tpu.dma_semaphore, #tpu.memory_space<semaphore_mem>>
      %dma_start3A_24 = arith.constant 0 : i32
      %dma_start3A_25 = tpu.memref_slice %arg5[%arg0, %mul3A_23, %dma_start3A_24] : memref<2x10240x16xf32, #tpu.memory_space<hbm>> -> memref<1x640x16xf32, #tpu.memory_space<hbm>>
      %dma_start3A_26 = tpu.memref_squeeze %dma_start3A_25 : memref<1x640x16xf32, #tpu.memory_space<hbm>> -> memref<640x16xf32, #tpu.memory_space<hbm>>
      %dma_start3A_27 = arith.constant 0 : i32
      %dma_start3A_28 = tpu.memref_slice %arg9[%mul3A_21, %dma_start3A_27] : memref<10240x16xf32, #tpu.memory_space<vmem_shared>> -> memref<640x16xf32, #tpu.memory_space<vmem_shared>>
      tpu.enqueue_dma source(%dma_start3A_28 : memref<640x16xf32, #tpu.memory_space<vmem_shared>>) target(%dma_start3A_26 : memref<640x16xf32, #tpu.memory_space<hbm>>) target_semaphore(%run_scoped3A : memref<!tpu.dma_semaphore, #tpu.memory_space<semaphore_mem>>)
      %dma_wait3A_29 = arith.constant 0 : i32
      %dma_wait3A_30 = tpu.memref_slice %arg5[%arg0, %mul3A_23, %dma_wait3A_29] : memref<2x10240x16xf32, #tpu.memory_space<hbm>> -> memref<1x640x16xf32, #tpu.memory_space<hbm>>
      %dma_wait3A_31 = tpu.memref_squeeze %dma_wait3A_30 : memref<1x640x16xf32, #tpu.memory_space<hbm>> -> memref<640x16xf32, #tpu.memory_space<hbm>>
      %dma_wait3A_32 = arith.constant 0 : i32
      %dma_wait3A_33 = tpu.memref_slice %arg9[%mul3A_21, %dma_wait3A_32] : memref<10240x16xf32, #tpu.memory_space<vmem_shared>> -> memref<640x16xf32, #tpu.memory_space<vmem_shared>>
      tpu.wait_dma2 semaphore(%run_scoped3A : memref<!tpu.dma_semaphore, #tpu.memory_space<semaphore_mem>>) src(%dma_wait3A_33 : memref<640x16xf32, #tpu.memory_space<vmem_shared>>) dst(%dma_wait3A_31 : memref<640x16xf32, #tpu.memory_space<hbm>>)
      tpu.yield
    }) : () -> ()
    return
  }
}

#map = affine_map<(d0, d1) -> (0, 0, 0)>
#map1 = affine_map<(d0, d1) -> (0, 0)>
module attributes {stable_mosaic.version = 14 : i64} {
  func.func @_sc_agg(%arg0: i32, %arg1: i32, %arg2: memref<2x10000x64xf32, #tpu.memory_space<hbm>>, %arg3: memref<16x160x128xi32, #tpu.memory_space<hbm>>, %arg4: memref<16x160x128xi32, #tpu.memory_space<hbm>>, %arg5: memref<128x64xf32, #tpu.memory_space<hbm>>, %arg6: memref<2x10240x64xf32, #tpu.memory_space<hbm>>, %arg7: memref<160x128xi32, #tpu.memory_space<vmem>>, %arg8: memref<160x128xi32, #tpu.memory_space<vmem>>, %arg9: memref<128x64xf32, #tpu.memory_space<vmem>>, %arg10: memref<128x64xf32, #tpu.memory_space<vmem>>, %arg11: memref<128x64xf32, #tpu.memory_space<vmem>>, %arg12: memref<128x64xf32, #tpu.memory_space<vmem>>, %arg13: memref<128x64xf32, #tpu.memory_space<vmem>>, %arg14: memref<10240x64xf32, #tpu.memory_space<vmem_shared>>, %arg15: memref<!tpu.dma_semaphore, #tpu.memory_space<semaphore_mem>>, %arg16: memref<!tpu.dma_semaphore, #tpu.memory_space<semaphore_mem>>, %arg17: memref<!tpu.dma_semaphore, #tpu.memory_space<semaphore_mem>>, %arg18: memref<!tpu.dma_semaphore, #tpu.memory_space<semaphore_mem>>, %arg19: memref<!tpu.dma_semaphore, #tpu.memory_space<semaphore_mem>>, %arg20: memref<!tpu.dma_semaphore, #tpu.memory_space<semaphore_mem>>, %arg21: memref<!tpu.dma_semaphore, #tpu.memory_space<semaphore_mem>>, %arg22: memref<!tpu.dma_semaphore, #tpu.memory_space<semaphore_mem>>, %arg23: memref<!tpu.dma_semaphore, #tpu.memory_space<semaphore_mem>>, %arg24: memref<!tpu.dma_semaphore, #tpu.memory_space<semaphore_mem>>, %arg25: memref<!tpu.dma_semaphore, #tpu.memory_space<semaphore_mem>>) attributes {dimension_semantics = [#tpu.dimension_semantics<core_parallel>, #tpu.dimension_semantics<subcore_parallel>], iteration_bounds = array<i64: 2, 16>, scalar_prefetch = 0 : i64, scratch_operands = 19 : i64, tpu.core_type = #tpu.core_type<sc_vector_subcore>, window_params = [{transform_indices = #map}, {transform_indices = #map}, {transform_indices = #map}, {transform_indices = #map1}, {transform_indices = #map}]} {
    %dma_start3A = arith.constant 0 : i32
    %dma_start3A_0 = arith.constant 0 : i32
    %dma_start3A_1 = tpu.memref_slice %arg3[%arg1, %dma_start3A, %dma_start3A_0] : memref<16x160x128xi32, #tpu.memory_space<hbm>> -> memref<1x160x128xi32, #tpu.memory_space<hbm>>
    %dma_start3A_2 = tpu.memref_squeeze %dma_start3A_1 : memref<1x160x128xi32, #tpu.memory_space<hbm>> -> memref<160x128xi32, #tpu.memory_space<hbm>>
    %dma_start3A_3 = arith.constant 0 : i32
    %dma_start3A_4 = arith.constant 0 : i32
    %dma_start3A_5 = tpu.memref_slice %arg3[%arg1, %dma_start3A_3, %dma_start3A_4] : memref<16x160x128xi32, #tpu.memory_space<hbm>> -> memref<1x160x128xi32, #tpu.memory_space<hbm>>
    %dma_start3A_6 = tpu.memref_squeeze %dma_start3A_5 : memref<1x160x128xi32, #tpu.memory_space<hbm>> -> memref<160x128xi32, #tpu.memory_space<hbm>>
    tpu.enqueue_dma source(%dma_start3A_6 : memref<160x128xi32, #tpu.memory_space<hbm>>) target(%arg7 : memref<160x128xi32, #tpu.memory_space<vmem>>) target_semaphore(%arg25 : memref<!tpu.dma_semaphore, #tpu.memory_space<semaphore_mem>>)
    %dma_wait3A = arith.constant 0 : i32
    %dma_wait3A_7 = arith.constant 0 : i32
    %dma_wait3A_8 = tpu.memref_slice %arg3[%arg1, %dma_wait3A, %dma_wait3A_7] : memref<16x160x128xi32, #tpu.memory_space<hbm>> -> memref<1x160x128xi32, #tpu.memory_space<hbm>>
    %dma_wait3A_9 = tpu.memref_squeeze %dma_wait3A_8 : memref<1x160x128xi32, #tpu.memory_space<hbm>> -> memref<160x128xi32, #tpu.memory_space<hbm>>
    %dma_wait3A_10 = arith.constant 0 : i32
    %dma_wait3A_11 = arith.constant 0 : i32
    %dma_wait3A_12 = tpu.memref_slice %arg3[%arg1, %dma_wait3A_10, %dma_wait3A_11] : memref<16x160x128xi32, #tpu.memory_space<hbm>> -> memref<1x160x128xi32, #tpu.memory_space<hbm>>
    %dma_wait3A_13 = tpu.memref_squeeze %dma_wait3A_12 : memref<1x160x128xi32, #tpu.memory_space<hbm>> -> memref<160x128xi32, #tpu.memory_space<hbm>>
    tpu.wait_dma2 semaphore(%arg25 : memref<!tpu.dma_semaphore, #tpu.memory_space<semaphore_mem>>) src(%dma_wait3A_13 : memref<160x128xi32, #tpu.memory_space<hbm>>) dst(%arg7 : memref<160x128xi32, #tpu.memory_space<vmem>>)
    %dma_start3A_14 = arith.constant 0 : i32
    %dma_start3A_15 = arith.constant 0 : i32
    %dma_start3A_16 = tpu.memref_slice %arg4[%arg1, %dma_start3A_14, %dma_start3A_15] : memref<16x160x128xi32, #tpu.memory_space<hbm>> -> memref<1x160x128xi32, #tpu.memory_space<hbm>>
    %dma_start3A_17 = tpu.memref_squeeze %dma_start3A_16 : memref<1x160x128xi32, #tpu.memory_space<hbm>> -> memref<160x128xi32, #tpu.memory_space<hbm>>
    %dma_start3A_18 = arith.constant 0 : i32
    %dma_start3A_19 = arith.constant 0 : i32
    %dma_start3A_20 = tpu.memref_slice %arg4[%arg1, %dma_start3A_18, %dma_start3A_19] : memref<16x160x128xi32, #tpu.memory_space<hbm>> -> memref<1x160x128xi32, #tpu.memory_space<hbm>>
    %dma_start3A_21 = tpu.memref_squeeze %dma_start3A_20 : memref<1x160x128xi32, #tpu.memory_space<hbm>> -> memref<160x128xi32, #tpu.memory_space<hbm>>
    tpu.enqueue_dma source(%dma_start3A_21 : memref<160x128xi32, #tpu.memory_space<hbm>>) target(%arg8 : memref<160x128xi32, #tpu.memory_space<vmem>>) target_semaphore(%arg25 : memref<!tpu.dma_semaphore, #tpu.memory_space<semaphore_mem>>)
    %dma_wait3A_22 = arith.constant 0 : i32
    %dma_wait3A_23 = arith.constant 0 : i32
    %dma_wait3A_24 = tpu.memref_slice %arg4[%arg1, %dma_wait3A_22, %dma_wait3A_23] : memref<16x160x128xi32, #tpu.memory_space<hbm>> -> memref<1x160x128xi32, #tpu.memory_space<hbm>>
    %dma_wait3A_25 = tpu.memref_squeeze %dma_wait3A_24 : memref<1x160x128xi32, #tpu.memory_space<hbm>> -> memref<160x128xi32, #tpu.memory_space<hbm>>
    %dma_wait3A_26 = arith.constant 0 : i32
    %dma_wait3A_27 = arith.constant 0 : i32
    %dma_wait3A_28 = tpu.memref_slice %arg4[%arg1, %dma_wait3A_26, %dma_wait3A_27] : memref<16x160x128xi32, #tpu.memory_space<hbm>> -> memref<1x160x128xi32, #tpu.memory_space<hbm>>
    %dma_wait3A_29 = tpu.memref_squeeze %dma_wait3A_28 : memref<1x160x128xi32, #tpu.memory_space<hbm>> -> memref<160x128xi32, #tpu.memory_space<hbm>>
    tpu.wait_dma2 semaphore(%arg25 : memref<!tpu.dma_semaphore, #tpu.memory_space<semaphore_mem>>) src(%dma_wait3A_29 : memref<160x128xi32, #tpu.memory_space<hbm>>) dst(%arg8 : memref<160x128xi32, #tpu.memory_space<vmem>>)
    tpu.enqueue_dma source(%arg5 : memref<128x64xf32, #tpu.memory_space<hbm>>) target(%arg9 : memref<128x64xf32, #tpu.memory_space<vmem>>) target_semaphore(%arg25 : memref<!tpu.dma_semaphore, #tpu.memory_space<semaphore_mem>>)
    tpu.wait_dma2 semaphore(%arg25 : memref<!tpu.dma_semaphore, #tpu.memory_space<semaphore_mem>>) src(%arg5 : memref<128x64xf32, #tpu.memory_space<hbm>>) dst(%arg9 : memref<128x64xf32, #tpu.memory_space<vmem>>)
    %scan3A = arith.constant 0 : i32
    %scan3A_30 = arith.constant 5 : i32
    %scan3A_31 = arith.addi %scan3A, %scan3A_30 : i32
    %scan3A_32 = arith.constant 1 : i32
    scf.for %scan3A_45 = %scan3A to %scan3A_31 step %scan3A_32  : i32 {
      %mul3A = arith.constant 1 : i32
      %mul3A_46 = arith.muli %scan3A_45, %mul3A : i32
      %add3A = arith.constant 0 : i32
      %add3A_47 = arith.addi %add3A, %mul3A_46 : i32
      %mul3A_48 = arith.constant 640 : i32
      %mul3A_49 = arith.muli %arg1, %mul3A_48 : i32
      %mul3A_50 = arith.constant 128 : i32
      %mul3A_51 = arith.muli %add3A_47, %mul3A_50 : i32
      %add3A_52 = arith.addi %mul3A_49, %mul3A_51 : i32
      "tpu.region"() ({
        %run_scoped3A = tpu.sem_alloc : memref<!tpu.dma_semaphore, #tpu.memory_space<semaphore_mem>>
        %dma_start3A_53 = arith.constant 0 : i32
        %dma_start3A_54 = tpu.memref_slice %arg14[%add3A_52, %dma_start3A_53] : memref<10240x64xf32, #tpu.memory_space<vmem_shared>> -> memref<128x64xf32, #tpu.memory_space<vmem_shared>>
        %dma_start3A_55 = arith.constant 0 : i32
        %dma_start3A_56 = tpu.memref_slice %arg14[%add3A_52, %dma_start3A_55] : memref<10240x64xf32, #tpu.memory_space<vmem_shared>> -> memref<128x64xf32, #tpu.memory_space<vmem_shared>>
        tpu.enqueue_dma source(%arg9 : memref<128x64xf32, #tpu.memory_space<vmem>>) target(%dma_start3A_56 : memref<128x64xf32, #tpu.memory_space<vmem_shared>>) target_semaphore(%run_scoped3A : memref<!tpu.dma_semaphore, #tpu.memory_space<semaphore_mem>>)
        %dma_wait3A_57 = arith.constant 0 : i32
        %dma_wait3A_58 = tpu.memref_slice %arg14[%add3A_52, %dma_wait3A_57] : memref<10240x64xf32, #tpu.memory_space<vmem_shared>> -> memref<128x64xf32, #tpu.memory_space<vmem_shared>>
        %dma_wait3A_59 = arith.constant 0 : i32
        %dma_wait3A_60 = tpu.memref_slice %arg14[%add3A_52, %dma_wait3A_59] : memref<10240x64xf32, #tpu.memory_space<vmem_shared>> -> memref<128x64xf32, #tpu.memory_space<vmem_shared>>
        tpu.wait_dma2 semaphore(%run_scoped3A : memref<!tpu.dma_semaphore, #tpu.memory_space<semaphore_mem>>) src(%arg9 : memref<128x64xf32, #tpu.memory_space<vmem>>) dst(%dma_wait3A_60 : memref<128x64xf32, #tpu.memory_space<vmem_shared>>)
        tpu.yield
      }) : () -> ()
    }
    %scan3A_33 = arith.constant 5 : i32
    %barrier3A = arith.constant 0 : index
    tpu.barrier barrier_id(%barrier3A)
    %scan3A_34 = arith.constant 0 : i32
    %scan3A_35 = arith.constant 33 : i32
    %scan3A_36 = arith.addi %scan3A_34, %scan3A_35 : i32
    %scan3A_37 = arith.constant 1 : i32
    scf.for %scan3A_45 = %scan3A_34 to %scan3A_36 step %scan3A_37  : i32 {
      %mul3A = arith.constant 5 : i32
      %mul3A_46 = arith.muli %scan3A_45, %mul3A : i32
      %add3A = arith.constant 0 : i32
      %add3A_47 = arith.addi %add3A, %mul3A_46 : i32
      %add3A_48 = arith.constant 0 : i32
      %add3A_49 = arith.addi %add3A_47, %add3A_48 : i32
      %sub3A = arith.constant 3 : i32
      %sub3A_50 = arith.subi %add3A_49, %sub3A : i32
      %ge3A = arith.constant 5 : i32
      %ge3A_51 = arith.cmpi sge, %add3A_49, %ge3A : i32
      %convert_element_type3A = arith.extui %ge3A_51 : i1 to i32
      %cond3A = arith.constant 0 : i32
      %cond3A_52 = arith.cmpi ne, %convert_element_type3A, %cond3A : i32
      scf.if %cond3A_52 {
        %sub3A_152 = arith.constant 5 : i32
        %sub3A_153 = arith.subi %add3A_49, %sub3A_152 : i32
        %dma_wait3A_154 = arith.constant 0 : i32
        %dma_wait3A_155 = tpu.memref_slice %arg8[%sub3A_153, %dma_wait3A_154] : memref<160x128xi32, #tpu.memory_space<vmem>> -> memref<1x128xi32, #tpu.memory_space<vmem>>
        %dma_wait3A_156 = tpu.memref_squeeze %dma_wait3A_155 : memref<1x128xi32, #tpu.memory_space<vmem>> -> memref<128xi32, #tpu.memory_space<vmem>>
        %dma_wait3A_157 = arith.constant 0 : i32
        %dma_wait3A_158 = arith.constant 0 : i32
        %dma_wait3A_159 = tpu.memref_slice %arg14[%dma_wait3A_157, %dma_wait3A_158] : memref<10240x64xf32, #tpu.memory_space<vmem_shared>> -> memref<10240x64xf32, #tpu.memory_space<vmem_shared>>
        tpu.wait_indirect_dma semaphore(%arg20 : memref<!tpu.dma_semaphore, #tpu.memory_space<semaphore_mem>>) src(%arg9 : memref<128x64xf32, #tpu.memory_space<vmem>>) dst(%dma_wait3A_159 : memref<10240x64xf32, #tpu.memory_space<vmem_shared>>)
      } else {
      }
      %lt3A = arith.constant 160 : i32
      %lt3A_53 = arith.cmpi slt, %add3A_49, %lt3A : i32
      %convert_element_type3A_54 = arith.extui %lt3A_53 : i1 to i32
      %cond3A_55 = arith.constant 0 : i32
      %cond3A_56 = arith.cmpi ne, %convert_element_type3A_54, %cond3A_55 : i32
      scf.if %cond3A_56 {
        %dma_start3A_152 = arith.constant 0 : i32
        %dma_start3A_153 = tpu.memref_slice %arg7[%add3A_49, %dma_start3A_152] : memref<160x128xi32, #tpu.memory_space<vmem>> -> memref<1x128xi32, #tpu.memory_space<vmem>>
        %dma_start3A_154 = tpu.memref_squeeze %dma_start3A_153 : memref<1x128xi32, #tpu.memory_space<vmem>> -> memref<128xi32, #tpu.memory_space<vmem>>
        %dma_start3A_155 = arith.constant 0 : i32
        %dma_start3A_156 = arith.constant 0 : i32
        %dma_start3A_157 = tpu.memref_slice %arg2[%arg0, %dma_start3A_155, %dma_start3A_156] : memref<2x10000x64xf32, #tpu.memory_space<hbm>> -> memref<1x10000x64xf32, #tpu.memory_space<hbm>>
        %dma_start3A_158 = tpu.memref_squeeze %dma_start3A_157 : memref<1x10000x64xf32, #tpu.memory_space<hbm>> -> memref<10000x64xf32, #tpu.memory_space<hbm>>
        %dma_start3A_159 = arith.constant 0 : i32
        %dma_start3A_160 = arith.constant 0 : i32
        %dma_start3A_161 = tpu.memref_slice %dma_start3A_158[%dma_start3A_159, %dma_start3A_160] : memref<10000x64xf32, #tpu.memory_space<hbm>> -> memref<10000x64xf32, #tpu.memory_space<hbm>>
        tpu.enqueue_indirect_dma source(%dma_start3A_161 : memref<10000x64xf32, #tpu.memory_space<hbm>>) target(%arg9 : memref<128x64xf32, #tpu.memory_space<vmem>>) offsets(%dma_start3A_154 : memref<128xi32, #tpu.memory_space<vmem>>) semaphore(%arg15 : memref<!tpu.dma_semaphore, #tpu.memory_space<semaphore_mem>>)
      } else {
      }
      %ge3A_57 = arith.constant 0 : i32
      %ge3A_58 = arith.cmpi sge, %sub3A_50, %ge3A_57 : i32
      %lt3A_59 = arith.constant 160 : i32
      %lt3A_60 = arith.cmpi slt, %sub3A_50, %lt3A_59 : i32
      %and3A = arith.andi %ge3A_58, %lt3A_60 : i1
      %convert_element_type3A_61 = arith.extui %and3A : i1 to i32
      %cond3A_62 = arith.constant 0 : i32
      %cond3A_63 = arith.cmpi ne, %convert_element_type3A_61, %cond3A_62 : i32
      scf.if %cond3A_63 {
        %dma_wait3A_152 = arith.constant 0 : i32
        %dma_wait3A_153 = tpu.memref_slice %arg7[%sub3A_50, %dma_wait3A_152] : memref<160x128xi32, #tpu.memory_space<vmem>> -> memref<1x128xi32, #tpu.memory_space<vmem>>
        %dma_wait3A_154 = tpu.memref_squeeze %dma_wait3A_153 : memref<1x128xi32, #tpu.memory_space<vmem>> -> memref<128xi32, #tpu.memory_space<vmem>>
        %dma_wait3A_155 = arith.constant 0 : i32
        %dma_wait3A_156 = arith.constant 0 : i32
        %dma_wait3A_157 = tpu.memref_slice %arg2[%arg0, %dma_wait3A_155, %dma_wait3A_156] : memref<2x10000x64xf32, #tpu.memory_space<hbm>> -> memref<1x10000x64xf32, #tpu.memory_space<hbm>>
        %dma_wait3A_158 = tpu.memref_squeeze %dma_wait3A_157 : memref<1x10000x64xf32, #tpu.memory_space<hbm>> -> memref<10000x64xf32, #tpu.memory_space<hbm>>
        %dma_wait3A_159 = arith.constant 0 : i32
        %dma_wait3A_160 = arith.constant 0 : i32
        %dma_wait3A_161 = tpu.memref_slice %dma_wait3A_158[%dma_wait3A_159, %dma_wait3A_160] : memref<10000x64xf32, #tpu.memory_space<hbm>> -> memref<10000x64xf32, #tpu.memory_space<hbm>>
        tpu.wait_indirect_dma semaphore(%arg17 : memref<!tpu.dma_semaphore, #tpu.memory_space<semaphore_mem>>) src(%dma_wait3A_161 : memref<10000x64xf32, #tpu.memory_space<hbm>>) dst(%arg11 : memref<128x64xf32, #tpu.memory_space<vmem>>)
        %dma_start3A_162 = arith.constant 0 : i32
        %dma_start3A_163 = tpu.memref_slice %arg8[%sub3A_50, %dma_start3A_162] : memref<160x128xi32, #tpu.memory_space<vmem>> -> memref<1x128xi32, #tpu.memory_space<vmem>>
        %dma_start3A_164 = tpu.memref_squeeze %dma_start3A_163 : memref<1x128xi32, #tpu.memory_space<vmem>> -> memref<128xi32, #tpu.memory_space<vmem>>
        %dma_start3A_165 = arith.constant 0 : i32
        %dma_start3A_166 = arith.constant 0 : i32
        %dma_start3A_167 = tpu.memref_slice %arg14[%dma_start3A_165, %dma_start3A_166] : memref<10240x64xf32, #tpu.memory_space<vmem_shared>> -> memref<10240x64xf32, #tpu.memory_space<vmem_shared>>
        tpu.enqueue_indirect_dma source(%arg11 : memref<128x64xf32, #tpu.memory_space<vmem>>) target(%dma_start3A_167 : memref<10240x64xf32, #tpu.memory_space<vmem_shared>>) offsets(%dma_start3A_164 : memref<128xi32, #tpu.memory_space<vmem>>) semaphore(%arg22 : memref<!tpu.dma_semaphore, #tpu.memory_space<semaphore_mem>>) {add = true}
      } else {
      }
      %add3A_64 = arith.constant 1 : i32
      %add3A_65 = arith.addi %add3A_47, %add3A_64 : i32
      %sub3A_66 = arith.constant 3 : i32
      %sub3A_67 = arith.subi %add3A_65, %sub3A_66 : i32
      %ge3A_68 = arith.constant 5 : i32
      %ge3A_69 = arith.cmpi sge, %add3A_65, %ge3A_68 : i32
      %convert_element_type3A_70 = arith.extui %ge3A_69 : i1 to i32
      %cond3A_71 = arith.constant 0 : i32
      %cond3A_72 = arith.cmpi ne, %convert_element_type3A_70, %cond3A_71 : i32
      scf.if %cond3A_72 {
        %sub3A_152 = arith.constant 5 : i32
        %sub3A_153 = arith.subi %add3A_65, %sub3A_152 : i32
        %dma_wait3A_154 = arith.constant 0 : i32
        %dma_wait3A_155 = tpu.memref_slice %arg8[%sub3A_153, %dma_wait3A_154] : memref<160x128xi32, #tpu.memory_space<vmem>> -> memref<1x128xi32, #tpu.memory_space<vmem>>
        %dma_wait3A_156 = tpu.memref_squeeze %dma_wait3A_155 : memref<1x128xi32, #tpu.memory_space<vmem>> -> memref<128xi32, #tpu.memory_space<vmem>>
        %dma_wait3A_157 = arith.constant 0 : i32
        %dma_wait3A_158 = arith.constant 0 : i32
        %dma_wait3A_159 = tpu.memref_slice %arg14[%dma_wait3A_157, %dma_wait3A_158] : memref<10240x64xf32, #tpu.memory_space<vmem_shared>> -> memref<10240x64xf32, #tpu.memory_space<vmem_shared>>
        tpu.wait_indirect_dma semaphore(%arg21 : memref<!tpu.dma_semaphore, #tpu.memory_space<semaphore_mem>>) src(%arg10 : memref<128x64xf32, #tpu.memory_space<vmem>>) dst(%dma_wait3A_159 : memref<10240x64xf32, #tpu.memory_space<vmem_shared>>)
      } else {
      }
      %lt3A_73 = arith.constant 160 : i32
      %lt3A_74 = arith.cmpi slt, %add3A_65, %lt3A_73 : i32
      %convert_element_type3A_75 = arith.extui %lt3A_74 : i1 to i32
      %cond3A_76 = arith.constant 0 : i32
      %cond3A_77 = arith.cmpi ne, %convert_element_type3A_75, %cond3A_76 : i32
      scf.if %cond3A_77 {
        %dma_start3A_152 = arith.constant 0 : i32
        %dma_start3A_153 = tpu.memref_slice %arg7[%add3A_65, %dma_start3A_152] : memref<160x128xi32, #tpu.memory_space<vmem>> -> memref<1x128xi32, #tpu.memory_space<vmem>>
        %dma_start3A_154 = tpu.memref_squeeze %dma_start3A_153 : memref<1x128xi32, #tpu.memory_space<vmem>> -> memref<128xi32, #tpu.memory_space<vmem>>
        %dma_start3A_155 = arith.constant 0 : i32
        %dma_start3A_156 = arith.constant 0 : i32
        %dma_start3A_157 = tpu.memref_slice %arg2[%arg0, %dma_start3A_155, %dma_start3A_156] : memref<2x10000x64xf32, #tpu.memory_space<hbm>> -> memref<1x10000x64xf32, #tpu.memory_space<hbm>>
        %dma_start3A_158 = tpu.memref_squeeze %dma_start3A_157 : memref<1x10000x64xf32, #tpu.memory_space<hbm>> -> memref<10000x64xf32, #tpu.memory_space<hbm>>
        %dma_start3A_159 = arith.constant 0 : i32
        %dma_start3A_160 = arith.constant 0 : i32
        %dma_start3A_161 = tpu.memref_slice %dma_start3A_158[%dma_start3A_159, %dma_start3A_160] : memref<10000x64xf32, #tpu.memory_space<hbm>> -> memref<10000x64xf32, #tpu.memory_space<hbm>>
        tpu.enqueue_indirect_dma source(%dma_start3A_161 : memref<10000x64xf32, #tpu.memory_space<hbm>>) target(%arg10 : memref<128x64xf32, #tpu.memory_space<vmem>>) offsets(%dma_start3A_154 : memref<128xi32, #tpu.memory_space<vmem>>) semaphore(%arg16 : memref<!tpu.dma_semaphore, #tpu.memory_space<semaphore_mem>>)
      } else {
      }
      %ge3A_78 = arith.constant 0 : i32
      %ge3A_79 = arith.cmpi sge, %sub3A_67, %ge3A_78 : i32
      %lt3A_80 = arith.constant 160 : i32
      %lt3A_81 = arith.cmpi slt, %sub3A_67, %lt3A_80 : i32
      %and3A_82 = arith.andi %ge3A_79, %lt3A_81 : i1
      %convert_element_type3A_83 = arith.extui %and3A_82 : i1 to i32
      %cond3A_84 = arith.constant 0 : i32
      %cond3A_85 = arith.cmpi ne, %convert_element_type3A_83, %cond3A_84 : i32
      scf.if %cond3A_85 {
        %dma_wait3A_152 = arith.constant 0 : i32
        %dma_wait3A_153 = tpu.memref_slice %arg7[%sub3A_67, %dma_wait3A_152] : memref<160x128xi32, #tpu.memory_space<vmem>> -> memref<1x128xi32, #tpu.memory_space<vmem>>
        %dma_wait3A_154 = tpu.memref_squeeze %dma_wait3A_153 : memref<1x128xi32, #tpu.memory_space<vmem>> -> memref<128xi32, #tpu.memory_space<vmem>>
        %dma_wait3A_155 = arith.constant 0 : i32
        %dma_wait3A_156 = arith.constant 0 : i32
        %dma_wait3A_157 = tpu.memref_slice %arg2[%arg0, %dma_wait3A_155, %dma_wait3A_156] : memref<2x10000x64xf32, #tpu.memory_space<hbm>> -> memref<1x10000x64xf32, #tpu.memory_space<hbm>>
        %dma_wait3A_158 = tpu.memref_squeeze %dma_wait3A_157 : memref<1x10000x64xf32, #tpu.memory_space<hbm>> -> memref<10000x64xf32, #tpu.memory_space<hbm>>
        %dma_wait3A_159 = arith.constant 0 : i32
        %dma_wait3A_160 = arith.constant 0 : i32
        %dma_wait3A_161 = tpu.memref_slice %dma_wait3A_158[%dma_wait3A_159, %dma_wait3A_160] : memref<10000x64xf32, #tpu.memory_space<hbm>> -> memref<10000x64xf32, #tpu.memory_space<hbm>>
        tpu.wait_indirect_dma semaphore(%arg18 : memref<!tpu.dma_semaphore, #tpu.memory_space<semaphore_mem>>) src(%dma_wait3A_161 : memref<10000x64xf32, #tpu.memory_space<hbm>>) dst(%arg12 : memref<128x64xf32, #tpu.memory_space<vmem>>)
        %dma_start3A_162 = arith.constant 0 : i32
        %dma_start3A_163 = tpu.memref_slice %arg8[%sub3A_67, %dma_start3A_162] : memref<160x128xi32, #tpu.memory_space<vmem>> -> memref<1x128xi32, #tpu.memory_space<vmem>>
        %dma_start3A_164 = tpu.memref_squeeze %dma_start3A_163 : memref<1x128xi32, #tpu.memory_space<vmem>> -> memref<128xi32, #tpu.memory_space<vmem>>
        %dma_start3A_165 = arith.constant 0 : i32
        %dma_start3A_166 = arith.constant 0 : i32
        %dma_start3A_167 = tpu.memref_slice %arg14[%dma_start3A_165, %dma_start3A_166] : memref<10240x64xf32, #tpu.memory_space<vmem_shared>> -> memref<10240x64xf32, #tpu.memory_space<vmem_shared>>
        tpu.enqueue_indirect_dma source(%arg12 : memref<128x64xf32, #tpu.memory_space<vmem>>) target(%dma_start3A_167 : memref<10240x64xf32, #tpu.memory_space<vmem_shared>>) offsets(%dma_start3A_164 : memref<128xi32, #tpu.memory_space<vmem>>) semaphore(%arg23 : memref<!tpu.dma_semaphore, #tpu.memory_space<semaphore_mem>>) {add = true}
      } else {
      }
      %add3A_86 = arith.constant 2 : i32
      %add3A_87 = arith.addi %add3A_47, %add3A_86 : i32
      %sub3A_88 = arith.constant 3 : i32
      %sub3A_89 = arith.subi %add3A_87, %sub3A_88 : i32
      %ge3A_90 = arith.constant 5 : i32
      %ge3A_91 = arith.cmpi sge, %add3A_87, %ge3A_90 : i32
      %convert_element_type3A_92 = arith.extui %ge3A_91 : i1 to i32
      %cond3A_93 = arith.constant 0 : i32
      %cond3A_94 = arith.cmpi ne, %convert_element_type3A_92, %cond3A_93 : i32
      scf.if %cond3A_94 {
        %sub3A_152 = arith.constant 5 : i32
        %sub3A_153 = arith.subi %add3A_87, %sub3A_152 : i32
        %dma_wait3A_154 = arith.constant 0 : i32
        %dma_wait3A_155 = tpu.memref_slice %arg8[%sub3A_153, %dma_wait3A_154] : memref<160x128xi32, #tpu.memory_space<vmem>> -> memref<1x128xi32, #tpu.memory_space<vmem>>
        %dma_wait3A_156 = tpu.memref_squeeze %dma_wait3A_155 : memref<1x128xi32, #tpu.memory_space<vmem>> -> memref<128xi32, #tpu.memory_space<vmem>>
        %dma_wait3A_157 = arith.constant 0 : i32
        %dma_wait3A_158 = arith.constant 0 : i32
        %dma_wait3A_159 = tpu.memref_slice %arg14[%dma_wait3A_157, %dma_wait3A_158] : memref<10240x64xf32, #tpu.memory_space<vmem_shared>> -> memref<10240x64xf32, #tpu.memory_space<vmem_shared>>
        tpu.wait_indirect_dma semaphore(%arg22 : memref<!tpu.dma_semaphore, #tpu.memory_space<semaphore_mem>>) src(%arg11 : memref<128x64xf32, #tpu.memory_space<vmem>>) dst(%dma_wait3A_159 : memref<10240x64xf32, #tpu.memory_space<vmem_shared>>)
      } else {
      }
      %lt3A_95 = arith.constant 160 : i32
      %lt3A_96 = arith.cmpi slt, %add3A_87, %lt3A_95 : i32
      %convert_element_type3A_97 = arith.extui %lt3A_96 : i1 to i32
      %cond3A_98 = arith.constant 0 : i32
      %cond3A_99 = arith.cmpi ne, %convert_element_type3A_97, %cond3A_98 : i32
      scf.if %cond3A_99 {
        %dma_start3A_152 = arith.constant 0 : i32
        %dma_start3A_153 = tpu.memref_slice %arg7[%add3A_87, %dma_start3A_152] : memref<160x128xi32, #tpu.memory_space<vmem>> -> memref<1x128xi32, #tpu.memory_space<vmem>>
        %dma_start3A_154 = tpu.memref_squeeze %dma_start3A_153 : memref<1x128xi32, #tpu.memory_space<vmem>> -> memref<128xi32, #tpu.memory_space<vmem>>
        %dma_start3A_155 = arith.constant 0 : i32
        %dma_start3A_156 = arith.constant 0 : i32
        %dma_start3A_157 = tpu.memref_slice %arg2[%arg0, %dma_start3A_155, %dma_start3A_156] : memref<2x10000x64xf32, #tpu.memory_space<hbm>> -> memref<1x10000x64xf32, #tpu.memory_space<hbm>>
        %dma_start3A_158 = tpu.memref_squeeze %dma_start3A_157 : memref<1x10000x64xf32, #tpu.memory_space<hbm>> -> memref<10000x64xf32, #tpu.memory_space<hbm>>
        %dma_start3A_159 = arith.constant 0 : i32
        %dma_start3A_160 = arith.constant 0 : i32
        %dma_start3A_161 = tpu.memref_slice %dma_start3A_158[%dma_start3A_159, %dma_start3A_160] : memref<10000x64xf32, #tpu.memory_space<hbm>> -> memref<10000x64xf32, #tpu.memory_space<hbm>>
        tpu.enqueue_indirect_dma source(%dma_start3A_161 : memref<10000x64xf32, #tpu.memory_space<hbm>>) target(%arg11 : memref<128x64xf32, #tpu.memory_space<vmem>>) offsets(%dma_start3A_154 : memref<128xi32, #tpu.memory_space<vmem>>) semaphore(%arg17 : memref<!tpu.dma_semaphore, #tpu.memory_space<semaphore_mem>>)
      } else {
      }
      %ge3A_100 = arith.constant 0 : i32
      %ge3A_101 = arith.cmpi sge, %sub3A_89, %ge3A_100 : i32
      %lt3A_102 = arith.constant 160 : i32
      %lt3A_103 = arith.cmpi slt, %sub3A_89, %lt3A_102 : i32
      %and3A_104 = arith.andi %ge3A_101, %lt3A_103 : i1
      %convert_element_type3A_105 = arith.extui %and3A_104 : i1 to i32
      %cond3A_106 = arith.constant 0 : i32
      %cond3A_107 = arith.cmpi ne, %convert_element_type3A_105, %cond3A_106 : i32
      scf.if %cond3A_107 {
        %dma_wait3A_152 = arith.constant 0 : i32
        %dma_wait3A_153 = tpu.memref_slice %arg7[%sub3A_89, %dma_wait3A_152] : memref<160x128xi32, #tpu.memory_space<vmem>> -> memref<1x128xi32, #tpu.memory_space<vmem>>
        %dma_wait3A_154 = tpu.memref_squeeze %dma_wait3A_153 : memref<1x128xi32, #tpu.memory_space<vmem>> -> memref<128xi32, #tpu.memory_space<vmem>>
        %dma_wait3A_155 = arith.constant 0 : i32
        %dma_wait3A_156 = arith.constant 0 : i32
        %dma_wait3A_157 = tpu.memref_slice %arg2[%arg0, %dma_wait3A_155, %dma_wait3A_156] : memref<2x10000x64xf32, #tpu.memory_space<hbm>> -> memref<1x10000x64xf32, #tpu.memory_space<hbm>>
        %dma_wait3A_158 = tpu.memref_squeeze %dma_wait3A_157 : memref<1x10000x64xf32, #tpu.memory_space<hbm>> -> memref<10000x64xf32, #tpu.memory_space<hbm>>
        %dma_wait3A_159 = arith.constant 0 : i32
        %dma_wait3A_160 = arith.constant 0 : i32
        %dma_wait3A_161 = tpu.memref_slice %dma_wait3A_158[%dma_wait3A_159, %dma_wait3A_160] : memref<10000x64xf32, #tpu.memory_space<hbm>> -> memref<10000x64xf32, #tpu.memory_space<hbm>>
        tpu.wait_indirect_dma semaphore(%arg19 : memref<!tpu.dma_semaphore, #tpu.memory_space<semaphore_mem>>) src(%dma_wait3A_161 : memref<10000x64xf32, #tpu.memory_space<hbm>>) dst(%arg13 : memref<128x64xf32, #tpu.memory_space<vmem>>)
        %dma_start3A_162 = arith.constant 0 : i32
        %dma_start3A_163 = tpu.memref_slice %arg8[%sub3A_89, %dma_start3A_162] : memref<160x128xi32, #tpu.memory_space<vmem>> -> memref<1x128xi32, #tpu.memory_space<vmem>>
        %dma_start3A_164 = tpu.memref_squeeze %dma_start3A_163 : memref<1x128xi32, #tpu.memory_space<vmem>> -> memref<128xi32, #tpu.memory_space<vmem>>
        %dma_start3A_165 = arith.constant 0 : i32
        %dma_start3A_166 = arith.constant 0 : i32
        %dma_start3A_167 = tpu.memref_slice %arg14[%dma_start3A_165, %dma_start3A_166] : memref<10240x64xf32, #tpu.memory_space<vmem_shared>> -> memref<10240x64xf32, #tpu.memory_space<vmem_shared>>
        tpu.enqueue_indirect_dma source(%arg13 : memref<128x64xf32, #tpu.memory_space<vmem>>) target(%dma_start3A_167 : memref<10240x64xf32, #tpu.memory_space<vmem_shared>>) offsets(%dma_start3A_164 : memref<128xi32, #tpu.memory_space<vmem>>) semaphore(%arg24 : memref<!tpu.dma_semaphore, #tpu.memory_space<semaphore_mem>>) {add = true}
      } else {
      }
      %add3A_108 = arith.constant 3 : i32
      %add3A_109 = arith.addi %add3A_47, %add3A_108 : i32
      %sub3A_110 = arith.constant 3 : i32
      %sub3A_111 = arith.subi %add3A_109, %sub3A_110 : i32
      %ge3A_112 = arith.constant 5 : i32
      %ge3A_113 = arith.cmpi sge, %add3A_109, %ge3A_112 : i32
      %convert_element_type3A_114 = arith.extui %ge3A_113 : i1 to i32
      %cond3A_115 = arith.constant 0 : i32
      %cond3A_116 = arith.cmpi ne, %convert_element_type3A_114, %cond3A_115 : i32
      scf.if %cond3A_116 {
        %sub3A_152 = arith.constant 5 : i32
        %sub3A_153 = arith.subi %add3A_109, %sub3A_152 : i32
        %dma_wait3A_154 = arith.constant 0 : i32
        %dma_wait3A_155 = tpu.memref_slice %arg8[%sub3A_153, %dma_wait3A_154] : memref<160x128xi32, #tpu.memory_space<vmem>> -> memref<1x128xi32, #tpu.memory_space<vmem>>
        %dma_wait3A_156 = tpu.memref_squeeze %dma_wait3A_155 : memref<1x128xi32, #tpu.memory_space<vmem>> -> memref<128xi32, #tpu.memory_space<vmem>>
        %dma_wait3A_157 = arith.constant 0 : i32
        %dma_wait3A_158 = arith.constant 0 : i32
        %dma_wait3A_159 = tpu.memref_slice %arg14[%dma_wait3A_157, %dma_wait3A_158] : memref<10240x64xf32, #tpu.memory_space<vmem_shared>> -> memref<10240x64xf32, #tpu.memory_space<vmem_shared>>
        tpu.wait_indirect_dma semaphore(%arg23 : memref<!tpu.dma_semaphore, #tpu.memory_space<semaphore_mem>>) src(%arg12 : memref<128x64xf32, #tpu.memory_space<vmem>>) dst(%dma_wait3A_159 : memref<10240x64xf32, #tpu.memory_space<vmem_shared>>)
      } else {
      }
      %lt3A_117 = arith.constant 160 : i32
      %lt3A_118 = arith.cmpi slt, %add3A_109, %lt3A_117 : i32
      %convert_element_type3A_119 = arith.extui %lt3A_118 : i1 to i32
      %cond3A_120 = arith.constant 0 : i32
      %cond3A_121 = arith.cmpi ne, %convert_element_type3A_119, %cond3A_120 : i32
      scf.if %cond3A_121 {
        %dma_start3A_152 = arith.constant 0 : i32
        %dma_start3A_153 = tpu.memref_slice %arg7[%add3A_109, %dma_start3A_152] : memref<160x128xi32, #tpu.memory_space<vmem>> -> memref<1x128xi32, #tpu.memory_space<vmem>>
        %dma_start3A_154 = tpu.memref_squeeze %dma_start3A_153 : memref<1x128xi32, #tpu.memory_space<vmem>> -> memref<128xi32, #tpu.memory_space<vmem>>
        %dma_start3A_155 = arith.constant 0 : i32
        %dma_start3A_156 = arith.constant 0 : i32
        %dma_start3A_157 = tpu.memref_slice %arg2[%arg0, %dma_start3A_155, %dma_start3A_156] : memref<2x10000x64xf32, #tpu.memory_space<hbm>> -> memref<1x10000x64xf32, #tpu.memory_space<hbm>>
        %dma_start3A_158 = tpu.memref_squeeze %dma_start3A_157 : memref<1x10000x64xf32, #tpu.memory_space<hbm>> -> memref<10000x64xf32, #tpu.memory_space<hbm>>
        %dma_start3A_159 = arith.constant 0 : i32
        %dma_start3A_160 = arith.constant 0 : i32
        %dma_start3A_161 = tpu.memref_slice %dma_start3A_158[%dma_start3A_159, %dma_start3A_160] : memref<10000x64xf32, #tpu.memory_space<hbm>> -> memref<10000x64xf32, #tpu.memory_space<hbm>>
        tpu.enqueue_indirect_dma source(%dma_start3A_161 : memref<10000x64xf32, #tpu.memory_space<hbm>>) target(%arg12 : memref<128x64xf32, #tpu.memory_space<vmem>>) offsets(%dma_start3A_154 : memref<128xi32, #tpu.memory_space<vmem>>) semaphore(%arg18 : memref<!tpu.dma_semaphore, #tpu.memory_space<semaphore_mem>>)
      } else {
      }
      %ge3A_122 = arith.constant 0 : i32
      %ge3A_123 = arith.cmpi sge, %sub3A_111, %ge3A_122 : i32
      %lt3A_124 = arith.constant 160 : i32
      %lt3A_125 = arith.cmpi slt, %sub3A_111, %lt3A_124 : i32
      %and3A_126 = arith.andi %ge3A_123, %lt3A_125 : i1
      %convert_element_type3A_127 = arith.extui %and3A_126 : i1 to i32
      %cond3A_128 = arith.constant 0 : i32
      %cond3A_129 = arith.cmpi ne, %convert_element_type3A_127, %cond3A_128 : i32
      scf.if %cond3A_129 {
        %dma_wait3A_152 = arith.constant 0 : i32
        %dma_wait3A_153 = tpu.memref_slice %arg7[%sub3A_111, %dma_wait3A_152] : memref<160x128xi32, #tpu.memory_space<vmem>> -> memref<1x128xi32, #tpu.memory_space<vmem>>
        %dma_wait3A_154 = tpu.memref_squeeze %dma_wait3A_153 : memref<1x128xi32, #tpu.memory_space<vmem>> -> memref<128xi32, #tpu.memory_space<vmem>>
        %dma_wait3A_155 = arith.constant 0 : i32
        %dma_wait3A_156 = arith.constant 0 : i32
        %dma_wait3A_157 = tpu.memref_slice %arg2[%arg0, %dma_wait3A_155, %dma_wait3A_156] : memref<2x10000x64xf32, #tpu.memory_space<hbm>> -> memref<1x10000x64xf32, #tpu.memory_space<hbm>>
        %dma_wait3A_158 = tpu.memref_squeeze %dma_wait3A_157 : memref<1x10000x64xf32, #tpu.memory_space<hbm>> -> memref<10000x64xf32, #tpu.memory_space<hbm>>
        %dma_wait3A_159 = arith.constant 0 : i32
        %dma_wait3A_160 = arith.constant 0 : i32
        %dma_wait3A_161 = tpu.memref_slice %dma_wait3A_158[%dma_wait3A_159, %dma_wait3A_160] : memref<10000x64xf32, #tpu.memory_space<hbm>> -> memref<10000x64xf32, #tpu.memory_space<hbm>>
        tpu.wait_indirect_dma semaphore(%arg15 : memref<!tpu.dma_semaphore, #tpu.memory_space<semaphore_mem>>) src(%dma_wait3A_161 : memref<10000x64xf32, #tpu.memory_space<hbm>>) dst(%arg9 : memref<128x64xf32, #tpu.memory_space<vmem>>)
        %dma_start3A_162 = arith.constant 0 : i32
        %dma_start3A_163 = tpu.memref_slice %arg8[%sub3A_111, %dma_start3A_162] : memref<160x128xi32, #tpu.memory_space<vmem>> -> memref<1x128xi32, #tpu.memory_space<vmem>>
        %dma_start3A_164 = tpu.memref_squeeze %dma_start3A_163 : memref<1x128xi32, #tpu.memory_space<vmem>> -> memref<128xi32, #tpu.memory_space<vmem>>
        %dma_start3A_165 = arith.constant 0 : i32
        %dma_start3A_166 = arith.constant 0 : i32
        %dma_start3A_167 = tpu.memref_slice %arg14[%dma_start3A_165, %dma_start3A_166] : memref<10240x64xf32, #tpu.memory_space<vmem_shared>> -> memref<10240x64xf32, #tpu.memory_space<vmem_shared>>
        tpu.enqueue_indirect_dma source(%arg9 : memref<128x64xf32, #tpu.memory_space<vmem>>) target(%dma_start3A_167 : memref<10240x64xf32, #tpu.memory_space<vmem_shared>>) offsets(%dma_start3A_164 : memref<128xi32, #tpu.memory_space<vmem>>) semaphore(%arg20 : memref<!tpu.dma_semaphore, #tpu.memory_space<semaphore_mem>>) {add = true}
      } else {
      }
      %add3A_130 = arith.constant 4 : i32
      %add3A_131 = arith.addi %add3A_47, %add3A_130 : i32
      %sub3A_132 = arith.constant 3 : i32
      %sub3A_133 = arith.subi %add3A_131, %sub3A_132 : i32
      %ge3A_134 = arith.constant 5 : i32
      %ge3A_135 = arith.cmpi sge, %add3A_131, %ge3A_134 : i32
      %convert_element_type3A_136 = arith.extui %ge3A_135 : i1 to i32
      %cond3A_137 = arith.constant 0 : i32
      %cond3A_138 = arith.cmpi ne, %convert_element_type3A_136, %cond3A_137 : i32
      scf.if %cond3A_138 {
        %sub3A_152 = arith.constant 5 : i32
        %sub3A_153 = arith.subi %add3A_131, %sub3A_152 : i32
        %dma_wait3A_154 = arith.constant 0 : i32
        %dma_wait3A_155 = tpu.memref_slice %arg8[%sub3A_153, %dma_wait3A_154] : memref<160x128xi32, #tpu.memory_space<vmem>> -> memref<1x128xi32, #tpu.memory_space<vmem>>
        %dma_wait3A_156 = tpu.memref_squeeze %dma_wait3A_155 : memref<1x128xi32, #tpu.memory_space<vmem>> -> memref<128xi32, #tpu.memory_space<vmem>>
        %dma_wait3A_157 = arith.constant 0 : i32
        %dma_wait3A_158 = arith.constant 0 : i32
        %dma_wait3A_159 = tpu.memref_slice %arg14[%dma_wait3A_157, %dma_wait3A_158] : memref<10240x64xf32, #tpu.memory_space<vmem_shared>> -> memref<10240x64xf32, #tpu.memory_space<vmem_shared>>
        tpu.wait_indirect_dma semaphore(%arg24 : memref<!tpu.dma_semaphore, #tpu.memory_space<semaphore_mem>>) src(%arg13 : memref<128x64xf32, #tpu.memory_space<vmem>>) dst(%dma_wait3A_159 : memref<10240x64xf32, #tpu.memory_space<vmem_shared>>)
      } else {
      }
      %lt3A_139 = arith.constant 160 : i32
      %lt3A_140 = arith.cmpi slt, %add3A_131, %lt3A_139 : i32
      %convert_element_type3A_141 = arith.extui %lt3A_140 : i1 to i32
      %cond3A_142 = arith.constant 0 : i32
      %cond3A_143 = arith.cmpi ne, %convert_element_type3A_141, %cond3A_142 : i32
      scf.if %cond3A_143 {
        %dma_start3A_152 = arith.constant 0 : i32
        %dma_start3A_153 = tpu.memref_slice %arg7[%add3A_131, %dma_start3A_152] : memref<160x128xi32, #tpu.memory_space<vmem>> -> memref<1x128xi32, #tpu.memory_space<vmem>>
        %dma_start3A_154 = tpu.memref_squeeze %dma_start3A_153 : memref<1x128xi32, #tpu.memory_space<vmem>> -> memref<128xi32, #tpu.memory_space<vmem>>
        %dma_start3A_155 = arith.constant 0 : i32
        %dma_start3A_156 = arith.constant 0 : i32
        %dma_start3A_157 = tpu.memref_slice %arg2[%arg0, %dma_start3A_155, %dma_start3A_156] : memref<2x10000x64xf32, #tpu.memory_space<hbm>> -> memref<1x10000x64xf32, #tpu.memory_space<hbm>>
        %dma_start3A_158 = tpu.memref_squeeze %dma_start3A_157 : memref<1x10000x64xf32, #tpu.memory_space<hbm>> -> memref<10000x64xf32, #tpu.memory_space<hbm>>
        %dma_start3A_159 = arith.constant 0 : i32
        %dma_start3A_160 = arith.constant 0 : i32
        %dma_start3A_161 = tpu.memref_slice %dma_start3A_158[%dma_start3A_159, %dma_start3A_160] : memref<10000x64xf32, #tpu.memory_space<hbm>> -> memref<10000x64xf32, #tpu.memory_space<hbm>>
        tpu.enqueue_indirect_dma source(%dma_start3A_161 : memref<10000x64xf32, #tpu.memory_space<hbm>>) target(%arg13 : memref<128x64xf32, #tpu.memory_space<vmem>>) offsets(%dma_start3A_154 : memref<128xi32, #tpu.memory_space<vmem>>) semaphore(%arg19 : memref<!tpu.dma_semaphore, #tpu.memory_space<semaphore_mem>>)
      } else {
      }
      %ge3A_144 = arith.constant 0 : i32
      %ge3A_145 = arith.cmpi sge, %sub3A_133, %ge3A_144 : i32
      %lt3A_146 = arith.constant 160 : i32
      %lt3A_147 = arith.cmpi slt, %sub3A_133, %lt3A_146 : i32
      %and3A_148 = arith.andi %ge3A_145, %lt3A_147 : i1
      %convert_element_type3A_149 = arith.extui %and3A_148 : i1 to i32
      %cond3A_150 = arith.constant 0 : i32
      %cond3A_151 = arith.cmpi ne, %convert_element_type3A_149, %cond3A_150 : i32
      scf.if %cond3A_151 {
        %dma_wait3A_152 = arith.constant 0 : i32
        %dma_wait3A_153 = tpu.memref_slice %arg7[%sub3A_133, %dma_wait3A_152] : memref<160x128xi32, #tpu.memory_space<vmem>> -> memref<1x128xi32, #tpu.memory_space<vmem>>
        %dma_wait3A_154 = tpu.memref_squeeze %dma_wait3A_153 : memref<1x128xi32, #tpu.memory_space<vmem>> -> memref<128xi32, #tpu.memory_space<vmem>>
        %dma_wait3A_155 = arith.constant 0 : i32
        %dma_wait3A_156 = arith.constant 0 : i32
        %dma_wait3A_157 = tpu.memref_slice %arg2[%arg0, %dma_wait3A_155, %dma_wait3A_156] : memref<2x10000x64xf32, #tpu.memory_space<hbm>> -> memref<1x10000x64xf32, #tpu.memory_space<hbm>>
        %dma_wait3A_158 = tpu.memref_squeeze %dma_wait3A_157 : memref<1x10000x64xf32, #tpu.memory_space<hbm>> -> memref<10000x64xf32, #tpu.memory_space<hbm>>
        %dma_wait3A_159 = arith.constant 0 : i32
        %dma_wait3A_160 = arith.constant 0 : i32
        %dma_wait3A_161 = tpu.memref_slice %dma_wait3A_158[%dma_wait3A_159, %dma_wait3A_160] : memref<10000x64xf32, #tpu.memory_space<hbm>> -> memref<10000x64xf32, #tpu.memory_space<hbm>>
        tpu.wait_indirect_dma semaphore(%arg16 : memref<!tpu.dma_semaphore, #tpu.memory_space<semaphore_mem>>) src(%dma_wait3A_161 : memref<10000x64xf32, #tpu.memory_space<hbm>>) dst(%arg10 : memref<128x64xf32, #tpu.memory_space<vmem>>)
        %dma_start3A_162 = arith.constant 0 : i32
        %dma_start3A_163 = tpu.memref_slice %arg8[%sub3A_133, %dma_start3A_162] : memref<160x128xi32, #tpu.memory_space<vmem>> -> memref<1x128xi32, #tpu.memory_space<vmem>>
        %dma_start3A_164 = tpu.memref_squeeze %dma_start3A_163 : memref<1x128xi32, #tpu.memory_space<vmem>> -> memref<128xi32, #tpu.memory_space<vmem>>
        %dma_start3A_165 = arith.constant 0 : i32
        %dma_start3A_166 = arith.constant 0 : i32
        %dma_start3A_167 = tpu.memref_slice %arg14[%dma_start3A_165, %dma_start3A_166] : memref<10240x64xf32, #tpu.memory_space<vmem_shared>> -> memref<10240x64xf32, #tpu.memory_space<vmem_shared>>
        tpu.enqueue_indirect_dma source(%arg10 : memref<128x64xf32, #tpu.memory_space<vmem>>) target(%dma_start3A_167 : memref<10240x64xf32, #tpu.memory_space<vmem_shared>>) offsets(%dma_start3A_164 : memref<128xi32, #tpu.memory_space<vmem>>) semaphore(%arg21 : memref<!tpu.dma_semaphore, #tpu.memory_space<semaphore_mem>>) {add = true}
      } else {
      }
    }
    %scan3A_38 = arith.constant 33 : i32
    %barrier3A_39 = arith.constant 0 : index
    tpu.barrier barrier_id(%barrier3A_39)
    %scan3A_40 = arith.constant 0 : i32
    %scan3A_41 = arith.constant 5 : i32
    %scan3A_42 = arith.addi %scan3A_40, %scan3A_41 : i32
    %scan3A_43 = arith.constant 1 : i32
    scf.for %scan3A_45 = %scan3A_40 to %scan3A_42 step %scan3A_43  : i32 {
      %mul3A = arith.constant 1 : i32
      %mul3A_46 = arith.muli %scan3A_45, %mul3A : i32
      %add3A = arith.constant 0 : i32
      %add3A_47 = arith.addi %add3A, %mul3A_46 : i32
      %mul3A_48 = arith.constant 640 : i32
      %mul3A_49 = arith.muli %arg1, %mul3A_48 : i32
      %mul3A_50 = arith.constant 128 : i32
      %mul3A_51 = arith.muli %add3A_47, %mul3A_50 : i32
      %add3A_52 = arith.addi %mul3A_49, %mul3A_51 : i32
      %mul3A_53 = arith.constant 640 : i32
      %mul3A_54 = arith.muli %arg1, %mul3A_53 : i32
      %mul3A_55 = arith.constant 128 : i32
      %mul3A_56 = arith.muli %add3A_47, %mul3A_55 : i32
      %add3A_57 = arith.addi %mul3A_54, %mul3A_56 : i32
      "tpu.region"() ({
        %run_scoped3A = tpu.sem_alloc : memref<!tpu.dma_semaphore, #tpu.memory_space<semaphore_mem>>
        %dma_start3A_58 = arith.constant 0 : i32
        %dma_start3A_59 = tpu.memref_slice %arg6[%arg0, %add3A_57, %dma_start3A_58] : memref<2x10240x64xf32, #tpu.memory_space<hbm>> -> memref<1x128x64xf32, #tpu.memory_space<hbm>>
        %dma_start3A_60 = tpu.memref_squeeze %dma_start3A_59 : memref<1x128x64xf32, #tpu.memory_space<hbm>> -> memref<128x64xf32, #tpu.memory_space<hbm>>
        %dma_start3A_61 = arith.constant 0 : i32
        %dma_start3A_62 = tpu.memref_slice %arg14[%add3A_52, %dma_start3A_61] : memref<10240x64xf32, #tpu.memory_space<vmem_shared>> -> memref<128x64xf32, #tpu.memory_space<vmem_shared>>
        tpu.enqueue_dma source(%dma_start3A_62 : memref<128x64xf32, #tpu.memory_space<vmem_shared>>) target(%dma_start3A_60 : memref<128x64xf32, #tpu.memory_space<hbm>>) target_semaphore(%run_scoped3A : memref<!tpu.dma_semaphore, #tpu.memory_space<semaphore_mem>>)
        %dma_wait3A_63 = arith.constant 0 : i32
        %dma_wait3A_64 = tpu.memref_slice %arg6[%arg0, %add3A_57, %dma_wait3A_63] : memref<2x10240x64xf32, #tpu.memory_space<hbm>> -> memref<1x128x64xf32, #tpu.memory_space<hbm>>
        %dma_wait3A_65 = tpu.memref_squeeze %dma_wait3A_64 : memref<1x128x64xf32, #tpu.memory_space<hbm>> -> memref<128x64xf32, #tpu.memory_space<hbm>>
        %dma_wait3A_66 = arith.constant 0 : i32
        %dma_wait3A_67 = tpu.memref_slice %arg14[%add3A_52, %dma_wait3A_66] : memref<10240x64xf32, #tpu.memory_space<vmem_shared>> -> memref<128x64xf32, #tpu.memory_space<vmem_shared>>
        tpu.wait_dma2 semaphore(%run_scoped3A : memref<!tpu.dma_semaphore, #tpu.memory_space<semaphore_mem>>) src(%dma_wait3A_67 : memref<128x64xf32, #tpu.memory_space<vmem_shared>>) dst(%dma_wait3A_65 : memref<128x64xf32, #tpu.memory_space<hbm>>)
        tpu.yield
      }) : () -> ()
    }
    %scan3A_44 = arith.constant 5 : i32
    return
  }
}

module attributes {stable_mosaic.version = 14 : i64} {
  func.func @_mm_k(%arg0: memref<10000x128xf32, #tpu.memory_space<vmem>>, %arg1: memref<128x128xf32, #tpu.memory_space<vmem>>, %arg2: memref<10000x128xf32, #tpu.memory_space<vmem>>) attributes {dimension_semantics = [], scalar_prefetch = 0 : i64, scratch_operands = 0 : i64, tpu.core_type = #tpu.core_type<tc>} {
    %get3A = arith.constant 0 : index
    %get3A_0 = arith.constant 0 : index
    %get3A_1 = vector.load %arg0[%get3A, %get3A_0] : memref<10000x128xf32, #tpu.memory_space<vmem>>, vector<10000x128xf32>
    %get3A_2 = arith.constant 0 : index
    %get3A_3 = arith.constant 0 : index
    %get3A_4 = vector.load %arg1[%get3A_2, %get3A_3] : memref<128x128xf32, #tpu.memory_space<vmem>>, vector<128x128xf32>
    %dot_general3A = arith.constant dense<0.000000e+00> : vector<10000x128xf32>
    %dot_general3A_5 = tpu.matmul %get3A_1, %get3A_4, %dot_general3A {dimension_numbers = #tpu.dot_dimension_numbers<[1], [0], [0], [1], [0, 0, 1, 1], [], []>, transpose_lhs_hint = false} : vector<10000x128xf32>, vector<128x128xf32>, vector<10000x128xf32> -> vector<10000x128xf32>
    %swap3A = arith.constant 0 : index
    %swap3A_6 = arith.constant 0 : index
    %swap3A_7 = vector.load %arg2[%swap3A, %swap3A_6] : memref<10000x128xf32, #tpu.memory_space<vmem>>, vector<10000x128xf32>
    tpu.vector_store %arg2[%swap3A, %swap3A_6], %dot_general3A_5 {strides = array<i32>} : memref<10000x128xf32, #tpu.memory_space<vmem>>, vector<10000x128xf32>,
    return
  }
}

module attributes {stable_mosaic.version = 14 : i64} {
  func.func @_prep_k(%arg0: memref<2x10240x16xf32, #tpu.memory_space<vmem>>, %arg1: memref<10000x128xf32, #tpu.memory_space<vmem>>, %arg2: memref<10000x128xf32, #tpu.memory_space<vmem>>, %arg3: memref<2x10000x64xf32, #tpu.memory_space<vmem>>) attributes {dimension_semantics = [], scalar_prefetch = 0 : i64, scratch_operands = 0 : i64, tpu.core_type = #tpu.core_type<tc>} {
    %get3A = arith.constant 0 : index
    %get3A_0 = arith.constant 0 : index
    %get3A_1 = arith.constant 0 : index
    %get3A_2 = vector.load %arg0[%get3A, %get3A_0, %get3A_1] : memref<2x10240x16xf32, #tpu.memory_space<vmem>>, vector<1x10000x1xf32>
    %get3A_3 = vector.shape_cast %get3A_2 : vector<1x10000x1xf32> to vector<10000x1xf32>
    %get3A_4 = arith.constant 1 : index
    %get3A_5 = arith.constant 0 : index
    %get3A_6 = arith.constant 0 : index
    %get3A_7 = vector.load %arg0[%get3A_4, %get3A_5, %get3A_6] : memref<2x10240x16xf32, #tpu.memory_space<vmem>>, vector<1x10000x1xf32>
    %get3A_8 = vector.shape_cast %get3A_7 : vector<1x10000x1xf32> to vector<10000x1xf32>
    %add3A = arith.addf %get3A_3, %get3A_8 : vector<10000x1xf32>
    %add3A_9 = arith.constant 1.000000e+00 : f32
    %add3A_10 = vector.broadcast %add3A_9 : f32 to vector<10000x1xf32>
    %add3A_11 = arith.addf %add3A, %add3A_10 : vector<10000x1xf32>
    %rsqrt3A = math.rsqrt %add3A_11 : vector<10000x1xf32>
    %broadcast_in_dim3A = vector.shape_cast %rsqrt3A : vector<10000x1xf32> to vector<10000x1xf32>
    %broadcast_in_dim3A_12 = vector.broadcast %broadcast_in_dim3A : vector<10000x1xf32> to vector<10000x128xf32>
    %swap3A = arith.constant 0 : index
    %swap3A_13 = arith.constant 0 : index
    %swap3A_14 = vector.load %arg2[%swap3A, %swap3A_13] : memref<10000x128xf32, #tpu.memory_space<vmem>>, vector<10000x128xf32>
    tpu.vector_store %arg2[%swap3A, %swap3A_13], %broadcast_in_dim3A_12 {strides = array<i32>} : memref<10000x128xf32, #tpu.memory_space<vmem>>, vector<10000x128xf32>,
    %get3A_15 = arith.constant 0 : index
    %get3A_16 = arith.constant 0 : index
    %get3A_17 = vector.load %arg1[%get3A_15, %get3A_16] : memref<10000x128xf32, #tpu.memory_space<vmem>>, vector<10000x128xf32>
    %mul3A = arith.mulf %broadcast_in_dim3A_12, %get3A_17 : vector<10000x128xf32>
    %slice3A = vector.extract_strided_slice %mul3A {offsets = [0, 0], sizes = [10000, 64], strides = [1, 1]} : vector<10000x128xf32> to vector<10000x64xf32>
    %swap3A_18 = arith.constant 0 : index
    %swap3A_19 = arith.constant 0 : index
    %swap3A_20 = arith.constant 0 : index
    %swap3A_21 = vector.load %arg3[%swap3A_18, %swap3A_19, %swap3A_20] : memref<2x10000x64xf32, #tpu.memory_space<vmem>>, vector<1x10000x64xf32>
    %swap3A_22 = vector.shape_cast %swap3A_21 : vector<1x10000x64xf32> to vector<10000x64xf32>
    %swap3A_23 = vector.shape_cast %slice3A : vector<10000x64xf32> to vector<1x10000x64xf32>
    tpu.vector_store %arg3[%swap3A_18, %swap3A_19, %swap3A_20], %swap3A_23 {strides = array<i32>} : memref<2x10000x64xf32, #tpu.memory_space<vmem>>, vector<1x10000x64xf32>,
    %slice3A_24 = vector.extract_strided_slice %mul3A {offsets = [0, 64], sizes = [10000, 64], strides = [1, 1]} : vector<10000x128xf32> to vector<10000x64xf32>
    %swap3A_25 = arith.constant 1 : index
    %swap3A_26 = arith.constant 0 : index
    %swap3A_27 = arith.constant 0 : index
    %swap3A_28 = vector.load %arg3[%swap3A_25, %swap3A_26, %swap3A_27] : memref<2x10000x64xf32, #tpu.memory_space<vmem>>, vector<1x10000x64xf32>
    %swap3A_29 = vector.shape_cast %swap3A_28 : vector<1x10000x64xf32> to vector<10000x64xf32>
    %swap3A_30 = vector.shape_cast %slice3A_24 : vector<10000x64xf32> to vector<1x10000x64xf32>
    tpu.vector_store %arg3[%swap3A_25, %swap3A_26, %swap3A_27], %swap3A_30 {strides = array<i32>} : memref<2x10000x64xf32, #tpu.memory_space<vmem>>, vector<1x10000x64xf32>,
    return
  }
}

module attributes {stable_mosaic.version = 14 : i64} {
  func.func @_layer_k(%arg0: memref<2x10240x64xf32, #tpu.memory_space<vmem>>, %arg1: memref<2x10000x64xf32, #tpu.memory_space<vmem>>, %arg2: memref<10000x128xf32, #tpu.memory_space<vmem>>, %arg3: memref<128xf32, #tpu.memory_space<vmem>>, %arg4: memref<128x128xf32, #tpu.memory_space<vmem>>, %arg5: memref<2x10000x64xf32, #tpu.memory_space<vmem>>) attributes {dimension_semantics = [], scalar_prefetch = 0 : i64, scratch_operands = 0 : i64, tpu.core_type = #tpu.core_type<tc>} {
    %get3A = arith.constant 0 : index
    %get3A_0 = arith.constant 0 : index
    %get3A_1 = arith.constant 0 : index
    %get3A_2 = vector.load %arg0[%get3A, %get3A_0, %get3A_1] : memref<2x10240x64xf32, #tpu.memory_space<vmem>>, vector<1x10000x64xf32>
    %get3A_3 = vector.shape_cast %get3A_2 : vector<1x10000x64xf32> to vector<10000x64xf32>
    %get3A_4 = arith.constant 1 : index
    %get3A_5 = arith.constant 0 : index
    %get3A_6 = arith.constant 0 : index
    %get3A_7 = vector.load %arg0[%get3A_4, %get3A_5, %get3A_6] : memref<2x10240x64xf32, #tpu.memory_space<vmem>>, vector<1x10000x64xf32>
    %get3A_8 = vector.shape_cast %get3A_7 : vector<1x10000x64xf32> to vector<10000x64xf32>
    %concatenate3A = tpu.concatenate %get3A_3, %get3A_8 in 1 : vector<10000x64xf32>, vector<10000x64xf32> -> vector<10000x128xf32>
    %get3A_9 = arith.constant 0 : index
    %get3A_10 = arith.constant 0 : index
    %get3A_11 = arith.constant 0 : index
    %get3A_12 = vector.load %arg1[%get3A_9, %get3A_10, %get3A_11] : memref<2x10000x64xf32, #tpu.memory_space<vmem>>, vector<1x10000x64xf32>
    %get3A_13 = vector.shape_cast %get3A_12 : vector<1x10000x64xf32> to vector<10000x64xf32>
    %get3A_14 = arith.constant 1 : index
    %get3A_15 = arith.constant 0 : index
    %get3A_16 = arith.constant 0 : index
    %get3A_17 = vector.load %arg1[%get3A_14, %get3A_15, %get3A_16] : memref<2x10000x64xf32, #tpu.memory_space<vmem>>, vector<1x10000x64xf32>
    %get3A_18 = vector.shape_cast %get3A_17 : vector<1x10000x64xf32> to vector<10000x64xf32>
    %concatenate3A_19 = tpu.concatenate %get3A_13, %get3A_18 in 1 : vector<10000x64xf32>, vector<10000x64xf32> -> vector<10000x128xf32>
    %add3A = arith.addf %concatenate3A, %concatenate3A_19 : vector<10000x128xf32>
    %get3A_20 = arith.constant 0 : index
    %get3A_21 = arith.constant 0 : index
    %get3A_22 = vector.load %arg2[%get3A_20, %get3A_21] : memref<10000x128xf32, #tpu.memory_space<vmem>>, vector<10000x128xf32>
    %mul3A = arith.mulf %get3A_22, %add3A : vector<10000x128xf32>
    %get3A_23 = arith.constant 0 : index
    %get3A_24 = vector.load %arg3[%get3A_23] : memref<128xf32, #tpu.memory_space<vmem>>, vector<128xf32>
    %broadcast_in_dim3A = vector.shape_cast %get3A_24 : vector<128xf32> to vector<1x128xf32>
    %add3A_25 = vector.broadcast %broadcast_in_dim3A : vector<1x128xf32> to vector<10000x128xf32>
    %add3A_26 = arith.addf %mul3A, %add3A_25 : vector<10000x128xf32>
    %max3A = arith.constant 0.000000e+00 : f32
    %max3A_27 = vector.broadcast %max3A : f32 to vector<10000x128xf32>
    %max3A_28 = arith.maximumf %add3A_26, %max3A_27 : vector<10000x128xf32>
    %get3A_29 = arith.constant 0 : index
    %get3A_30 = arith.constant 0 : index
    %get3A_31 = vector.load %arg4[%get3A_29, %get3A_30] : memref<128x128xf32, #tpu.memory_space<vmem>>, vector<128x128xf32>
    %dot_general3A = arith.constant dense<0.000000e+00> : vector<10000x128xf32>
    %dot_general3A_32 = tpu.matmul %max3A_28, %get3A_31, %dot_general3A {dimension_numbers = #tpu.dot_dimension_numbers<[1], [0], [0], [1], [0, 0, 1, 1], [], []>, transpose_lhs_hint = false} : vector<10000x128xf32>, vector<128x128xf32>, vector<10000x128xf32> -> vector<10000x128xf32>
    %mul3A_33 = arith.mulf %get3A_22, %dot_general3A_32 : vector<10000x128xf32>
    %slice3A = vector.extract_strided_slice %mul3A_33 {offsets = [0, 0], sizes = [10000, 64], strides = [1, 1]} : vector<10000x128xf32> to vector<10000x64xf32>
    %swap3A = arith.constant 0 : index
    %swap3A_34 = arith.constant 0 : index
    %swap3A_35 = arith.constant 0 : index
    %swap3A_36 = vector.load %arg5[%swap3A, %swap3A_34, %swap3A_35] : memref<2x10000x64xf32, #tpu.memory_space<vmem>>, vector<1x10000x64xf32>
    %swap3A_37 = vector.shape_cast %swap3A_36 : vector<1x10000x64xf32> to vector<10000x64xf32>
    %swap3A_38 = vector.shape_cast %slice3A : vector<10000x64xf32> to vector<1x10000x64xf32>
    tpu.vector_store %arg5[%swap3A, %swap3A_34, %swap3A_35], %swap3A_38 {strides = array<i32>} : memref<2x10000x64xf32, #tpu.memory_space<vmem>>, vector<1x10000x64xf32>,
    %slice3A_39 = vector.extract_strided_slice %mul3A_33 {offsets = [0, 64], sizes = [10000, 64], strides = [1, 1]} : vector<10000x128xf32> to vector<10000x64xf32>
    %swap3A_40 = arith.constant 1 : index
    %swap3A_41 = arith.constant 0 : index
    %swap3A_42 = arith.constant 0 : index
    %swap3A_43 = vector.load %arg5[%swap3A_40, %swap3A_41, %swap3A_42] : memref<2x10000x64xf32, #tpu.memory_space<vmem>>, vector<1x10000x64xf32>
    %swap3A_44 = vector.shape_cast %swap3A_43 : vector<1x10000x64xf32> to vector<10000x64xf32>
    %swap3A_45 = vector.shape_cast %slice3A_39 : vector<10000x64xf32> to vector<1x10000x64xf32>
    tpu.vector_store %arg5[%swap3A_40, %swap3A_41, %swap3A_42], %swap3A_45 {strides = array<i32>} : memref<2x10000x64xf32, #tpu.memory_space<vmem>>, vector<1x10000x64xf32>,
    return
  }
}

module attributes {stable_mosaic.version = 14 : i64} {
  func.func @_head_k(%arg0: memref<2x10240x64xf32, #tpu.memory_space<vmem>>, %arg1: memref<2x10000x64xf32, #tpu.memory_space<vmem>>, %arg2: memref<10000x128xf32, #tpu.memory_space<vmem>>, %arg3: memref<128xf32, #tpu.memory_space<vmem>>, %arg4: memref<10000xi32, #tpu.memory_space<vmem>>, %arg5: memref<128x64xf32, #tpu.memory_space<vmem>>, %arg6: memref<64xf32, #tpu.memory_space<vmem>>, %arg7: memref<64x2xf32, #tpu.memory_space<vmem>>, %arg8: memref<2xf32, #tpu.memory_space<vmem>>, %arg9: memref<64x2xf32, #tpu.memory_space<vmem>>) attributes {dimension_semantics = [], scalar_prefetch = 0 : i64, scratch_operands = 0 : i64, tpu.core_type = #tpu.core_type<tc>} {
    %get3A = arith.constant 0 : index
    %get3A_0 = arith.constant 0 : index
    %get3A_1 = arith.constant 0 : index
    %get3A_2 = vector.load %arg0[%get3A, %get3A_0, %get3A_1] : memref<2x10240x64xf32, #tpu.memory_space<vmem>>, vector<1x10000x64xf32>
    %get3A_3 = vector.shape_cast %get3A_2 : vector<1x10000x64xf32> to vector<10000x64xf32>
    %get3A_4 = arith.constant 1 : index
    %get3A_5 = arith.constant 0 : index
    %get3A_6 = arith.constant 0 : index
    %get3A_7 = vector.load %arg0[%get3A_4, %get3A_5, %get3A_6] : memref<2x10240x64xf32, #tpu.memory_space<vmem>>, vector<1x10000x64xf32>
    %get3A_8 = vector.shape_cast %get3A_7 : vector<1x10000x64xf32> to vector<10000x64xf32>
    %concatenate3A = tpu.concatenate %get3A_3, %get3A_8 in 1 : vector<10000x64xf32>, vector<10000x64xf32> -> vector<10000x128xf32>
    %get3A_9 = arith.constant 0 : index
    %get3A_10 = arith.constant 0 : index
    %get3A_11 = arith.constant 0 : index
    %get3A_12 = vector.load %arg1[%get3A_9, %get3A_10, %get3A_11] : memref<2x10000x64xf32, #tpu.memory_space<vmem>>, vector<1x10000x64xf32>
    %get3A_13 = vector.shape_cast %get3A_12 : vector<1x10000x64xf32> to vector<10000x64xf32>
    %get3A_14 = arith.constant 1 : index
    %get3A_15 = arith.constant 0 : index
    %get3A_16 = arith.constant 0 : index
    %get3A_17 = vector.load %arg1[%get3A_14, %get3A_15, %get3A_16] : memref<2x10000x64xf32, #tpu.memory_space<vmem>>, vector<1x10000x64xf32>
    %get3A_18 = vector.shape_cast %get3A_17 : vector<1x10000x64xf32> to vector<10000x64xf32>
    %concatenate3A_19 = tpu.concatenate %get3A_13, %get3A_18 in 1 : vector<10000x64xf32>, vector<10000x64xf32> -> vector<10000x128xf32>
    %add3A = arith.addf %concatenate3A, %concatenate3A_19 : vector<10000x128xf32>
    %get3A_20 = arith.constant 0 : index
    %get3A_21 = arith.constant 0 : index
    %get3A_22 = vector.load %arg2[%get3A_20, %get3A_21] : memref<10000x128xf32, #tpu.memory_space<vmem>>, vector<10000x128xf32>
    %mul3A = arith.mulf %get3A_22, %add3A : vector<10000x128xf32>
    %get3A_23 = arith.constant 0 : index
    %get3A_24 = vector.load %arg3[%get3A_23] : memref<128xf32, #tpu.memory_space<vmem>>, vector<128xf32>
    %broadcast_in_dim3A = vector.shape_cast %get3A_24 : vector<128xf32> to vector<1x128xf32>
    %add3A_25 = vector.broadcast %broadcast_in_dim3A : vector<1x128xf32> to vector<10000x128xf32>
    %add3A_26 = arith.addf %mul3A, %add3A_25 : vector<10000x128xf32>
    %max3A = arith.constant 0.000000e+00 : f32
    %max3A_27 = vector.broadcast %max3A : f32 to vector<10000x128xf32>
    %max3A_28 = arith.maximumf %add3A_26, %max3A_27 : vector<10000x128xf32>
    %get3A_29 = arith.constant 0 : index
    %get3A_30 = vector.load %arg4[%get3A_29] : memref<10000xi32, #tpu.memory_space<vmem>>, vector<10000xi32>
    %iota3A = tpu.iota {dimensions = array<i32: 0>} : vector<64x10000xi32>
    %broadcast_in_dim3A_31 = vector.shape_cast %get3A_30 : vector<10000xi32> to vector<1x10000xi32>
    %eq3A = vector.broadcast %broadcast_in_dim3A_31 : vector<1x10000xi32> to vector<64x10000xi32>
    %eq3A_32 = arith.cmpi eq, %eq3A, %iota3A : vector<64x10000xi32>
    %convert_element_type3A = arith.extui %eq3A_32 : vector<64x10000xi1> to vector<64x10000xi32>
    %convert_element_type3A_33 = arith.sitofp %convert_element_type3A : vector<64x10000xi32> to vector<64x10000xf32>
    %dot_general3A = arith.constant dense<0.000000e+00> : vector<64x128xf32>
    %dot_general3A_34 = tpu.matmul %convert_element_type3A_33, %max3A_28, %dot_general3A {dimension_numbers = #tpu.dot_dimension_numbers<[1], [0], [0], [1], [0, 0, 1, 1], [], []>, transpose_lhs_hint = false} : vector<64x10000xf32>, vector<10000x128xf32>, vector<64x128xf32> -> vector<64x128xf32>
    %reduce_sum3A = arith.constant dense<0.000000e+00> : vector<64xf32>
    %reduce_sum3A_35 = vector.multi_reduction <add>, %convert_element_type3A_33, %reduce_sum3A [1] : vector<64x10000xf32> to vector<64xf32>
    %broadcast_in_dim3A_36 = vector.shape_cast %reduce_sum3A_35 : vector<64xf32> to vector<64x1xf32>
    %max3A_37 = arith.constant 1.000000e+00 : f32
    %max3A_38 = vector.broadcast %max3A_37 : f32 to vector<64x1xf32>
    %max3A_39 = arith.maximumf %broadcast_in_dim3A_36, %max3A_38 : vector<64x1xf32>
    %div3A = vector.broadcast %max3A_39 : vector<64x1xf32> to vector<64x128xf32>
    %div3A_40 = arith.divf %dot_general3A_34, %div3A : vector<64x128xf32>
    %get3A_41 = arith.constant 0 : index
    %get3A_42 = arith.constant 0 : index
    %get3A_43 = vector.load %arg5[%get3A_41, %get3A_42] : memref<128x64xf32, #tpu.memory_space<vmem>>, vector<128x64xf32>
    %dot_general3A_44 = arith.constant dense<0.000000e+00> : vector<64x64xf32>
    %dot_general3A_45 = tpu.matmul %div3A_40, %get3A_43, %dot_general3A_44 {dimension_numbers = #tpu.dot_dimension_numbers<[1], [0], [0], [1], [0, 0, 1, 1], [], []>, transpose_lhs_hint = false} : vector<64x128xf32>, vector<128x64xf32>, vector<64x64xf32> -> vector<64x64xf32>
    %get3A_46 = arith.constant 0 : index
    %get3A_47 = vector.load %arg6[%get3A_46] : memref<64xf32, #tpu.memory_space<vmem>>, vector<64xf32>
    %broadcast_in_dim3A_48 = vector.shape_cast %get3A_47 : vector<64xf32> to vector<1x64xf32>
    %add3A_49 = vector.broadcast %broadcast_in_dim3A_48 : vector<1x64xf32> to vector<64x64xf32>
    %add3A_50 = arith.addf %dot_general3A_45, %add3A_49 : vector<64x64xf32>
    %max3A_51 = arith.constant 0.000000e+00 : f32
    %max3A_52 = vector.broadcast %max3A_51 : f32 to vector<64x64xf32>
    %max3A_53 = arith.maximumf %add3A_50, %max3A_52 : vector<64x64xf32>
    %get3A_54 = arith.constant 0 : index
    %get3A_55 = arith.constant 0 : index
    %get3A_56 = vector.load %arg7[%get3A_54, %get3A_55] : memref<64x2xf32, #tpu.memory_space<vmem>>, vector<64x2xf32>
    %dot_general3A_57 = arith.constant dense<0.000000e+00> : vector<64x2xf32>
    %dot_general3A_58 = tpu.matmul %max3A_53, %get3A_56, %dot_general3A_57 {dimension_numbers = #tpu.dot_dimension_numbers<[1], [0], [0], [1], [0, 0, 1, 1], [], []>, transpose_lhs_hint = false} : vector<64x64xf32>, vector<64x2xf32>, vector<64x2xf32> -> vector<64x2xf32>
    %get3A_59 = arith.constant 0 : index
    %get3A_60 = vector.load %arg8[%get3A_59] : memref<2xf32, #tpu.memory_space<vmem>>, vector<2xf32>
    %broadcast_in_dim3A_61 = vector.shape_cast %get3A_60 : vector<2xf32> to vector<1x2xf32>
    %add3A_62 = vector.broadcast %broadcast_in_dim3A_61 : vector<1x2xf32> to vector<64x2xf32>
    %add3A_63 = arith.addf %dot_general3A_58, %add3A_62 : vector<64x2xf32>
    %reduce_max3A = arith.constant dense<0xFF800000> : vector<64xf32>
    %reduce_max3A_64 = vector.multi_reduction <maximumf>, %add3A_63, %reduce_max3A [1] : vector<64x2xf32> to vector<64xf32>
    %broadcast_in_dim3A_65 = vector.shape_cast %reduce_max3A_64 : vector<64xf32> to vector<64x1xf32>
    %sub3A = vector.broadcast %broadcast_in_dim3A_65 : vector<64x1xf32> to vector<64x2xf32>
    %sub3A_66 = arith.subf %add3A_63, %sub3A : vector<64x2xf32>
    %exp3A = math.exp %sub3A_66 : vector<64x2xf32>
    %reduce_sum3A_67 = arith.constant dense<0.000000e+00> : vector<64xf32>
    %reduce_sum3A_68 = vector.multi_reduction <add>, %exp3A, %reduce_sum3A_67 [1] : vector<64x2xf32> to vector<64xf32>
    %broadcast_in_dim3A_69 = vector.shape_cast %reduce_sum3A_68 : vector<64xf32> to vector<64x1xf32>
    %log3A = math.log %broadcast_in_dim3A_69 : vector<64x1xf32>
    %add3A_70 = arith.addf %log3A, %broadcast_in_dim3A_65 : vector<64x1xf32>
    %sub3A_71 = vector.broadcast %add3A_70 : vector<64x1xf32> to vector<64x2xf32>
    %sub3A_72 = arith.subf %add3A_63, %sub3A_71 : vector<64x2xf32>
    %swap3A = arith.constant 0 : index
    %swap3A_73 = arith.constant 0 : index
    %swap3A_74 = vector.load %arg9[%swap3A, %swap3A_73] : memref<64x2xf32, #tpu.memory_space<vmem>>, vector<64x2xf32>
    tpu.vector_store %arg9[%swap3A, %swap3A_73], %sub3A_72 {strides = array<i32>} : memref<64x2xf32, #tpu.memory_space<vmem>>, vector<64x2xf32>,
    return
  }
}

</mosaic_0001>

<sc_bundles>
// kernel: kernel.11.cloned.1.call-start
scs
__scs_entry_jumppad:
0x0: {  	(pc) =	sbr.rel $0x88, $3  }
0x1: {  	(tag) =	ssettag $0x0;
	lr =	simm.s32 $0x1  }
0x2: {  	[smem:$0x3F94] =	sst lr;
	_ =	strace $0xD0000000  }
0x3: {  	_ = 	snop  }
0x4: {  	_ = 	snop  }
0x5: {  	_ = 	snop  }
0x6: {  	_ = 	snop  }
0x7: {  	_ = 	snop  }
__scs_overlays_trampoline_lowered:
0x8: {  	[smem:$0x3FA3] =	sst s0  }
0x9: {  	[smem:$0x3FA4] =	sst s1  }
0xa: {  	[smem:$0x3FA5] =	sst s2  }
0xb: {  	[smem:$0x3FA6] =	sst s3  }
0xc: {  	[smem:$0x3FA7] =	sst s4  }
0xd: {  	[smem:$0x3FA8] =	sst s5  }
0xe: {  	[smem:$0x3FA9] =	sst s6  }
0xf: {  	[smem:$0x3FAA] =	sst s7  }
0x10: {  	[smem:$0x3FAB] =	sst s8  }
0x11: {  	[smem:$0x3FAC] =	sst s9;
	s0 =	simm.s32 @!p0 $0x0  }
0x12: {  	s1 =	sld [smem:$0x3F92];
	s0 =	simm.s32 @p0 $0x1  }
0x13: {  	[smem:$0x3FAD] =	sst s0;
	s0 =	simm.s32 @!p1 $0x0  }
0x14: {  	s2 =	sld [smem:$0x3F91];
	s0 =	simm.s32 @p1 $0x1  }
0x15: {  	[smem:$0x3FAE] =	sst s0;
	s0 =	simm.s32 @!p2 $0x0  }
0x16: {  	s3 =	sld [smem:$0x3FDB];
	s0 =	simm.s32 @p2 $0x1  }
0x17: {  	s4 =	simm.s32 $0x1BF5;
	[smem:$0x3FB0] =	sst s0  }
0x18: {  	s0 =	sld [smem:$0x3F93];
	_ =	swait.ge [sflag:s4], $0x0  }
0x19: {  	s7 =	sld [smem:$0x3F94]  }
0x1a: {  	s8 =	sadd.s32 $0xFFFFE003, lr  }
0x1b: {  	s9 =	sadd.s32 $0xFFFFFEF7, lr;
	s5 =	simm.s32 $0xFFFFFFFF;
	p2 =	slt.u32 s8, $0xFFFFF086  }
0x1c: {  	p1 =	slt.u32 s9, $0xF7A;
	s5 =	simm.s32 @!p2 $0x0  }
0x1d: {  	s5 =	simm.s32 @p1 $0x1;
	p0 =	seq.s32 s7, s2  }
0x1e: {  	s7 =	smul.u32 @!p0 $0xF7A, s2;
	p2 =	seq.s32 @!p0 s5, $0x0  }
0x1f: {  	s9 =	smul.u32 $0xF7A, s1;
	s8 =	simm.s32 @!p0 $0x1BF5;
	p2 =	por !p2, p0  }
0x20: {  	[sflag:s8] =	ssyncset.s32 @!p0 $0xFFFFF086;
	s6 =	sadd.s32 @!p0 s3, s7;
	s7 =	simm.s32 @!p0 $0x108  }
0x21: {  	s3 =	sadd.s32 s3, s9;
	s6 =	sadd.s32 @!p0 $0x88, s6;
	s7 =	simm.s32 @p2 $0x1082  }
0x22: {  	[simem:s7], [sflag:s8] =	dma.local @!p0 [hbm:s6], $0xF7A  }
0x23: {  	s9 =	sor.u32 $0xD0000000, s2;
	s6 =	simm.s32 $0x108;
	_ =	swait.ge @!p0 [sflag:s8], $0x0  }
0x24: {  	s3 =	sadd.s32 $0x88, s3;
	s6 =	simm.s32 @!p1 $0x1082;
	[sflag:s4] =	ssyncset.s32 $0xFFFFF086  }
0x25: {  	[simem:s6], [sflag:s4] =	dma.local [hbm:s3], $0xF7A  }
0x26: {  	[smem:$0x3F94] =	sst s1;
	(tag) =	ssettag s2;
	_ =	strace s9  }
0x27: {  	s1 =	sld [smem:$0x3FA4]  }
0x28: {  	s2 =	sld [smem:$0x3FA5]  }
0x29: {  	s4 =	sld [smem:$0x3FA7]  }
0x2a: {  	p0 =	seq.s32 s5, $0x0;
	s5 =	sld [smem:$0x3FA8]  }
0x2b: {  	s6 =	sld [smem:$0x3FA9]  }
0x2c: {  	s7 =	sld [smem:$0x3FAA]  }
0x2d: {  	s3 =	simm.s32 $0x108;
	s8 =	sld [smem:$0x3FAB]  }
0x2e: {  	s3 =	simm.s32 @!p0 $0x1082;
	s9 =	sld [smem:$0x3FAC]  }
0x2f: {  	lr =	sadd.s32 s0, s3;
	s0 =	sld [smem:$0x3FA3]  }
0x30: {  	s3 =	sld [smem:$0x3FA6]  }
0x31: {  	[smem:$0x3FAF] =	sst s10  }
0x32: {  	s10 =	sld [smem:$0x3FAD];
	_ =	sdelay $0x3  }
0x33: {  	p0 =	seq.s32 s10, $0x1;
	s10 =	sld [smem:$0x3FAF];
	_ =	sdelay $0x3  }
0x34: {  	[smem:$0x3FAF] =	sst s10  }
0x35: {  	s10 =	sld [smem:$0x3FAE];
	_ =	sdelay $0x3  }
0x36: {  	p1 =	seq.s32 s10, $0x1;
	s10 =	sld [smem:$0x3FAF];
	_ =	sdelay $0x3  }
0x37: {  	[smem:$0x3FAF] =	sst s10  }
0x38: {  	s10 =	sld [smem:$0x3FB0]  }
0x39: {  	_ = 	snop;
	(pc) =	sbr.ind lr, $3  }
0x3a: {  	_ = 	snop  }
0x3b: {  	_ = 	snop  }
0x3c: {  	p2 =	seq.s32 s10, $0x1;
	s10 =	sld [smem:$0x3FAF]  }
0x3d: {  	_ =	shalt  }
0x3e: {  	_ =	shalt  }
0x3f: {  	_ =	shalt  }
0x40: {  	_ =	shalt  }
0x41: {  	_ =	shalt  }
0x42: {  	_ =	shalt  }
0x43: {  	_ =	shalt  }
0x44: {  	_ =	shalt  }
0x45: {  	_ =	shalt  }
0x46: {  	_ =	shalt  }
0x47: {  	_ =	shalt  }
0x48: {  	_ =	shalt  }
0x49: {  	_ =	shalt  }
0x4a: {  	_ =	shalt  }
0x4b: {  	_ =	shalt  }
0x4c: {  	_ =	shalt  }
0x4d: {  	_ =	shalt  }
0x4e: {  	_ =	shalt  }
0x4f: {  	_ =	shalt  }
0x50: {  	_ =	shalt  }
0x51: {  	_ =	shalt  }
0x52: {  	_ =	shalt  }
0x53: {  	_ =	shalt  }
0x54: {  	_ =	shalt  }
0x55: {  	_ =	shalt  }
0x56: {  	_ =	shalt  }
0x57: {  	_ =	shalt  }
0x58: {  	_ =	shalt  }
0x59: {  	_ =	shalt  }
0x5a: {  	_ =	shalt  }
0x5b: {  	_ =	shalt  }
0x5c: {  	_ =	shalt  }
0x5d: {  	_ =	shalt  }
0x5e: {  	_ =	shalt  }
0x5f: {  	_ =	shalt  }
0x60: {  	_ =	shalt  }
0x61: {  	_ =	shalt  }
0x62: {  	_ =	shalt  }
0x63: {  	_ =	shalt  }
0x64: {  	_ =	shalt  }
0x65: {  	_ =	shalt  }
0x66: {  	_ =	shalt  }
0x67: {  	_ =	shalt  }
0x68: {  	_ =	shalt  }
0x69: {  	_ =	shalt  }
0x6a: {  	_ =	shalt  }
0x6b: {  	_ =	shalt  }
0x6c: {  	_ =	shalt  }
0x6d: {  	_ =	shalt  }
0x6e: {  	_ =	shalt  }
0x6f: {  	_ =	shalt  }
0x70: {  	_ =	shalt  }
0x71: {  	_ =	shalt  }
0x72: {  	_ =	shalt  }
0x73: {  	_ =	shalt  }
0x74: {  	_ =	shalt  }
0x75: {  	_ =	shalt  }
0x76: {  	_ =	shalt  }
0x77: {  	_ =	shalt  }
0x78: {  	_ =	shalt  }
0x79: {  	_ =	shalt  }
0x7a: {  	_ =	shalt  }
0x7b: {  	_ =	shalt  }
0x7c: {  	_ =	shalt  }
0x7d: {  	_ =	shalt  }
0x7e: {  	_ =	shalt  }
0x7f: {  	_ =	shalt  }
0x80: {  	_ =	shalt  }
0x81: {  	_ =	shalt  }
0x82: {  	_ =	shalt  }
0x83: {  	_ =	shalt  }
0x84: {  	_ =	shalt  }
0x85: {  	_ =	shalt  }
0x86: {  	_ =	shalt  }
0x87: {  	_ =	shalt  }
.Lfunc_end0:
.L_simem_size_0:
called_computation_lowered:
.L_overlay_start_0:
0x88: {  	s2 =	sld [smem:$0x3FD9]  }
0x89: {  	s3 =	sld [smem:$0x3FFE];
	_ =	sdelay $0x1  }
0x8a: {  	s1 =	srdreg.scid  }
0x8b: {  	s0 =	sand.u32 $0x1, s1  }
0x8c: {  	s16 =	sshll.u32 s0, $0xA;
	s2 =	sadd.s32 s3, s2  }
0x8d: {  	s2 =	sadd.s32 s2, s16  }
0x8e: {  	[smem:$0x3FBB] =	sst s2  }
0x8f: {  	_ = 	snop  }
0x90: {  	(tm) =	ssettm $0x1  }
0x91: {  	s17 =	sld [smem:$0x3FFB];
	_ =	sdelay $0x3  }
0x92: {  	_ =	strace s17  }
0x93: {  	s2 =	sld [smem:$0x3FFC];
	_ =	sdelay $0x3  }
0x94: {  	_ =	strace s2  }
0x95: {  	s2 =	sld [smem:$0x3FFD];
	_ =	sdelay $0x3  }
0x96: {  	_ =	strace s2  }
0x97: {  	_ =	strace $0x8FFFFFFF  }
0x98: {  	s18 =	sld [smem:$0x3FDB];
	_ =	sdelay $0x1  }
0x99: {  	s19 =	simm.s32 $_scs_section_size  }
0x9a: {  	s4 =	simm.s32 $_size__tile_overlayer_lowered;
	s5 =	simm.s32 $_tile_overlayer_lowered  }
0x9b: {  	s22 =	simm.s32 $0x1BFF;
	s21 =	sshll.u32 s5, $0x1;
	s2 =	sadd.s32 s19, s18  }
0x9c: {  	s6 =	simm.s32 $0x0;
	s20 =	sshll.u32 s4, $0x1;
	s4 =	sadd.s32 s21, s2  }
0x9d: {  	[timem:s6], [sflag:s22] =	dma.local [hbm:s4], s20  }
0x9e: {  	_ =	swait.ge [sflag:s22], s20  }
0x9f: {  	s3 =	ssub.s32 $0x0, s20;
	[sflag:s22] =	ssyncset.done $0x0  }
0xa0: {  	[sflag:s22] =	ssyncadd.s32 s3;
	_ =	sdelay $0x1  }
0xa1: {  	s23 =	simm.s32 $0x1B8B  }
0xa2: {  	_ =	swait.ge [sflag:s23], $0x1  }
0xa3: {  	[sflag:s23] =	ssyncset.done $0x0  }
0xa4: {  	s25 =	simm.s32 $0x1B8E;
	s24 =	sld [smem:$0x3FFE];
	[sflag:s23] =	ssyncadd.s32 $0xFFFFFFFF  }
0xa5: {  	s26 =	simm.s32 $execute0_lowered;
	[smem:$0x3FD2] =	sst s25  }
0xa6: {  	s4 =	sshll.u32 s26, $0x1;
	_ =	strace $0x80000046;
	[dreg:$0x1] =	wrdreg $0xFFFFFFFF  }
0xa7: {  	s28 =	simm.s32 $_size_execute0_lowered;
	s2 =	sadd.s32 s2, s4;
	[dreg:$0x0] =	wrdreg $0x0  }
0xa8: {  	s4 =	sshll.u32 s28, $0x1;
	[dreg:$0x2] =	wrdreg s2  }
0xa9: {  	[dreg:$0x3] =	wrdreg s4  }
0xaa: {  	[dreg:$0x4] =	wrdreg $0xC0  }
0xab: {  	_ =	task [dreg:s6], $0x5FFFF  }
0xac: {  	[dreg:$0x1] =	wrdreg $0xFFFFFFFF  }
0xad: {  	[dreg:$0x0] =	wrdreg $0x60  }
0xae: {  	[dreg:$0x2] =	wrdreg s24  }
0xaf: {  	[dreg:$0x3] =	wrdreg $0x80000  }
0xb0: {  	[dreg:$0x4] =	wrdreg $0x9  }
0xb1: {  	_ =	task.clear_ibuf [dreg:s6], $0x5FFFF;
	_ =	strace $0x90000046  }
0xb2: {  	s29 =	simm.s32 $0x9;
	_ =	strace $0x80000048  }
0xb3: {  	_ =	swait.ge [sflag:s29], $0x1  }
0xb4: {  	[sflag:s29] =	ssyncadd.s32 $0xFFFFFFFF  }
0xb5: {  	_ =	strace $0x90000048  }
0xb6: {  	_ =	sfence  }
0xb7: {  	s30 =	sld [smem:$0x0];
	_ =	sdelay $0x2  }
0xb8: {  	s31 =	sshll.u32 s1, $0xD;
	s1 =	sshrl.u32 s1, $0x2  }
0xb9: {  	s3 =	sand.u32 $0x4000, s31;
	s1 =	sadd.s32 s1, s30  }
0xba: {  	s0 =	sor.u32 s3, s0;
	s1 =	sshll.u32 s1, $0x11  }
0xbb: {  	s0 =	sor.u32 s1, s0  }
0xbc: {  	s0 =	sadd.s32 $0x8F2B, s0  }
0xbd: {  	[sflag:s0] =	ssyncadd.remote.s32 $0x1  }
0xbe: {  	_ =	sfence.sel $0xFFFF  }
0xbf: {  	[dreg:$0x0] =	wrdreg $0xFFFFFFFF;
	(pc) =	sbr.abs _section_cstart, $3  }
0xc0: {  	[dreg:$0x1] =	wrdreg $0xFFFFFFFF  }
0xc1: {  	_ =	task.clear_ibuf [dreg:s6], $0x2FFFF;
	_ =	strace $0x9FFFFFFF  }
0xc2: {  	(tm) =	ssettm $0x7FFFFFFF  }
0xc3: {  	_ =	shalt  }
tec
execute0_lowered:
.L_overlay_start_1:
0x0: {  	(tag) =	ssettag $0x1  }
0x1: {  	s6 =	rddreg [dreg:$0x0];
	s0 =	stileid.u32  }
0x2: {  	s1 =	srdreg.scid;
	s2 =	rddreg [dreg:$0x1];
	s3 =	simm.s32 $0x0  }
0x3: {  	s12 =	simm.s32 $0x5000;
	s13 =	simm.s32 $0x5800;
	s14 =	simm.s32 $0x2  }
0x4: {  	s15 =	simm.s32 $0x80;
	s18 =	simm.s32 $0x0;
	s4 =	smul.u32 $0xA00, s0  }
0x5: {  	s8 =	sand.u32 $0x1, s1;
	s7 =	smul.u32 $0x2800, s0;
	s1 =	rddreg [dreg:$0x2]  }
0x6: {  	[smem:$0x7FF] =	sst s3;
	s16 =	sshll.u32 s0, $0x6;
	s5 =	smul.u32 $0x28000, s8  }
0x7: {  	_ =	strace $0x80000047;
	s11 =	ssub.s32 $0x2, s8;
	s8 =	sshll.u32 s8, $0x7  }
0x8: {  	s16 =	sor.u32 $0x1C02, s16;
	s9 =	sadd.s32 s4, s6;
	s31 =	sshrl.u32 s11, $0x1  }
0x9: {  	s4 =	sadd.s32 $0xD200, s6;
	s5 =	sadd.s32 s7, s5;
	s11 =	ssub.s32 s11, s31  }
0xa: {  	s7 =	sadd.s32 s7, s2;
	s10 =	sshrl.u32 s5, $0x3;
	s5 =	sadd.s32 $0xCC00, s6  }
0xb: {  	s17 =	sshrl.u32 s7, $0x3;
	s10 =	sadd.s32 s10, s6;
	s6 =	sadd.s32 $0x2C00, s9  }
0xc: {  	s9 =	sadd.s32 $0xD400, s10;
	s10 =	smax.u32 s11, $0x1;
	s11 =	simm.s32 $0x1  }
.LBB2_1:
0xd: {  	[tilespmem:s3], [sflag:$0x1] =	stream.linear.gather [hbm4b:s6+s3], $0x5000, $0x38;
	[tilespmem:$0xA800] =	vst v63  }
0xe: {  	_ =	swait.ge [sflag:s11], $0x5000  }
0xf: {  	[sflag:s11] =	ssyncset.done $0x0  }
0x10: {  	[sflag:s11] =	ssyncadd.s32 $0xFFFFB000  }
0x11: {  	[tilespmem:s12], [sflag:$0x1] =	stream.linear.gather [hbm4b:s4+s3], $0x800, $0x38;
	[tilespmem:$0xA800] =	vst v63  }
0x12: {  	_ =	swait.ge [sflag:s11], $0x800  }
0x13: {  	[sflag:s11] =	ssyncset.done $0x0  }
0x14: {  	[sflag:s11] =	ssyncadd.s32 $0xFFFFF800  }
0x15: {  	[tilespmem:s13], [sflag:$0x1] =	stream.linear.gather [hbm4b:s5+s3], $0x2800, $0x38;
	[tilespmem:$0xA800] =	vst v63  }
0x16: {  	_ =	swait.ge [sflag:s11], $0x2800  }
0x17: {  	[sflag:s11] =	ssyncset.done $0x0  }
0x18: {  	[sflag:s11] =	ssyncadd.s32 $0xFFFFD800  }
0x19: {  	[spmem:s7] =	stream.linear.scatter [tilespmem:s13], [sflag:$0x2], $0x2800, $0x38;
	[tilespmem:$0xA800] =	vst v63  }
0x1a: {  	_ =	swait.ge [sflag:s14], $0x2800  }
0x1b: {  	[sflag:s14] =	ssyncset.done $0x0  }
0x1c: {  	[sflag:s14] =	ssyncadd.s32 $0xFFFFD800  }
0x1d: {  	s19 =	sadd.s32 $0x0, s8;
	[bflag:$0x0] =	sbarrier.arrive $0xFFFF  }
0x1e: {  	[spmem:s2] =	stream.indirect.scatter.add.f32 [tilespmem:s12], [sflag:$0x2], $0x10, s19, s15, $0xb8;
	[tilespmem:$0xA800] =	vst v63  }
0x1f: {  	s19 =	simm.s32 $0x400;
	_ =	swait.ge [sflag:s14], $0x800  }
.LBB2_2:
0x20: {  	s20 =	sshra.s32 s19, $0x2;
	[sflag:s14] =	ssyncset.done $0x0;
	p0 =	sne.s32 s19, $0x13C00  }
.Ltmp0:
0x21: {  	s20 =	sadd.s32 s20, s8;
	[sflag:s14] =	ssyncadd.s32 $0xFFFFF800;
	(pc) =	sbr.rel @p0 .LBB2_2-.Ltmp0, $3  }
0x22: {  	[spmem:s2] =	stream.indirect.scatter.add.f32 [tilespmem:s12], [sflag:$0x2], $0x10, s20, s15, $0xb8;
	[tilespmem:$0xA800] =	vst v63  }
0x23: {  	s19 =	sadd.s32 $0x400, s19;
	_ =	sdelay $0x1  }
0x24: {  	_ =	swait.ge [sflag:s14], $0x800  }
0x25: {  	[sflag:s14] =	ssyncset.done $0x0;
	s18 =	sadd.s32 $0x1, s18  }
0x26: {  	[sflag:s14] =	ssyncadd.s32 $0xFFFFF800;
	p0 =	sne.s32 s18, s10  }
.Ltmp1:
0x27: {  	[bflag:$0x0] =	sbarrier.arrive $0xFFFF;
	(pc) =	sbr.rel @p0 .LBB2_1-.Ltmp1, $4  }
0x28: {  	[hbm:s9], [sflag:s16] =	dma.local [spmem:s17], $0x500  }
0x29: {  	_ =	swait.ge [sflag:s14], $0x500  }
0x2a: {  	[sflag:s14] =	ssyncset.done $0x0  }
0x2b: {  	[sflag:s14] =	ssyncadd.s32 $0xFFFFFB00  }
0x2c: {  	_ =	sfence.sel $0x180000  }
0x2d: {  	[bflag:$0x0] =	sbarrier.arrive $0xFFFF  }
0x2e: {  	p0 =	sne.s32 s0, $0x0;
	_ =	strace $0x90000047  }
0x2f: {  	s0 =	sadd.s32 @!p0 $0x100000, s1;
	[bflag:$0x2] =	sbarrier.arrive $0xFFFF  }
0x30: {  	[sflag:s0] =	ssyncadd.tile.s32 @!p0 $0x1;
	_ =	shalt  }
.Lfunc_end2:
_tile_overlayer_lowered:
.L_overlay_start_2:
0x31: {  	(tag) =	ssettag $0x2  }
0x32: {  	s0 =	rddreg [dreg:$0x0];
	s2 =	stileid.u32  }
0x33: {  	s1 =	rddreg [dreg:$0x1];
	p0 =	sne.s32 s2, $0x0  }
0x34: {  	s3 =	rddreg [dreg:$0x2];
	[bflag:$0x3] =	sbarrier.arrive $0xFFFF;
	s2 =	simm.s32 @!p0 $0x1C02  }
0x35: {  	[timem:s3], [sflag:s2] =	dma.local @!p0 [hbm:s0], s1  }
0x36: {  	s0 =	simm.s32 @!p0 $0x2  }
0x37: {  	_ =	swait.ge @!p0 [sflag:s0], s1  }
0x38: {  	s1 =	ssub.s32 @!p0 $0x0, s1;
	[sflag:s0] =	ssyncset.done @!p0 $0x0  }
0x39: {  	[sflag:s0] =	ssyncadd.s32 @!p0 s1  }
0x3a: {  	[bflag:$0x3] =	sbarrier.arrive $0xFFFF  }
0x3b: {  	_ =	shalt  }

// kernel: kernel.14.cloned.1.call-start
scs
__scs_entry_jumppad:
0x0: {  	(pc) =	sbr.rel $0x88, $3  }
0x1: {  	(tag) =	ssettag $0x0;
	lr =	simm.s32 $0x1  }
0x2: {  	[smem:$0x3F94] =	sst lr;
	_ =	strace $0xD0000000  }
0x3: {  	_ = 	snop  }
0x4: {  	_ = 	snop  }
0x5: {  	_ = 	snop  }
0x6: {  	_ = 	snop  }
0x7: {  	_ = 	snop  }
__scs_overlays_trampoline_lowered:
0x8: {  	[smem:$0x3FA3] =	sst s0  }
0x9: {  	[smem:$0x3FA4] =	sst s1  }
0xa: {  	[smem:$0x3FA5] =	sst s2  }
0xb: {  	[smem:$0x3FA6] =	sst s3  }
0xc: {  	[smem:$0x3FA7] =	sst s4  }
0xd: {  	[smem:$0x3FA8] =	sst s5  }
0xe: {  	[smem:$0x3FA9] =	sst s6  }
0xf: {  	[smem:$0x3FAA] =	sst s7  }
0x10: {  	[smem:$0x3FAB] =	sst s8  }
0x11: {  	[smem:$0x3FAC] =	sst s9;
	s0 =	simm.s32 @!p0 $0x0  }
0x12: {  	s1 =	sld [smem:$0x3F92];
	s0 =	simm.s32 @p0 $0x1  }
0x13: {  	[smem:$0x3FAD] =	sst s0;
	s0 =	simm.s32 @!p1 $0x0  }
0x14: {  	s2 =	sld [smem:$0x3F91];
	s0 =	simm.s32 @p1 $0x1  }
0x15: {  	[smem:$0x3FAE] =	sst s0;
	s0 =	simm.s32 @!p2 $0x0  }
0x16: {  	s3 =	sld [smem:$0x3FDB];
	s0 =	simm.s32 @p2 $0x1  }
0x17: {  	s4 =	simm.s32 $0x1BF5;
	[smem:$0x3FB0] =	sst s0  }
0x18: {  	s0 =	sld [smem:$0x3F93];
	_ =	swait.ge [sflag:s4], $0x0  }
0x19: {  	s7 =	sld [smem:$0x3F94]  }
0x1a: {  	s8 =	sadd.s32 $0xFFFFE003, lr  }
0x1b: {  	s9 =	sadd.s32 $0xFFFFFEF7, lr;
	s5 =	simm.s32 $0xFFFFFFFF;
	p2 =	slt.u32 s8, $0xFFFFF086  }
0x1c: {  	p1 =	slt.u32 s9, $0xF7A;
	s5 =	simm.s32 @!p2 $0x0  }
0x1d: {  	s5 =	simm.s32 @p1 $0x1;
	p0 =	seq.s32 s7, s2  }
0x1e: {  	s7 =	smul.u32 @!p0 $0xF7A, s2;
	p2 =	seq.s32 @!p0 s5, $0x0  }
0x1f: {  	s9 =	smul.u32 $0xF7A, s1;
	s8 =	simm.s32 @!p0 $0x1BF5;
	p2 =	por !p2, p0  }
0x20: {  	[sflag:s8] =	ssyncset.s32 @!p0 $0xFFFFF086;
	s6 =	sadd.s32 @!p0 s3, s7;
	s7 =	simm.s32 @!p0 $0x108  }
0x21: {  	s3 =	sadd.s32 s3, s9;
	s6 =	sadd.s32 @!p0 $0x88, s6;
	s7 =	simm.s32 @p2 $0x1082  }
0x22: {  	[simem:s7], [sflag:s8] =	dma.local @!p0 [hbm:s6], $0xF7A  }
0x23: {  	s9 =	sor.u32 $0xD0000000, s2;
	s6 =	simm.s32 $0x108;
	_ =	swait.ge @!p0 [sflag:s8], $0x0  }
0x24: {  	s3 =	sadd.s32 $0x88, s3;
	s6 =	simm.s32 @!p1 $0x1082;
	[sflag:s4] =	ssyncset.s32 $0xFFFFF086  }
0x25: {  	[simem:s6], [sflag:s4] =	dma.local [hbm:s3], $0xF7A  }
0x26: {  	[smem:$0x3F94] =	sst s1;
	(tag) =	ssettag s2;
	_ =	strace s9  }
0x27: {  	s1 =	sld [smem:$0x3FA4]  }
0x28: {  	s2 =	sld [smem:$0x3FA5]  }
0x29: {  	s4 =	sld [smem:$0x3FA7]  }
0x2a: {  	p0 =	seq.s32 s5, $0x0;
	s5 =	sld [smem:$0x3FA8]  }
0x2b: {  	s6 =	sld [smem:$0x3FA9]  }
0x2c: {  	s7 =	sld [smem:$0x3FAA]  }
0x2d: {  	s3 =	simm.s32 $0x108;
	s8 =	sld [smem:$0x3FAB]  }
0x2e: {  	s3 =	simm.s32 @!p0 $0x1082;
	s9 =	sld [smem:$0x3FAC]  }
0x2f: {  	lr =	sadd.s32 s0, s3;
	s0 =	sld [smem:$0x3FA3]  }
0x30: {  	s3 =	sld [smem:$0x3FA6]  }
0x31: {  	[smem:$0x3FAF] =	sst s10  }
0x32: {  	s10 =	sld [smem:$0x3FAD];
	_ =	sdelay $0x3  }
0x33: {  	p0 =	seq.s32 s10, $0x1;
	s10 =	sld [smem:$0x3FAF];
	_ =	sdelay $0x3  }
0x34: {  	[smem:$0x3FAF] =	sst s10  }
0x35: {  	s10 =	sld [smem:$0x3FAE];
	_ =	sdelay $0x3  }
0x36: {  	p1 =	seq.s32 s10, $0x1;
	s10 =	sld [smem:$0x3FAF];
	_ =	sdelay $0x3  }
0x37: {  	[smem:$0x3FAF] =	sst s10  }
0x38: {  	s10 =	sld [smem:$0x3FB0]  }
0x39: {  	_ = 	snop;
	(pc) =	sbr.ind lr, $3  }
0x3a: {  	_ = 	snop  }
0x3b: {  	_ = 	snop  }
0x3c: {  	p2 =	seq.s32 s10, $0x1;
	s10 =	sld [smem:$0x3FAF]  }
0x3d: {  	_ =	shalt  }
0x3e: {  	_ =	shalt  }
0x3f: {  	_ =	shalt  }
0x40: {  	_ =	shalt  }
0x41: {  	_ =	shalt  }
0x42: {  	_ =	shalt  }
0x43: {  	_ =	shalt  }
0x44: {  	_ =	shalt  }
0x45: {  	_ =	shalt  }
0x46: {  	_ =	shalt  }
0x47: {  	_ =	shalt  }
0x48: {  	_ =	shalt  }
0x49: {  	_ =	shalt  }
0x4a: {  	_ =	shalt  }
0x4b: {  	_ =	shalt  }
0x4c: {  	_ =	shalt  }
0x4d: {  	_ =	shalt  }
0x4e: {  	_ =	shalt  }
0x4f: {  	_ =	shalt  }
0x50: {  	_ =	shalt  }
0x51: {  	_ =	shalt  }
0x52: {  	_ =	shalt  }
0x53: {  	_ =	shalt  }
0x54: {  	_ =	shalt  }
0x55: {  	_ =	shalt  }
0x56: {  	_ =	shalt  }
0x57: {  	_ =	shalt  }
0x58: {  	_ =	shalt  }
0x59: {  	_ =	shalt  }
0x5a: {  	_ =	shalt  }
0x5b: {  	_ =	shalt  }
0x5c: {  	_ =	shalt  }
0x5d: {  	_ =	shalt  }
0x5e: {  	_ =	shalt  }
0x5f: {  	_ =	shalt  }
0x60: {  	_ =	shalt  }
0x61: {  	_ =	shalt  }
0x62: {  	_ =	shalt  }
0x63: {  	_ =	shalt  }
0x64: {  	_ =	shalt  }
0x65: {  	_ =	shalt  }
0x66: {  	_ =	shalt  }
0x67: {  	_ =	shalt  }
0x68: {  	_ =	shalt  }
0x69: {  	_ =	shalt  }
0x6a: {  	_ =	shalt  }
0x6b: {  	_ =	shalt  }
0x6c: {  	_ =	shalt  }
0x6d: {  	_ =	shalt  }
0x6e: {  	_ =	shalt  }
0x6f: {  	_ =	shalt  }
0x70: {  	_ =	shalt  }
0x71: {  	_ =	shalt  }
0x72: {  	_ =	shalt  }
0x73: {  	_ =	shalt  }
0x74: {  	_ =	shalt  }
0x75: {  	_ =	shalt  }
0x76: {  	_ =	shalt  }
0x77: {  	_ =	shalt  }
0x78: {  	_ =	shalt  }
0x79: {  	_ =	shalt  }
0x7a: {  	_ =	shalt  }
0x7b: {  	_ =	shalt  }
0x7c: {  	_ =	shalt  }
0x7d: {  	_ =	shalt  }
0x7e: {  	_ =	shalt  }
0x7f: {  	_ =	shalt  }
0x80: {  	_ =	shalt  }
0x81: {  	_ =	shalt  }
0x82: {  	_ =	shalt  }
0x83: {  	_ =	shalt  }
0x84: {  	_ =	shalt  }
0x85: {  	_ =	shalt  }
0x86: {  	_ =	shalt  }
0x87: {  	_ =	shalt  }
.Lfunc_end0:
.L_simem_size_0:
called_computation.1_lowered:
.L_overlay_start_0:
0x88: {  	s2 =	sld [smem:$0x3FD9]  }
0x89: {  	s3 =	sld [smem:$0x3FFE];
	_ =	sdelay $0x1  }
0x8a: {  	s1 =	srdreg.scid  }
0x8b: {  	s0 =	sand.u32 $0x1, s1  }
0x8c: {  	s16 =	sshll.u32 s0, $0xA;
	s2 =	sadd.s32 s3, s2  }
0x8d: {  	s2 =	sadd.s32 s2, s16  }
0x8e: {  	[smem:$0x3FBB] =	sst s2  }
0x8f: {  	_ = 	snop  }
0x90: {  	(tm) =	ssettm $0x1  }
0x91: {  	s17 =	sld [smem:$0x3FFB];
	_ =	sdelay $0x3  }
0x92: {  	_ =	strace s17  }
0x93: {  	s2 =	sld [smem:$0x3FFC];
	_ =	sdelay $0x3  }
0x94: {  	_ =	strace s2  }
0x95: {  	s2 =	sld [smem:$0x3FFD];
	_ =	sdelay $0x3  }
0x96: {  	_ =	strace s2  }
0x97: {  	_ =	strace $0x8FFFFFFF  }
0x98: {  	s18 =	sld [smem:$0x3FDB];
	_ =	sdelay $0x1  }
0x99: {  	s19 =	simm.s32 $_scs_section_size  }
0x9a: {  	s4 =	simm.s32 $_size__tile_overlayer_lowered;
	s5 =	simm.s32 $_tile_overlayer_lowered  }
0x9b: {  	s22 =	simm.s32 $0x1BFF;
	s21 =	sshll.u32 s5, $0x1;
	s2 =	sadd.s32 s19, s18  }
0x9c: {  	s6 =	simm.s32 $0x0;
	s20 =	sshll.u32 s4, $0x1;
	s4 =	sadd.s32 s21, s2  }
0x9d: {  	[timem:s6], [sflag:s22] =	dma.local [hbm:s4], s20  }
0x9e: {  	_ =	swait.ge [sflag:s22], s20  }
0x9f: {  	s3 =	ssub.s32 $0x0, s20;
	[sflag:s22] =	ssyncset.done $0x0  }
0xa0: {  	[sflag:s22] =	ssyncadd.s32 s3;
	_ =	sdelay $0x1  }
0xa1: {  	s23 =	simm.s32 $0x1B8B  }
0xa2: {  	_ =	swait.ge [sflag:s23], $0x1  }
0xa3: {  	[sflag:s23] =	ssyncset.done $0x0  }
0xa4: {  	s25 =	simm.s32 $0x1B8E;
	s24 =	sld [smem:$0x3FFE];
	[sflag:s23] =	ssyncadd.s32 $0xFFFFFFFF  }
0xa5: {  	s26 =	simm.s32 $execute0_lowered;
	[smem:$0x3FD2] =	sst s25  }
0xa6: {  	s4 =	sshll.u32 s26, $0x1;
	_ =	strace $0x80000049;
	[dreg:$0x1] =	wrdreg $0xFFFFFFFF  }
0xa7: {  	s28 =	simm.s32 $_size_execute0_lowered;
	s2 =	sadd.s32 s2, s4;
	[dreg:$0x0] =	wrdreg $0x0  }
0xa8: {  	s4 =	sshll.u32 s28, $0x1;
	[dreg:$0x2] =	wrdreg s2  }
0xa9: {  	[dreg:$0x3] =	wrdreg s4  }
0xaa: {  	[dreg:$0x4] =	wrdreg $0xC0  }
0xab: {  	_ =	task [dreg:s6], $0x5FFFF  }
0xac: {  	[dreg:$0x1] =	wrdreg $0xFFFFFFFF  }
0xad: {  	[dreg:$0x0] =	wrdreg $0x60  }
0xae: {  	[dreg:$0x2] =	wrdreg s24  }
0xaf: {  	[dreg:$0x3] =	wrdreg $0x140000  }
0xb0: {  	[dreg:$0x4] =	wrdreg $0x9  }
0xb1: {  	_ =	task.clear_ibuf [dreg:s6], $0x5FFFF;
	_ =	strace $0x90000049  }
0xb2: {  	s29 =	simm.s32 $0x9;
	_ =	strace $0x8000004B  }
0xb3: {  	_ =	swait.ge [sflag:s29], $0x1  }
0xb4: {  	[sflag:s29] =	ssyncadd.s32 $0xFFFFFFFF  }
0xb5: {  	_ =	strace $0x9000004B  }
0xb6: {  	_ =	sfence  }
0xb7: {  	s30 =	sld [smem:$0x0];
	_ =	sdelay $0x2  }
0xb8: {  	s31 =	sshll.u32 s1, $0xD;
	s1 =	sshrl.u32 s1, $0x2  }
0xb9: {  	s3 =	sand.u32 $0x4000, s31;
	s1 =	sadd.s32 s1, s30  }
0xba: {  	s0 =	sor.u32 s3, s0;
	s1 =	sshll.u32 s1, $0x11  }
0xbb: {  	s0 =	sor.u32 s1, s0  }
0xbc: {  	s0 =	sadd.s32 $0x8F2B, s0  }
0xbd: {  	[sflag:s0] =	ssyncadd.remote.s32 $0x1  }
0xbe: {  	_ =	sfence.sel $0xFFFF  }
0xbf: {  	[dreg:$0x0] =	wrdreg $0xFFFFFFFF;
	(pc) =	sbr.abs _section_cstart, $3  }
0xc0: {  	[dreg:$0x1] =	wrdreg $0xFFFFFFFF  }
0xc1: {  	_ =	task.clear_ibuf [dreg:s6], $0x2FFFF;
	_ =	strace $0x9FFFFFFF  }
0xc2: {  	(tm) =	ssettm $0x7FFFFFFF  }
0xc3: {  	_ =	shalt  }
tec
execute0_lowered:
.L_overlay_start_1:
0x0: {  	(tag) =	ssettag $0x1  }
0x1: {  	s0 =	rddreg [dreg:$0x0]  }
0x2: {  	s1 =	rddreg [dreg:$0x1]  }
0x3: {  	s2 =	srdreg.scid;
	s9 =	stileid.u32  }
0x4: {  	s3 =	simm.s32 $0x0;
	s28 =	simm.s32 $0xC;
	s5 =	smul.u32 $0xA00, s9  }
0x5: {  	s29 =	simm.s32 $0x80;
	s30 =	simm.s32 $0x12000;
	s6 =	smul.u32 $0x28000, s9  }
0x6: {  	s31 =	simm.s32 $0x2;
	s2 =	sand.u32 $0x1, s2;
	s16 =	smul.u32 $0xA000, s9  }
0x7: {  	[smem:$0x7FF] =	sst s3;
	s8 =	sadd.s32 $0xCC00, s0;
	s4 =	smul.u32 $0x13880, s2  }
0x8: {  	_ =	strace $0x8000004A;
	s7 =	ssub.s32 $0x2, s2;
	s2 =	smul.u32 $0xA0000, s2  }
0x9: {  	[dreg:$0x3] =	wrdreg s8;
	s5 =	sadd.s32 s5, s0;
	s13 =	sshrl.u32 s7, $0x1  }
0xa: {  	s15 =	sshrl.u32 s6, $0x2;
	s20 =	sadd.s32 $0x2000, s16;
	s23 =	sadd.s32 s16, s1  }
0xb: {  	s24 =	sadd.s32 $0x4000, s16;
	s4 =	sadd.s32 s4, s0;
	s0 =	sadd.s32 $0x96800, s0  }
0xc: {  	s10 =	ssub.s32 s7, s13;
	s14 =	sadd.s32 $0x17400, s5;
	s5 =	sadd.s32 $0x2C00, s5  }
0xd: {  	s17 =	sadd.s32 s2, s16;
	s7 =	sadd.s32 s15, s1;
	[dreg:$0x4] =	wrdreg s14  }
0xe: {  	s22 =	sadd.s32 s2, s20;
	[dreg:$0x5] =	wrdreg s5;
	s8 =	sadd.s32 $0x6F600, s4  }
0xf: {  	s18 =	sshrl.u32 s17, $0x3;
	s19 =	smax.u32 s10, $0x1;
	s5 =	sadd.s32 $0x2000, s7  }
0x10: {  	s21 =	sadd.s32 $0x4000, s7;
	s13 =	sadd.s32 $0x6000, s7;
	[dreg:$0x7] =	wrdreg s19  }
0x11: {  	s14 =	sadd.s32 $0x8000, s7;
	s17 =	sadd.s32 s2, s24;
	[dreg:$0x8] =	wrdreg s5  }
0x12: {  	s4 =	sadd.s32 s0, s18;
	[dreg:$0x9] =	wrdreg s21;
	s5 =	sshrl.u32 s22, $0x3  }
0x13: {  	s18 =	sadd.s32 $0x6000, s16;
	s17 =	sshrl.u32 s17, $0x3;
	s21 =	sshrl.u32 s23, $0x3  }
0x14: {  	[dreg:$0x6] =	wrdreg s4;
	s15 =	sadd.s32 s0, s5;
	s4 =	sadd.s32 s20, s1  }
0x15: {  	s19 =	sadd.s32 s2, s18;
	s20 =	sadd.s32 $0x8000, s16;
	s16 =	sadd.s32 s0, s17  }
0x16: {  	s5 =	sadd.s32 s24, s1;
	s24 =	sadd.s32 s18, s1;
	s25 =	sshrl.u32 s19, $0x3  }
.Ltmp0:
0x17: {  	s2 =	sadd.s32 s2, s20;
	s26 =	sadd.s32 s20, s1;
	(pc) =	sbr.rel .LBB2_1-.Ltmp0, $4  }
0x18: {  	s19 =	simm.s32 $0xB;
	s22 =	sshrl.u32 s4, $0x3;
	s23 =	sshrl.u32 s5, $0x3  }
0x19: {  	s24 =	sshrl.u32 s24, $0x3;
	s20 =	simm.s32 $0x0;
	s17 =	sadd.s32 s0, s25  }
0x1a: {  	s2 =	sshrl.u32 s2, $0x3;
	s25 =	sshrl.u32 s26, $0x3;
	s26 =	simm.s32 $0xA000  }
0x1b: {  	s18 =	sadd.s32 s0, s2;
	s0 =	simm.s32 $0xC000;
	s2 =	simm.s32 $0xE000  }
.LBB2_4:
0x1c: {  	s4 =	stileid.u32  }
0x1d: {  	[bflag:$0x0] =	sbarrier.arrive $0xFFFF;
	s4 =	sshll.u32 s4, $0x6  }
0x1e: {  	s5 =	rddreg [dreg:$0x6];
	s4 =	sor.u32 $0x1C0C, s4  }
0x1f: {  	[hbm:s5], [sflag:s4] =	dma.local [spmem:s21], $0x400  }
0x20: {  	_ =	swait.ge [sflag:s28], $0x400  }
0x21: {  	[sflag:s28] =	ssyncset.done $0x0  }
0x22: {  	[sflag:s28] =	ssyncadd.s32 $0xFFFFFC00  }
0x23: {  	[hbm:s15], [sflag:s4] =	dma.local [spmem:s22], $0x400  }
0x24: {  	_ =	swait.ge [sflag:s28], $0x400  }
0x25: {  	[sflag:s28] =	ssyncset.done $0x0  }
0x26: {  	[sflag:s28] =	ssyncadd.s32 $0xFFFFFC00  }
0x27: {  	[hbm:s16], [sflag:s4] =	dma.local [spmem:s23], $0x400  }
0x28: {  	_ =	swait.ge [sflag:s28], $0x400  }
0x29: {  	[sflag:s28] =	ssyncset.done $0x0  }
0x2a: {  	[sflag:s28] =	ssyncadd.s32 $0xFFFFFC00  }
0x2b: {  	[hbm:s17], [sflag:s4] =	dma.local [spmem:s24], $0x400  }
0x2c: {  	_ =	swait.ge [sflag:s28], $0x400  }
0x2d: {  	[sflag:s28] =	ssyncset.done $0x0  }
0x2e: {  	[sflag:s28] =	ssyncadd.s32 $0xFFFFFC00  }
0x2f: {  	[hbm:s18], [sflag:s4] =	dma.local [spmem:s25], $0x400  }
0x30: {  	_ =	swait.ge [sflag:s28], $0x400  }
0x31: {  	s20 =	sadd.s32 $0x1, s20;
	s12 =	rddreg [dreg:$0x7]  }
0x32: {  	p0 =	sne.s32 s20, s12  }
.Ltmp1:
0x33: {  	_ = 	snop;
	(pc) =	sbr.rel @!p0 .LBB2_5-.Ltmp1, $3  }
0x34: {  	_ =	sdelay $0x1  }
0x35: {  	[sflag:s28] =	ssyncset.done $0x0  }
0x36: {  	[sflag:s28] =	ssyncadd.s32 $0xFFFFFC00  }
.LBB2_1:
0x37: {  	s4 =	rddreg [dreg:$0x4]  }
0x38: {  	[tilespmem:s3], [sflag:$0xB] =	stream.linear.gather [hbm4b:s4+s3], $0x5000, $0x38;
	[tilespmem:$0x1E000] =	vst v63  }
0x39: {  	_ =	swait.ge [sflag:s19], $0x5000  }
0x3a: {  	[sflag:s19] =	ssyncset.done $0x0  }
0x3b: {  	s5 =	simm.s32 $0x5000;
	s9 =	rddreg [dreg:$0x5];
	[sflag:s19] =	ssyncadd.s32 $0xFFFFB000  }
0x3c: {  	[tilespmem:s5], [sflag:$0xB] =	stream.linear.gather [hbm4b:s9+s3], $0x5000, $0x38;
	[tilespmem:$0x1E000] =	vst v63  }
0x3d: {  	_ =	swait.ge [sflag:s19], $0x5000  }
0x3e: {  	[sflag:s19] =	ssyncset.done $0x0  }
0x3f: {  	s10 =	rddreg [dreg:$0x3];
	[sflag:s19] =	ssyncadd.s32 $0xFFFFB000  }
0x40: {  	[tilespmem:s26], [sflag:$0xB] =	stream.linear.gather [hbm4b:s10+s3], $0x2000, $0x38;
	[tilespmem:$0x1E000] =	vst v63  }
0x41: {  	_ =	swait.ge [sflag:s19], $0x2000  }
0x42: {  	[sflag:s19] =	ssyncset.done $0x0  }
0x43: {  	[sflag:s19] =	ssyncadd.s32 $0xFFFFE000  }
0x44: {  	[spmem:s7] =	stream.linear.scatter [tilespmem:s26], [sflag:$0xC], $0x2000, $0x38;
	[tilespmem:$0x1E000] =	vst v63  }
0x45: {  	_ =	swait.ge [sflag:s28], $0x2000  }
0x46: {  	[sflag:s28] =	ssyncset.done $0x0  }
0x47: {  	s11 =	rddreg [dreg:$0x8];
	[sflag:s28] =	ssyncadd.s32 $0xFFFFE000  }
0x48: {  	[spmem:s11] =	stream.linear.scatter [tilespmem:s26], [sflag:$0xC], $0x2000, $0x38;
	[tilespmem:$0x1E000] =	vst v63  }
0x49: {  	_ =	swait.ge [sflag:s28], $0x2000  }
0x4a: {  	[sflag:s28] =	ssyncset.done $0x0  }
0x4b: {  	s12 =	rddreg [dreg:$0x9];
	[sflag:s28] =	ssyncadd.s32 $0xFFFFE000  }
0x4c: {  	[spmem:s12] =	stream.linear.scatter [tilespmem:s26], [sflag:$0xC], $0x2000, $0x38;
	[tilespmem:$0x1E000] =	vst v63  }
0x4d: {  	_ =	swait.ge [sflag:s28], $0x2000  }
0x4e: {  	[sflag:s28] =	ssyncset.done $0x0  }
0x4f: {  	[sflag:s28] =	ssyncadd.s32 $0xFFFFE000  }
0x50: {  	[spmem:s13] =	stream.linear.scatter [tilespmem:s26], [sflag:$0xC], $0x2000, $0x38;
	[tilespmem:$0x1E000] =	vst v63  }
0x51: {  	_ =	swait.ge [sflag:s28], $0x2000  }
0x52: {  	[sflag:s28] =	ssyncset.done $0x0  }
0x53: {  	[sflag:s28] =	ssyncadd.s32 $0xFFFFE000  }
0x54: {  	[spmem:s14] =	stream.linear.scatter [tilespmem:s26], [sflag:$0xC], $0x2000, $0x38;
	[tilespmem:$0x1E000] =	vst v63  }
0x55: {  	_ =	swait.ge [sflag:s28], $0x2000  }
0x56: {  	[sflag:s28] =	ssyncset.done $0x0  }
0x57: {  	s6 =	simm.s32 $0x0;
	[sflag:s28] =	ssyncadd.s32 $0xFFFFE000  }
0x58: {  	s4 =	simm.s32 $0x20;
	s5 =	simm.s32 $0xFFFFFFFF;
	[bflag:$0x0] =	sbarrier.arrive $0xFFFF  }
.LBB2_2:
0x59: {  	p1 =	seq.s32 s4, $0x20  }
0x5a: {  	s9 =	simm.s32 @!p1 $0x6  }
0x5b: {  	p0 =	seq.s32 @!p1 s4, $0x0;
	_ =	swait.ge @!p1 [sflag:s9], $0x2000  }
0x5c: {  	s11 =	sadd.s32 $0xFFFFFFFE, s5;
	p0 =	por p1, !p0;
	[sflag:s9] =	ssyncset.done @!p1 $0x0  }
0x5d: {  	p2 =	sgt.u32 s11, $0x9F;
	[sflag:s9] =	ssyncadd.s32 @!p1 $0xFFFFE000;
	s9 =	sshra.s32 @p0 s6, $0x2  }
0x5e: {  	[tilespmem:s26], [sflag:$0x1] =	stream.indirect.gather @p0 [hbm4b:s8+s29], $0x40, s9, s29, $0xb8;
	[tilespmem:$0x1E000] =	vst v63  }
0x5f: {  	s9 =	simm.s32 @!p2 $0x3  }
0x60: {  	_ =	swait.ge @!p2 [sflag:s9], $0x2000  }
0x61: {  	[sflag:s9] =	ssyncset.done @!p2 $0x0  }
0x62: {  	[sflag:s9] =	ssyncadd.s32 @!p2 $0xFFFFE000;
	s9 =	sshra.s32 @!p2 s6, $0x2  }
0x63: {  	s10 =	simm.s32 @!p2 $0x80;
	s11 =	simm.s32 @!p2 $0xE000;
	s9 =	sadd.s32 @!p2 $0x4E80, s9  }
0x64: {  	[spmem:s1] =	stream.indirect.scatter.add.f32 @!p2 [tilespmem:s11], [sflag:$0x8], $0x40, s9, s10, $0xb8;
	[tilespmem:$0x1E000] =	vst v63  }
0x65: {  	s9 =	simm.s32 @!p1 $0x7  }
0x66: {  	_ =	swait.ge @!p1 [sflag:s9], $0x2000  }
0x67: {  	[sflag:s9] =	ssyncset.done @!p1 $0x0  }
0x68: {  	s12 =	sadd.s32 $0xFFFFFFFF, s5;
	[sflag:s9] =	ssyncadd.s32 @!p1 $0xFFFFE000;
	s9 =	sshra.s32 @p0 s6, $0x2  }
0x69: {  	p2 =	sgt.u32 s12, $0x9F;
	s9 =	sadd.s32 @p0 $0x80, s9  }
0x6a: {  	[tilespmem:s0], [sflag:$0x2] =	stream.indirect.gather @p0 [hbm4b:s8+s29], $0x40, s9, s29, $0xb8;
	[tilespmem:$0x1E000] =	vst v63  }
0x6b: {  	s9 =	simm.s32 @!p2 $0x4  }
0x6c: {  	_ =	swait.ge @!p2 [sflag:s9], $0x2000  }
0x6d: {  	[sflag:s9] =	ssyncset.done @!p2 $0x0  }
0x6e: {  	[sflag:s9] =	ssyncadd.s32 @!p2 $0xFFFFE000;
	s9 =	sshra.s32 @!p2 s6, $0x2  }
0x6f: {  	s10 =	simm.s32 @!p2 $0x80;
	s11 =	simm.s32 @!p2 $0x10000;
	s9 =	sadd.s32 @!p2 $0x4F00, s9  }
0x70: {  	[spmem:s1] =	stream.indirect.scatter.add.f32 @!p2 [tilespmem:s11], [sflag:$0x9], $0x40, s9, s10, $0xb8;
	[tilespmem:$0x1E000] =	vst v63  }
0x71: {  	s9 =	simm.s32 @!p1 $0x8  }
0x72: {  	_ =	swait.ge @!p1 [sflag:s9], $0x2000  }
0x73: {  	[sflag:s9] =	ssyncset.done @!p1 $0x0  }
0x74: {  	[sflag:s9] =	ssyncadd.s32 @!p1 $0xFFFFE000;
	s9 =	sshra.s32 @p0 s6, $0x2  }
0x75: {  	p2 =	sgt.u32 s5, $0x9F;
	s9 =	sadd.s32 @p0 $0x100, s9  }
0x76: {  	[tilespmem:s2], [sflag:$0x3] =	stream.indirect.gather @p0 [hbm4b:s8+s29], $0x40, s9, s29, $0xb8;
	[tilespmem:$0x1E000] =	vst v63  }
0x77: {  	s9 =	simm.s32 @!p2 $0x5  }
0x78: {  	_ =	swait.ge @!p2 [sflag:s9], $0x2000  }
0x79: {  	[sflag:s9] =	ssyncset.done @!p2 $0x0  }
0x7a: {  	[sflag:s9] =	ssyncadd.s32 @!p2 $0xFFFFE000;
	s9 =	sshra.s32 @!p2 s6, $0x2  }
0x7b: {  	s10 =	simm.s32 @!p2 $0x80;
	s11 =	simm.s32 @!p2 $0x12000;
	s9 =	sadd.s32 @!p2 $0x4F80, s9  }
0x7c: {  	[spmem:s1] =	stream.indirect.scatter.add.f32 @!p2 [tilespmem:s11], [sflag:$0xA], $0x40, s9, s10, $0xb8;
	[tilespmem:$0x1E000] =	vst v63  }
0x7d: {  	s9 =	simm.s32 @!p1 $0x9  }
0x7e: {  	_ =	swait.ge @!p1 [sflag:s9], $0x2000  }
0x7f: {  	[sflag:s9] =	ssyncset.done @!p1 $0x0  }
0x80: {  	[sflag:s9] =	ssyncadd.s32 @!p1 $0xFFFFE000;
	s9 =	sshra.s32 @p0 s6, $0x2  }
0x81: {  	s12 =	simm.s32 @p0 $0x10000;
	s11 =	simm.s32 @p0 $0x80;
	s10 =	sadd.s32 @p0 $0x180, s9  }
0x82: {  	[tilespmem:s12], [sflag:$0x4] =	stream.indirect.gather @p0 [hbm4b:s8+s11], $0x40, s10, s11, $0xb8;
	[tilespmem:$0x1E000] =	vst v63  }
0x83: {  	s10 =	simm.s32 @p0 $0x1  }
0x84: {  	_ =	swait.ge @p0 [sflag:s10], $0x2000  }
0x85: {  	p1 =	seq.s32 @p0 s4, $0x20;
	[sflag:s10] =	ssyncset.done @p0 $0x0  }
0x86: {  	s9 =	sadd.s32 @p0 $0x5000, s9;
	[sflag:s10] =	ssyncadd.s32 @p0 $0xFFFFE000;
	s10 =	simm.s32 @p0 $0xA000  }
0x87: {  	[spmem:s1] =	stream.indirect.scatter.add.f32 @p0 [tilespmem:s10], [sflag:$0x6], $0x40, s9, s11, $0xb8;
	[tilespmem:$0x1E000] =	vst v63  }
0x88: {  	p0 =	por !p0, !p1  }
0x89: {  	p1 =	seq.s32 @p0 s4, $0x0  }
0x8a: {  	p1 =	por !p0, !p1  }
.Ltmp2:
0x8b: {  	_ = 	snop;
	(pc) =	sbr.rel @!p1 .LBB2_4-.Ltmp2, $4  }
0x8c: {  	s9 =	simm.s32 @p0 $0xA  }
0x8d: {  	_ =	swait.ge @p0 [sflag:s9], $0x2000  }
0x8e: {  	[sflag:s9] =	ssyncset.done @p0 $0x0  }
0x8f: {  	[sflag:s9] =	ssyncadd.s32 @p0 $0xFFFFE000  }
0x90: {  	s9 =	smov.u32 s6  }
0x91: {  	s9 =	simm.s32 @!p0 $0x0  }
0x92: {  	s9 =	sshra.s32 s9, $0x2  }
0x93: {  	s9 =	sadd.s32 $0x200, s9  }
0x94: {  	[tilespmem:s30], [sflag:$0x5] =	stream.indirect.gather [hbm4b:s8+s29], $0x40, s9, s29, $0xb8;
	[tilespmem:$0x1E000] =	vst v63  }
.Ltmp3:
0x95: {  	_ = 	snop;
	(pc) =	sbr.rel .LBB2_2-.Ltmp3, $4  }
0x96: {  	s12 =	sshra.s32 s6, $0x2;
	_ =	swait.ge [sflag:s31], $0x2000  }
0x97: {  	s6 =	sadd.s32 $0xA00, s6;
	s4 =	sadd.s32 $0xFFFFFFFF, s4;
	[sflag:s31] =	ssyncset.done $0x0  }
0x98: {  	s5 =	sadd.s32 $0x5, s5;
	s9 =	sadd.s32 $0x5080, s12;
	[sflag:s31] =	ssyncadd.s32 $0xFFFFE000  }
0x99: {  	[spmem:s1] =	stream.indirect.scatter.add.f32 [tilespmem:s0], [sflag:$0x7], $0x40, s9, s29, $0xb8;
	[tilespmem:$0x1E000] =	vst v63  }
.LBB2_5:
0x9a: {  	_ =	sfence.sel $0x180000  }
0x9b: {  	[bflag:$0x0] =	sbarrier.arrive $0xFFFF  }
0x9c: {  	_ =	strace $0x9000004A  }
0x9d: {  	s0 =	stileid.u32;
	[bflag:$0x2] =	sbarrier.arrive $0xFFFF  }
0x9e: {  	p0 =	sne.s32 s0, $0x0;
	s0 =	rddreg [dreg:$0x2]  }
0x9f: {  	s0 =	sadd.s32 @!p0 $0x100000, s0  }
0xa0: {  	[sflag:s0] =	ssyncadd.tile.s32 @!p0 $0x1;
	_ =	shalt  }
.Lfunc_end2:
_tile_overlayer_lowered:
.L_overlay_start_2:
0xa1: {  	(tag) =	ssettag $0x2  }
0xa2: {  	s0 =	rddreg [dreg:$0x0];
	s2 =	stileid.u32  }
0xa3: {  	s1 =	rddreg [dreg:$0x1];
	p0 =	sne.s32 s2, $0x0  }
0xa4: {  	s3 =	rddreg [dreg:$0x2];
	[bflag:$0x3] =	sbarrier.arrive $0xFFFF;
	s2 =	simm.s32 @!p0 $0x1C0C  }
0xa5: {  	[timem:s3], [sflag:s2] =	dma.local @!p0 [hbm:s0], s1  }
0xa6: {  	s0 =	simm.s32 @!p0 $0xC  }
0xa7: {  	_ =	swait.ge @!p0 [sflag:s0], s1  }
0xa8: {  	s1 =	ssub.s32 @!p0 $0x0, s1;
	[sflag:s0] =	ssyncset.done @!p0 $0x0  }
0xa9: {  	[sflag:s0] =	ssyncadd.s32 @!p0 s1  }
0xaa: {  	[bflag:$0x3] =	sbarrier.arrive $0xFFFF  }
0xab: {  	_ =	shalt  }

// kernel: kernel.17.cloned.1.call-start
scs
__scs_entry_jumppad:
0x0: {  	(pc) =	sbr.rel $0x88, $3  }
0x1: {  	(tag) =	ssettag $0x0;
	lr =	simm.s32 $0x1  }
0x2: {  	[smem:$0x3F94] =	sst lr;
	_ =	strace $0xD0000000  }
0x3: {  	_ = 	snop  }
0x4: {  	_ = 	snop  }
0x5: {  	_ = 	snop  }
0x6: {  	_ = 	snop  }
0x7: {  	_ = 	snop  }
__scs_overlays_trampoline_lowered:
0x8: {  	[smem:$0x3FA3] =	sst s0  }
0x9: {  	[smem:$0x3FA4] =	sst s1  }
0xa: {  	[smem:$0x3FA5] =	sst s2  }
0xb: {  	[smem:$0x3FA6] =	sst s3  }
0xc: {  	[smem:$0x3FA7] =	sst s4  }
0xd: {  	[smem:$0x3FA8] =	sst s5  }
0xe: {  	[smem:$0x3FA9] =	sst s6  }
0xf: {  	[smem:$0x3FAA] =	sst s7  }
0x10: {  	[smem:$0x3FAB] =	sst s8  }
0x11: {  	[smem:$0x3FAC] =	sst s9;
	s0 =	simm.s32 @!p0 $0x0  }
0x12: {  	s1 =	sld [smem:$0x3F92];
	s0 =	simm.s32 @p0 $0x1  }
0x13: {  	[smem:$0x3FAD] =	sst s0;
	s0 =	simm.s32 @!p1 $0x0  }
0x14: {  	s2 =	sld [smem:$0x3F91];
	s0 =	simm.s32 @p1 $0x1  }
0x15: {  	[smem:$0x3FAE] =	sst s0;
	s0 =	simm.s32 @!p2 $0x0  }
0x16: {  	s3 =	sld [smem:$0x3FDB];
	s0 =	simm.s32 @p2 $0x1  }
0x17: {  	s4 =	simm.s32 $0x1BF5;
	[smem:$0x3FB0] =	sst s0  }
0x18: {  	s0 =	sld [smem:$0x3F93];
	_ =	swait.ge [sflag:s4], $0x0  }
0x19: {  	s7 =	sld [smem:$0x3F94]  }
0x1a: {  	s8 =	sadd.s32 $0xFFFFE003, lr  }
0x1b: {  	s9 =	sadd.s32 $0xFFFFFEF7, lr;
	s5 =	simm.s32 $0xFFFFFFFF;
	p2 =	slt.u32 s8, $0xFFFFF086  }
0x1c: {  	p1 =	slt.u32 s9, $0xF7A;
	s5 =	simm.s32 @!p2 $0x0  }
0x1d: {  	s5 =	simm.s32 @p1 $0x1;
	p0 =	seq.s32 s7, s2  }
0x1e: {  	s7 =	smul.u32 @!p0 $0xF7A, s2;
	p2 =	seq.s32 @!p0 s5, $0x0  }
0x1f: {  	s9 =	smul.u32 $0xF7A, s1;
	s8 =	simm.s32 @!p0 $0x1BF5;
	p2 =	por !p2, p0  }
0x20: {  	[sflag:s8] =	ssyncset.s32 @!p0 $0xFFFFF086;
	s6 =	sadd.s32 @!p0 s3, s7;
	s7 =	simm.s32 @!p0 $0x108  }
0x21: {  	s3 =	sadd.s32 s3, s9;
	s6 =	sadd.s32 @!p0 $0x88, s6;
	s7 =	simm.s32 @p2 $0x1082  }
0x22: {  	[simem:s7], [sflag:s8] =	dma.local @!p0 [hbm:s6], $0xF7A  }
0x23: {  	s9 =	sor.u32 $0xD0000000, s2;
	s6 =	simm.s32 $0x108;
	_ =	swait.ge @!p0 [sflag:s8], $0x0  }
0x24: {  	s3 =	sadd.s32 $0x88, s3;
	s6 =	simm.s32 @!p1 $0x1082;
	[sflag:s4] =	ssyncset.s32 $0xFFFFF086  }
0x25: {  	[simem:s6], [sflag:s4] =	dma.local [hbm:s3], $0xF7A  }
0x26: {  	[smem:$0x3F94] =	sst s1;
	(tag) =	ssettag s2;
	_ =	strace s9  }
0x27: {  	s1 =	sld [smem:$0x3FA4]  }
0x28: {  	s2 =	sld [smem:$0x3FA5]  }
0x29: {  	s4 =	sld [smem:$0x3FA7]  }
0x2a: {  	p0 =	seq.s32 s5, $0x0;
	s5 =	sld [smem:$0x3FA8]  }
0x2b: {  	s6 =	sld [smem:$0x3FA9]  }
0x2c: {  	s7 =	sld [smem:$0x3FAA]  }
0x2d: {  	s3 =	simm.s32 $0x108;
	s8 =	sld [smem:$0x3FAB]  }
0x2e: {  	s3 =	simm.s32 @!p0 $0x1082;
	s9 =	sld [smem:$0x3FAC]  }
0x2f: {  	lr =	sadd.s32 s0, s3;
	s0 =	sld [smem:$0x3FA3]  }
0x30: {  	s3 =	sld [smem:$0x3FA6]  }
0x31: {  	[smem:$0x3FAF] =	sst s10  }
0x32: {  	s10 =	sld [smem:$0x3FAD];
	_ =	sdelay $0x3  }
0x33: {  	p0 =	seq.s32 s10, $0x1;
	s10 =	sld [smem:$0x3FAF];
	_ =	sdelay $0x3  }
0x34: {  	[smem:$0x3FAF] =	sst s10  }
0x35: {  	s10 =	sld [smem:$0x3FAE];
	_ =	sdelay $0x3  }
0x36: {  	p1 =	seq.s32 s10, $0x1;
	s10 =	sld [smem:$0x3FAF];
	_ =	sdelay $0x3  }
0x37: {  	[smem:$0x3FAF] =	sst s10  }
0x38: {  	s10 =	sld [smem:$0x3FB0]  }
0x39: {  	_ = 	snop;
	(pc) =	sbr.ind lr, $3  }
0x3a: {  	_ = 	snop  }
0x3b: {  	_ = 	snop  }
0x3c: {  	p2 =	seq.s32 s10, $0x1;
	s10 =	sld [smem:$0x3FAF]  }
0x3d: {  	_ =	shalt  }
0x3e: {  	_ =	shalt  }
0x3f: {  	_ =	shalt  }
0x40: {  	_ =	shalt  }
0x41: {  	_ =	shalt  }
0x42: {  	_ =	shalt  }
0x43: {  	_ =	shalt  }
0x44: {  	_ =	shalt  }
0x45: {  	_ =	shalt  }
0x46: {  	_ =	shalt  }
0x47: {  	_ =	shalt  }
0x48: {  	_ =	shalt  }
0x49: {  	_ =	shalt  }
0x4a: {  	_ =	shalt  }
0x4b: {  	_ =	shalt  }
0x4c: {  	_ =	shalt  }
0x4d: {  	_ =	shalt  }
0x4e: {  	_ =	shalt  }
0x4f: {  	_ =	shalt  }
0x50: {  	_ =	shalt  }
0x51: {  	_ =	shalt  }
0x52: {  	_ =	shalt  }
0x53: {  	_ =	shalt  }
0x54: {  	_ =	shalt  }
0x55: {  	_ =	shalt  }
0x56: {  	_ =	shalt  }
0x57: {  	_ =	shalt  }
0x58: {  	_ =	shalt  }
0x59: {  	_ =	shalt  }
0x5a: {  	_ =	shalt  }
0x5b: {  	_ =	shalt  }
0x5c: {  	_ =	shalt  }
0x5d: {  	_ =	shalt  }
0x5e: {  	_ =	shalt  }
0x5f: {  	_ =	shalt  }
0x60: {  	_ =	shalt  }
0x61: {  	_ =	shalt  }
0x62: {  	_ =	shalt  }
0x63: {  	_ =	shalt  }
0x64: {  	_ =	shalt  }
0x65: {  	_ =	shalt  }
0x66: {  	_ =	shalt  }
0x67: {  	_ =	shalt  }
0x68: {  	_ =	shalt  }
0x69: {  	_ =	shalt  }
0x6a: {  	_ =	shalt  }
0x6b: {  	_ =	shalt  }
0x6c: {  	_ =	shalt  }
0x6d: {  	_ =	shalt  }
0x6e: {  	_ =	shalt  }
0x6f: {  	_ =	shalt  }
0x70: {  	_ =	shalt  }
0x71: {  	_ =	shalt  }
0x72: {  	_ =	shalt  }
0x73: {  	_ =	shalt  }
0x74: {  	_ =	shalt  }
0x75: {  	_ =	shalt  }
0x76: {  	_ =	shalt  }
0x77: {  	_ =	shalt  }
0x78: {  	_ =	shalt  }
0x79: {  	_ =	shalt  }
0x7a: {  	_ =	shalt  }
0x7b: {  	_ =	shalt  }
0x7c: {  	_ =	shalt  }
0x7d: {  	_ =	shalt  }
0x7e: {  	_ =	shalt  }
0x7f: {  	_ =	shalt  }
0x80: {  	_ =	shalt  }
0x81: {  	_ =	shalt  }
0x82: {  	_ =	shalt  }
0x83: {  	_ =	shalt  }
0x84: {  	_ =	shalt  }
0x85: {  	_ =	shalt  }
0x86: {  	_ =	shalt  }
0x87: {  	_ =	shalt  }
.Lfunc_end0:
.L_simem_size_0:
called_computation.2_lowered:
.L_overlay_start_0:
0x88: {  	s2 =	sld [smem:$0x3FD9]  }
0x89: {  	s3 =	sld [smem:$0x3FFE];
	_ =	sdelay $0x1  }
0x8a: {  	s1 =	srdreg.scid  }
0x8b: {  	s0 =	sand.u32 $0x1, s1  }
0x8c: {  	s16 =	sshll.u32 s0, $0xA;
	s2 =	sadd.s32 s3, s2  }
0x8d: {  	s2 =	sadd.s32 s2, s16  }
0x8e: {  	[smem:$0x3FBB] =	sst s2  }
0x8f: {  	_ = 	snop  }
0x90: {  	(tm) =	ssettm $0x1  }
0x91: {  	s17 =	sld [smem:$0x3FFB];
	_ =	sdelay $0x3  }
0x92: {  	_ =	strace s17  }
0x93: {  	s2 =	sld [smem:$0x3FFC];
	_ =	sdelay $0x3  }
0x94: {  	_ =	strace s2  }
0x95: {  	s2 =	sld [smem:$0x3FFD];
	_ =	sdelay $0x3  }
0x96: {  	_ =	strace s2  }
0x97: {  	_ =	strace $0x8FFFFFFF  }
0x98: {  	s18 =	sld [smem:$0x3FDB];
	_ =	sdelay $0x1  }
0x99: {  	s19 =	simm.s32 $_scs_section_size  }
0x9a: {  	s4 =	simm.s32 $_size__tile_overlayer_lowered;
	s5 =	simm.s32 $_tile_overlayer_lowered  }
0x9b: {  	s22 =	simm.s32 $0x1BFF;
	s21 =	sshll.u32 s5, $0x1;
	s2 =	sadd.s32 s19, s18  }
0x9c: {  	s6 =	simm.s32 $0x0;
	s20 =	sshll.u32 s4, $0x1;
	s4 =	sadd.s32 s21, s2  }
0x9d: {  	[timem:s6], [sflag:s22] =	dma.local [hbm:s4], s20  }
0x9e: {  	_ =	swait.ge [sflag:s22], s20  }
0x9f: {  	s3 =	ssub.s32 $0x0, s20;
	[sflag:s22] =	ssyncset.done $0x0  }
0xa0: {  	[sflag:s22] =	ssyncadd.s32 s3;
	_ =	sdelay $0x1  }
0xa1: {  	s23 =	simm.s32 $0x1B8B  }
0xa2: {  	_ =	swait.ge [sflag:s23], $0x1  }
0xa3: {  	[sflag:s23] =	ssyncset.done $0x0  }
0xa4: {  	s25 =	simm.s32 $0x1B8E;
	s24 =	sld [smem:$0x3FFE];
	[sflag:s23] =	ssyncadd.s32 $0xFFFFFFFF  }
0xa5: {  	s26 =	simm.s32 $execute0_lowered;
	[smem:$0x3FD2] =	sst s25  }
0xa6: {  	s4 =	sshll.u32 s26, $0x1;
	_ =	strace $0x8000004C;
	[dreg:$0x1] =	wrdreg $0xFFFFFFFF  }
0xa7: {  	s28 =	simm.s32 $_size_execute0_lowered;
	s2 =	sadd.s32 s2, s4;
	[dreg:$0x0] =	wrdreg $0x0  }
0xa8: {  	s4 =	sshll.u32 s28, $0x1;
	[dreg:$0x2] =	wrdreg s2  }
0xa9: {  	[dreg:$0x3] =	wrdreg s4  }
0xaa: {  	[dreg:$0x4] =	wrdreg $0xC0  }
0xab: {  	_ =	task [dreg:s6], $0x5FFFF  }
0xac: {  	[dreg:$0x1] =	wrdreg $0xFFFFFFFF  }
0xad: {  	[dreg:$0x0] =	wrdreg $0x60  }
0xae: {  	[dreg:$0x2] =	wrdreg s24  }
0xaf: {  	[dreg:$0x3] =	wrdreg $0x140000  }
0xb0: {  	[dreg:$0x4] =	wrdreg $0x9  }
0xb1: {  	_ =	task.clear_ibuf [dreg:s6], $0x5FFFF;
	_ =	strace $0x9000004C  }
0xb2: {  	s29 =	simm.s32 $0x9;
	_ =	strace $0x8000004E  }
0xb3: {  	_ =	swait.ge [sflag:s29], $0x1  }
0xb4: {  	[sflag:s29] =	ssyncadd.s32 $0xFFFFFFFF  }
0xb5: {  	_ =	strace $0x9000004E  }
0xb6: {  	_ =	sfence  }
0xb7: {  	s30 =	sld [smem:$0x0];
	_ =	sdelay $0x2  }
0xb8: {  	s31 =	sshll.u32 s1, $0xD;
	s1 =	sshrl.u32 s1, $0x2  }
0xb9: {  	s3 =	sand.u32 $0x4000, s31;
	s1 =	sadd.s32 s1, s30  }
0xba: {  	s0 =	sor.u32 s3, s0;
	s1 =	sshll.u32 s1, $0x11  }
0xbb: {  	s0 =	sor.u32 s1, s0  }
0xbc: {  	s0 =	sadd.s32 $0x8F2B, s0  }
0xbd: {  	[sflag:s0] =	ssyncadd.remote.s32 $0x1  }
0xbe: {  	_ =	sfence.sel $0xFFFF  }
0xbf: {  	[dreg:$0x0] =	wrdreg $0xFFFFFFFF;
	(pc) =	sbr.abs _section_cstart, $3  }
0xc0: {  	[dreg:$0x1] =	wrdreg $0xFFFFFFFF  }
0xc1: {  	_ =	task.clear_ibuf [dreg:s6], $0x2FFFF;
	_ =	strace $0x9FFFFFFF  }
0xc2: {  	(tm) =	ssettm $0x7FFFFFFF  }
0xc3: {  	_ =	shalt  }
tec
execute0_lowered:
.L_overlay_start_1:
0x0: {  	(tag) =	ssettag $0x1  }
0x1: {  	s0 =	rddreg [dreg:$0x0]  }
0x2: {  	s1 =	rddreg [dreg:$0x1]  }
0x3: {  	s2 =	srdreg.scid;
	s9 =	stileid.u32  }
0x4: {  	s3 =	simm.s32 $0x0;
	s28 =	simm.s32 $0xC;
	s5 =	smul.u32 $0xA00, s9  }
0x5: {  	s29 =	simm.s32 $0x80;
	s30 =	simm.s32 $0x12000;
	s6 =	smul.u32 $0x28000, s9  }
0x6: {  	s31 =	simm.s32 $0x2;
	s2 =	sand.u32 $0x1, s2;
	s16 =	smul.u32 $0xA000, s9  }
0x7: {  	[smem:$0x7FF] =	sst s3;
	s8 =	sadd.s32 $0xCC00, s0;
	s4 =	smul.u32 $0x13880, s2  }
0x8: {  	_ =	strace $0x8000004D;
	s7 =	ssub.s32 $0x2, s2;
	s2 =	smul.u32 $0xA0000, s2  }
0x9: {  	[dreg:$0x3] =	wrdreg s8;
	s5 =	sadd.s32 s5, s0;
	s13 =	sshrl.u32 s7, $0x1  }
0xa: {  	s15 =	sshrl.u32 s6, $0x2;
	s20 =	sadd.s32 $0x2000, s16;
	s23 =	sadd.s32 s16, s1  }
0xb: {  	s24 =	sadd.s32 $0x4000, s16;
	s4 =	sadd.s32 s4, s0;
	s0 =	sadd.s32 $0x96800, s0  }
0xc: {  	s10 =	ssub.s32 s7, s13;
	s14 =	sadd.s32 $0x17400, s5;
	s5 =	sadd.s32 $0x2C00, s5  }
0xd: {  	s17 =	sadd.s32 s2, s16;
	s7 =	sadd.s32 s15, s1;
	[dreg:$0x4] =	wrdreg s14  }
0xe: {  	s22 =	sadd.s32 s2, s20;
	[dreg:$0x5] =	wrdreg s5;
	s8 =	sadd.s32 $0x6F600, s4  }
0xf: {  	s18 =	sshrl.u32 s17, $0x3;
	s19 =	smax.u32 s10, $0x1;
	s5 =	sadd.s32 $0x2000, s7  }
0x10: {  	s21 =	sadd.s32 $0x4000, s7;
	s13 =	sadd.s32 $0x6000, s7;
	[dreg:$0x7] =	wrdreg s19  }
0x11: {  	s14 =	sadd.s32 $0x8000, s7;
	s17 =	sadd.s32 s2, s24;
	[dreg:$0x8] =	wrdreg s5  }
0x12: {  	s4 =	sadd.s32 s0, s18;
	[dreg:$0x9] =	wrdreg s21;
	s5 =	sshrl.u32 s22, $0x3  }
0x13: {  	s18 =	sadd.s32 $0x6000, s16;
	s17 =	sshrl.u32 s17, $0x3;
	s21 =	sshrl.u32 s23, $0x3  }
0x14: {  	[dreg:$0x6] =	wrdreg s4;
	s15 =	sadd.s32 s0, s5;
	s4 =	sadd.s32 s20, s1  }
0x15: {  	s19 =	sadd.s32 s2, s18;
	s20 =	sadd.s32 $0x8000, s16;
	s16 =	sadd.s32 s0, s17  }
0x16: {  	s5 =	sadd.s32 s24, s1;
	s24 =	sadd.s32 s18, s1;
	s25 =	sshrl.u32 s19, $0x3  }
.Ltmp0:
0x17: {  	s2 =	sadd.s32 s2, s20;
	s26 =	sadd.s32 s20, s1;
	(pc) =	sbr.rel .LBB2_1-.Ltmp0, $4  }
0x18: {  	s19 =	simm.s32 $0xB;
	s22 =	sshrl.u32 s4, $0x3;
	s23 =	sshrl.u32 s5, $0x3  }
0x19: {  	s24 =	sshrl.u32 s24, $0x3;
	s20 =	simm.s32 $0x0;
	s17 =	sadd.s32 s0, s25  }
0x1a: {  	s2 =	sshrl.u32 s2, $0x3;
	s25 =	sshrl.u32 s26, $0x3;
	s26 =	simm.s32 $0xA000  }
0x1b: {  	s18 =	sadd.s32 s0, s2;
	s0 =	simm.s32 $0xC000;
	s2 =	simm.s32 $0xE000  }
.LBB2_4:
0x1c: {  	s4 =	stileid.u32  }
0x1d: {  	[bflag:$0x0] =	sbarrier.arrive $0xFFFF;
	s4 =	sshll.u32 s4, $0x6  }
0x1e: {  	s5 =	rddreg [dreg:$0x6];
	s4 =	sor.u32 $0x1C0C, s4  }
0x1f: {  	[hbm:s5], [sflag:s4] =	dma.local [spmem:s21], $0x400  }
0x20: {  	_ =	swait.ge [sflag:s28], $0x400  }
0x21: {  	[sflag:s28] =	ssyncset.done $0x0  }
0x22: {  	[sflag:s28] =	ssyncadd.s32 $0xFFFFFC00  }
0x23: {  	[hbm:s15], [sflag:s4] =	dma.local [spmem:s22], $0x400  }
0x24: {  	_ =	swait.ge [sflag:s28], $0x400  }
0x25: {  	[sflag:s28] =	ssyncset.done $0x0  }
0x26: {  	[sflag:s28] =	ssyncadd.s32 $0xFFFFFC00  }
0x27: {  	[hbm:s16], [sflag:s4] =	dma.local [spmem:s23], $0x400  }
0x28: {  	_ =	swait.ge [sflag:s28], $0x400  }
0x29: {  	[sflag:s28] =	ssyncset.done $0x0  }
0x2a: {  	[sflag:s28] =	ssyncadd.s32 $0xFFFFFC00  }
0x2b: {  	[hbm:s17], [sflag:s4] =	dma.local [spmem:s24], $0x400  }
0x2c: {  	_ =	swait.ge [sflag:s28], $0x400  }
0x2d: {  	[sflag:s28] =	ssyncset.done $0x0  }
0x2e: {  	[sflag:s28] =	ssyncadd.s32 $0xFFFFFC00  }
0x2f: {  	[hbm:s18], [sflag:s4] =	dma.local [spmem:s25], $0x400  }
0x30: {  	_ =	swait.ge [sflag:s28], $0x400  }
0x31: {  	s20 =	sadd.s32 $0x1, s20;
	s12 =	rddreg [dreg:$0x7]  }
0x32: {  	p0 =	sne.s32 s20, s12  }
.Ltmp1:
0x33: {  	_ = 	snop;
	(pc) =	sbr.rel @!p0 .LBB2_5-.Ltmp1, $3  }
0x34: {  	_ =	sdelay $0x1  }
0x35: {  	[sflag:s28] =	ssyncset.done $0x0  }
0x36: {  	[sflag:s28] =	ssyncadd.s32 $0xFFFFFC00  }
.LBB2_1:
0x37: {  	s4 =	rddreg [dreg:$0x4]  }
0x38: {  	[tilespmem:s3], [sflag:$0xB] =	stream.linear.gather [hbm4b:s4+s3], $0x5000, $0x38;
	[tilespmem:$0x1E000] =	vst v63  }
0x39: {  	_ =	swait.ge [sflag:s19], $0x5000  }
0x3a: {  	[sflag:s19] =	ssyncset.done $0x0  }
0x3b: {  	s5 =	simm.s32 $0x5000;
	s9 =	rddreg [dreg:$0x5];
	[sflag:s19] =	ssyncadd.s32 $0xFFFFB000  }
0x3c: {  	[tilespmem:s5], [sflag:$0xB] =	stream.linear.gather [hbm4b:s9+s3], $0x5000, $0x38;
	[tilespmem:$0x1E000] =	vst v63  }
0x3d: {  	_ =	swait.ge [sflag:s19], $0x5000  }
0x3e: {  	[sflag:s19] =	ssyncset.done $0x0  }
0x3f: {  	s10 =	rddreg [dreg:$0x3];
	[sflag:s19] =	ssyncadd.s32 $0xFFFFB000  }
0x40: {  	[tilespmem:s26], [sflag:$0xB] =	stream.linear.gather [hbm4b:s10+s3], $0x2000, $0x38;
	[tilespmem:$0x1E000] =	vst v63  }
0x41: {  	_ =	swait.ge [sflag:s19], $0x2000  }
0x42: {  	[sflag:s19] =	ssyncset.done $0x0  }
0x43: {  	[sflag:s19] =	ssyncadd.s32 $0xFFFFE000  }
0x44: {  	[spmem:s7] =	stream.linear.scatter [tilespmem:s26], [sflag:$0xC], $0x2000, $0x38;
	[tilespmem:$0x1E000] =	vst v63  }
0x45: {  	_ =	swait.ge [sflag:s28], $0x2000  }
0x46: {  	[sflag:s28] =	ssyncset.done $0x0  }
0x47: {  	s11 =	rddreg [dreg:$0x8];
	[sflag:s28] =	ssyncadd.s32 $0xFFFFE000  }
0x48: {  	[spmem:s11] =	stream.linear.scatter [tilespmem:s26], [sflag:$0xC], $0x2000, $0x38;
	[tilespmem:$0x1E000] =	vst v63  }
0x49: {  	_ =	swait.ge [sflag:s28], $0x2000  }
0x4a: {  	[sflag:s28] =	ssyncset.done $0x0  }
0x4b: {  	s12 =	rddreg [dreg:$0x9];
	[sflag:s28] =	ssyncadd.s32 $0xFFFFE000  }
0x4c: {  	[spmem:s12] =	stream.linear.scatter [tilespmem:s26], [sflag:$0xC], $0x2000, $0x38;
	[tilespmem:$0x1E000] =	vst v63  }
0x4d: {  	_ =	swait.ge [sflag:s28], $0x2000  }
0x4e: {  	[sflag:s28] =	ssyncset.done $0x0  }
0x4f: {  	[sflag:s28] =	ssyncadd.s32 $0xFFFFE000  }
0x50: {  	[spmem:s13] =	stream.linear.scatter [tilespmem:s26], [sflag:$0xC], $0x2000, $0x38;
	[tilespmem:$0x1E000] =	vst v63  }
0x51: {  	_ =	swait.ge [sflag:s28], $0x2000  }
0x52: {  	[sflag:s28] =	ssyncset.done $0x0  }
0x53: {  	[sflag:s28] =	ssyncadd.s32 $0xFFFFE000  }
0x54: {  	[spmem:s14] =	stream.linear.scatter [tilespmem:s26], [sflag:$0xC], $0x2000, $0x38;
	[tilespmem:$0x1E000] =	vst v63  }
0x55: {  	_ =	swait.ge [sflag:s28], $0x2000  }
0x56: {  	[sflag:s28] =	ssyncset.done $0x0  }
0x57: {  	s6 =	simm.s32 $0x0;
	[sflag:s28] =	ssyncadd.s32 $0xFFFFE000  }
0x58: {  	s4 =	simm.s32 $0x20;
	s5 =	simm.s32 $0xFFFFFFFF;
	[bflag:$0x0] =	sbarrier.arrive $0xFFFF  }
.LBB2_2:
0x59: {  	p1 =	seq.s32 s4, $0x20  }
0x5a: {  	s9 =	simm.s32 @!p1 $0x6  }
0x5b: {  	p0 =	seq.s32 @!p1 s4, $0x0;
	_ =	swait.ge @!p1 [sflag:s9], $0x2000  }
0x5c: {  	s11 =	sadd.s32 $0xFFFFFFFE, s5;
	p0 =	por p1, !p0;
	[sflag:s9] =	ssyncset.done @!p1 $0x0  }
0x5d: {  	p2 =	sgt.u32 s11, $0x9F;
	[sflag:s9] =	ssyncadd.s32 @!p1 $0xFFFFE000;
	s9 =	sshra.s32 @p0 s6, $0x2  }
0x5e: {  	[tilespmem:s26], [sflag:$0x1] =	stream.indirect.gather @p0 [hbm4b:s8+s29], $0x40, s9, s29, $0xb8;
	[tilespmem:$0x1E000] =	vst v63  }
0x5f: {  	s9 =	simm.s32 @!p2 $0x3  }
0x60: {  	_ =	swait.ge @!p2 [sflag:s9], $0x2000  }
0x61: {  	[sflag:s9] =	ssyncset.done @!p2 $0x0  }
0x62: {  	[sflag:s9] =	ssyncadd.s32 @!p2 $0xFFFFE000;
	s9 =	sshra.s32 @!p2 s6, $0x2  }
0x63: {  	s10 =	simm.s32 @!p2 $0x80;
	s11 =	simm.s32 @!p2 $0xE000;
	s9 =	sadd.s32 @!p2 $0x4E80, s9  }
0x64: {  	[spmem:s1] =	stream.indirect.scatter.add.f32 @!p2 [tilespmem:s11], [sflag:$0x8], $0x40, s9, s10, $0xb8;
	[tilespmem:$0x1E000] =	vst v63  }
0x65: {  	s9 =	simm.s32 @!p1 $0x7  }
0x66: {  	_ =	swait.ge @!p1 [sflag:s9], $0x2000  }
0x67: {  	[sflag:s9] =	ssyncset.done @!p1 $0x0  }
0x68: {  	s12 =	sadd.s32 $0xFFFFFFFF, s5;
	[sflag:s9] =	ssyncadd.s32 @!p1 $0xFFFFE000;
	s9 =	sshra.s32 @p0 s6, $0x2  }
0x69: {  	p2 =	sgt.u32 s12, $0x9F;
	s9 =	sadd.s32 @p0 $0x80, s9  }
0x6a: {  	[tilespmem:s0], [sflag:$0x2] =	stream.indirect.gather @p0 [hbm4b:s8+s29], $0x40, s9, s29, $0xb8;
	[tilespmem:$0x1E000] =	vst v63  }
0x6b: {  	s9 =	simm.s32 @!p2 $0x4  }
0x6c: {  	_ =	swait.ge @!p2 [sflag:s9], $0x2000  }
0x6d: {  	[sflag:s9] =	ssyncset.done @!p2 $0x0  }
0x6e: {  	[sflag:s9] =	ssyncadd.s32 @!p2 $0xFFFFE000;
	s9 =	sshra.s32 @!p2 s6, $0x2  }
0x6f: {  	s10 =	simm.s32 @!p2 $0x80;
	s11 =	simm.s32 @!p2 $0x10000;
	s9 =	sadd.s32 @!p2 $0x4F00, s9  }
0x70: {  	[spmem:s1] =	stream.indirect.scatter.add.f32 @!p2 [tilespmem:s11], [sflag:$0x9], $0x40, s9, s10, $0xb8;
	[tilespmem:$0x1E000] =	vst v63  }
0x71: {  	s9 =	simm.s32 @!p1 $0x8  }
0x72: {  	_ =	swait.ge @!p1 [sflag:s9], $0x2000  }
0x73: {  	[sflag:s9] =	ssyncset.done @!p1 $0x0  }
0x74: {  	[sflag:s9] =	ssyncadd.s32 @!p1 $0xFFFFE000;
	s9 =	sshra.s32 @p0 s6, $0x2  }
0x75: {  	p2 =	sgt.u32 s5, $0x9F;
	s9 =	sadd.s32 @p0 $0x100, s9  }
0x76: {  	[tilespmem:s2], [sflag:$0x3] =	stream.indirect.gather @p0 [hbm4b:s8+s29], $0x40, s9, s29, $0xb8;
	[tilespmem:$0x1E000] =	vst v63  }
0x77: {  	s9 =	simm.s32 @!p2 $0x5  }
0x78: {  	_ =	swait.ge @!p2 [sflag:s9], $0x2000  }
0x79: {  	[sflag:s9] =	ssyncset.done @!p2 $0x0  }
0x7a: {  	[sflag:s9] =	ssyncadd.s32 @!p2 $0xFFFFE000;
	s9 =	sshra.s32 @!p2 s6, $0x2  }
0x7b: {  	s10 =	simm.s32 @!p2 $0x80;
	s11 =	simm.s32 @!p2 $0x12000;
	s9 =	sadd.s32 @!p2 $0x4F80, s9  }
0x7c: {  	[spmem:s1] =	stream.indirect.scatter.add.f32 @!p2 [tilespmem:s11], [sflag:$0xA], $0x40, s9, s10, $0xb8;
	[tilespmem:$0x1E000] =	vst v63  }
0x7d: {  	s9 =	simm.s32 @!p1 $0x9  }
0x7e: {  	_ =	swait.ge @!p1 [sflag:s9], $0x2000  }
0x7f: {  	[sflag:s9] =	ssyncset.done @!p1 $0x0  }
0x80: {  	[sflag:s9] =	ssyncadd.s32 @!p1 $0xFFFFE000;
	s9 =	sshra.s32 @p0 s6, $0x2  }
0x81: {  	s12 =	simm.s32 @p0 $0x10000;
	s11 =	simm.s32 @p0 $0x80;
	s10 =	sadd.s32 @p0 $0x180, s9  }
0x82: {  	[tilespmem:s12], [sflag:$0x4] =	stream.indirect.gather @p0 [hbm4b:s8+s11], $0x40, s10, s11, $0xb8;
	[tilespmem:$0x1E000] =	vst v63  }
0x83: {  	s10 =	simm.s32 @p0 $0x1  }
0x84: {  	_ =	swait.ge @p0 [sflag:s10], $0x2000  }
0x85: {  	p1 =	seq.s32 @p0 s4, $0x20;
	[sflag:s10] =	ssyncset.done @p0 $0x0  }
0x86: {  	s9 =	sadd.s32 @p0 $0x5000, s9;
	[sflag:s10] =	ssyncadd.s32 @p0 $0xFFFFE000;
	s10 =	simm.s32 @p0 $0xA000  }
0x87: {  	[spmem:s1] =	stream.indirect.scatter.add.f32 @p0 [tilespmem:s10], [sflag:$0x6], $0x40, s9, s11, $0xb8;
	[tilespmem:$0x1E000] =	vst v63  }
0x88: {  	p0 =	por !p0, !p1  }
0x89: {  	p1 =	seq.s32 @p0 s4, $0x0  }
0x8a: {  	p1 =	por !p0, !p1  }
.Ltmp2:
0x8b: {  	_ = 	snop;
	(pc) =	sbr.rel @!p1 .LBB2_4-.Ltmp2, $4  }
0x8c: {  	s9 =	simm.s32 @p0 $0xA  }
0x8d: {  	_ =	swait.ge @p0 [sflag:s9], $0x2000  }
0x8e: {  	[sflag:s9] =	ssyncset.done @p0 $0x0  }
0x8f: {  	[sflag:s9] =	ssyncadd.s32 @p0 $0xFFFFE000  }
0x90: {  	s9 =	smov.u32 s6  }
0x91: {  	s9 =	simm.s32 @!p0 $0x0  }
0x92: {  	s9 =	sshra.s32 s9, $0x2  }
0x93: {  	s9 =	sadd.s32 $0x200, s9  }
0x94: {  	[tilespmem:s30], [sflag:$0x5] =	stream.indirect.gather [hbm4b:s8+s29], $0x40, s9, s29, $0xb8;
	[tilespmem:$0x1E000] =	vst v63  }
.Ltmp3:
0x95: {  	_ = 	snop;
	(pc) =	sbr.rel .LBB2_2-.Ltmp3, $4  }
0x96: {  	s12 =	sshra.s32 s6, $0x2;
	_ =	swait.ge [sflag:s31], $0x2000  }
0x97: {  	s6 =	sadd.s32 $0xA00, s6;
	s4 =	sadd.s32 $0xFFFFFFFF, s4;
	[sflag:s31] =	ssyncset.done $0x0  }
0x98: {  	s5 =	sadd.s32 $0x5, s5;
	s9 =	sadd.s32 $0x5080, s12;
	[sflag:s31] =	ssyncadd.s32 $0xFFFFE000  }
0x99: {  	[spmem:s1] =	stream.indirect.scatter.add.f32 [tilespmem:s0], [sflag:$0x7], $0x40, s9, s29, $0xb8;
	[tilespmem:$0x1E000] =	vst v63  }
.LBB2_5:
0x9a: {  	_ =	sfence.sel $0x180000  }
0x9b: {  	[bflag:$0x0] =	sbarrier.arrive $0xFFFF  }
0x9c: {  	_ =	strace $0x9000004D  }
0x9d: {  	s0 =	stileid.u32;
	[bflag:$0x2] =	sbarrier.arrive $0xFFFF  }
0x9e: {  	p0 =	sne.s32 s0, $0x0;
	s0 =	rddreg [dreg:$0x2]  }
0x9f: {  	s0 =	sadd.s32 @!p0 $0x100000, s0  }
0xa0: {  	[sflag:s0] =	ssyncadd.tile.s32 @!p0 $0x1;
	_ =	shalt  }
.Lfunc_end2:
_tile_overlayer_lowered:
.L_overlay_start_2:
0xa1: {  	(tag) =	ssettag $0x2  }
0xa2: {  	s0 =	rddreg [dreg:$0x0];
	s2 =	stileid.u32  }
0xa3: {  	s1 =	rddreg [dreg:$0x1];
	p0 =	sne.s32 s2, $0x0  }
0xa4: {  	s3 =	rddreg [dreg:$0x2];
	[bflag:$0x3] =	sbarrier.arrive $0xFFFF;
	s2 =	simm.s32 @!p0 $0x1C0C  }
0xa5: {  	[timem:s3], [sflag:s2] =	dma.local @!p0 [hbm:s0], s1  }
0xa6: {  	s0 =	simm.s32 @!p0 $0xC  }
0xa7: {  	_ =	swait.ge @!p0 [sflag:s0], s1  }
0xa8: {  	s1 =	ssub.s32 @!p0 $0x0, s1;
	[sflag:s0] =	ssyncset.done @!p0 $0x0  }
0xa9: {  	[sflag:s0] =	ssyncadd.s32 @!p0 s1  }
0xaa: {  	[bflag:$0x3] =	sbarrier.arrive $0xFFFF  }
0xab: {  	_ =	shalt  }

// kernel: kernel.20.cloned.1.call-start
scs
__scs_entry_jumppad:
0x0: {  	(pc) =	sbr.rel $0x88, $3  }
0x1: {  	(tag) =	ssettag $0x0;
	lr =	simm.s32 $0x1  }
0x2: {  	[smem:$0x3F94] =	sst lr;
	_ =	strace $0xD0000000  }
0x3: {  	_ = 	snop  }
0x4: {  	_ = 	snop  }
0x5: {  	_ = 	snop  }
0x6: {  	_ = 	snop  }
0x7: {  	_ = 	snop  }
__scs_overlays_trampoline_lowered:
0x8: {  	[smem:$0x3FA3] =	sst s0  }
0x9: {  	[smem:$0x3FA4] =	sst s1  }
0xa: {  	[smem:$0x3FA5] =	sst s2  }
0xb: {  	[smem:$0x3FA6] =	sst s3  }
0xc: {  	[smem:$0x3FA7] =	sst s4  }
0xd: {  	[smem:$0x3FA8] =	sst s5  }
0xe: {  	[smem:$0x3FA9] =	sst s6  }
0xf: {  	[smem:$0x3FAA] =	sst s7  }
0x10: {  	[smem:$0x3FAB] =	sst s8  }
0x11: {  	[smem:$0x3FAC] =	sst s9;
	s0 =	simm.s32 @!p0 $0x0  }
0x12: {  	s1 =	sld [smem:$0x3F92];
	s0 =	simm.s32 @p0 $0x1  }
0x13: {  	[smem:$0x3FAD] =	sst s0;
	s0 =	simm.s32 @!p1 $0x0  }
0x14: {  	s2 =	sld [smem:$0x3F91];
	s0 =	simm.s32 @p1 $0x1  }
0x15: {  	[smem:$0x3FAE] =	sst s0;
	s0 =	simm.s32 @!p2 $0x0  }
0x16: {  	s3 =	sld [smem:$0x3FDB];
	s0 =	simm.s32 @p2 $0x1  }
0x17: {  	s4 =	simm.s32 $0x1BF5;
	[smem:$0x3FB0] =	sst s0  }
0x18: {  	s0 =	sld [smem:$0x3F93];
	_ =	swait.ge [sflag:s4], $0x0  }
0x19: {  	s7 =	sld [smem:$0x3F94]  }
0x1a: {  	s8 =	sadd.s32 $0xFFFFE003, lr  }
0x1b: {  	s9 =	sadd.s32 $0xFFFFFEF7, lr;
	s5 =	simm.s32 $0xFFFFFFFF;
	p2 =	slt.u32 s8, $0xFFFFF086  }
0x1c: {  	p1 =	slt.u32 s9, $0xF7A;
	s5 =	simm.s32 @!p2 $0x0  }
0x1d: {  	s5 =	simm.s32 @p1 $0x1;
	p0 =	seq.s32 s7, s2  }
0x1e: {  	s7 =	smul.u32 @!p0 $0xF7A, s2;
	p2 =	seq.s32 @!p0 s5, $0x0  }
0x1f: {  	s9 =	smul.u32 $0xF7A, s1;
	s8 =	simm.s32 @!p0 $0x1BF5;
	p2 =	por !p2, p0  }
0x20: {  	[sflag:s8] =	ssyncset.s32 @!p0 $0xFFFFF086;
	s6 =	sadd.s32 @!p0 s3, s7;
	s7 =	simm.s32 @!p0 $0x108  }
0x21: {  	s3 =	sadd.s32 s3, s9;
	s6 =	sadd.s32 @!p0 $0x88, s6;
	s7 =	simm.s32 @p2 $0x1082  }
0x22: {  	[simem:s7], [sflag:s8] =	dma.local @!p0 [hbm:s6], $0xF7A  }
0x23: {  	s9 =	sor.u32 $0xD0000000, s2;
	s6 =	simm.s32 $0x108;
	_ =	swait.ge @!p0 [sflag:s8], $0x0  }
0x24: {  	s3 =	sadd.s32 $0x88, s3;
	s6 =	simm.s32 @!p1 $0x1082;
	[sflag:s4] =	ssyncset.s32 $0xFFFFF086  }
0x25: {  	[simem:s6], [sflag:s4] =	dma.local [hbm:s3], $0xF7A  }
0x26: {  	[smem:$0x3F94] =	sst s1;
	(tag) =	ssettag s2;
	_ =	strace s9  }
0x27: {  	s1 =	sld [smem:$0x3FA4]  }
0x28: {  	s2 =	sld [smem:$0x3FA5]  }
0x29: {  	s4 =	sld [smem:$0x3FA7]  }
0x2a: {  	p0 =	seq.s32 s5, $0x0;
	s5 =	sld [smem:$0x3FA8]  }
0x2b: {  	s6 =	sld [smem:$0x3FA9]  }
0x2c: {  	s7 =	sld [smem:$0x3FAA]  }
0x2d: {  	s3 =	simm.s32 $0x108;
	s8 =	sld [smem:$0x3FAB]  }
0x2e: {  	s3 =	simm.s32 @!p0 $0x1082;
	s9 =	sld [smem:$0x3FAC]  }
0x2f: {  	lr =	sadd.s32 s0, s3;
	s0 =	sld [smem:$0x3FA3]  }
0x30: {  	s3 =	sld [smem:$0x3FA6]  }
0x31: {  	[smem:$0x3FAF] =	sst s10  }
0x32: {  	s10 =	sld [smem:$0x3FAD];
	_ =	sdelay $0x3  }
0x33: {  	p0 =	seq.s32 s10, $0x1;
	s10 =	sld [smem:$0x3FAF];
	_ =	sdelay $0x3  }
0x34: {  	[smem:$0x3FAF] =	sst s10  }
0x35: {  	s10 =	sld [smem:$0x3FAE];
	_ =	sdelay $0x3  }
0x36: {  	p1 =	seq.s32 s10, $0x1;
	s10 =	sld [smem:$0x3FAF];
	_ =	sdelay $0x3  }
0x37: {  	[smem:$0x3FAF] =	sst s10  }
0x38: {  	s10 =	sld [smem:$0x3FB0]  }
0x39: {  	_ = 	snop;
	(pc) =	sbr.ind lr, $3  }
0x3a: {  	_ = 	snop  }
0x3b: {  	_ = 	snop  }
0x3c: {  	p2 =	seq.s32 s10, $0x1;
	s10 =	sld [smem:$0x3FAF]  }
0x3d: {  	_ =	shalt  }
0x3e: {  	_ =	shalt  }
0x3f: {  	_ =	shalt  }
0x40: {  	_ =	shalt  }
0x41: {  	_ =	shalt  }
0x42: {  	_ =	shalt  }
0x43: {  	_ =	shalt  }
0x44: {  	_ =	shalt  }
0x45: {  	_ =	shalt  }
0x46: {  	_ =	shalt  }
0x47: {  	_ =	shalt  }
0x48: {  	_ =	shalt  }
0x49: {  	_ =	shalt  }
0x4a: {  	_ =	shalt  }
0x4b: {  	_ =	shalt  }
0x4c: {  	_ =	shalt  }
0x4d: {  	_ =	shalt  }
0x4e: {  	_ =	shalt  }
0x4f: {  	_ =	shalt  }
0x50: {  	_ =	shalt  }
0x51: {  	_ =	shalt  }
0x52: {  	_ =	shalt  }
0x53: {  	_ =	shalt  }
0x54: {  	_ =	shalt  }
0x55: {  	_ =	shalt  }
0x56: {  	_ =	shalt  }
0x57: {  	_ =	shalt  }
0x58: {  	_ =	shalt  }
0x59: {  	_ =	shalt  }
0x5a: {  	_ =	shalt  }
0x5b: {  	_ =	shalt  }
0x5c: {  	_ =	shalt  }
0x5d: {  	_ =	shalt  }
0x5e: {  	_ =	shalt  }
0x5f: {  	_ =	shalt  }
0x60: {  	_ =	shalt  }
0x61: {  	_ =	shalt  }
0x62: {  	_ =	shalt  }
0x63: {  	_ =	shalt  }
0x64: {  	_ =	shalt  }
0x65: {  	_ =	shalt  }
0x66: {  	_ =	shalt  }
0x67: {  	_ =	shalt  }
0x68: {  	_ =	shalt  }
0x69: {  	_ =	shalt  }
0x6a: {  	_ =	shalt  }
0x6b: {  	_ =	shalt  }
0x6c: {  	_ =	shalt  }
0x6d: {  	_ =	shalt  }
0x6e: {  	_ =	shalt  }
0x6f: {  	_ =	shalt  }
0x70: {  	_ =	shalt  }
0x71: {  	_ =	shalt  }
0x72: {  	_ =	shalt  }
0x73: {  	_ =	shalt  }
0x74: {  	_ =	shalt  }
0x75: {  	_ =	shalt  }
0x76: {  	_ =	shalt  }
0x77: {  	_ =	shalt  }
0x78: {  	_ =	shalt  }
0x79: {  	_ =	shalt  }
0x7a: {  	_ =	shalt  }
0x7b: {  	_ =	shalt  }
0x7c: {  	_ =	shalt  }
0x7d: {  	_ =	shalt  }
0x7e: {  	_ =	shalt  }
0x7f: {  	_ =	shalt  }
0x80: {  	_ =	shalt  }
0x81: {  	_ =	shalt  }
0x82: {  	_ =	shalt  }
0x83: {  	_ =	shalt  }
0x84: {  	_ =	shalt  }
0x85: {  	_ =	shalt  }
0x86: {  	_ =	shalt  }
0x87: {  	_ =	shalt  }
.Lfunc_end0:
.L_simem_size_0:
called_computation.3_lowered:
.L_overlay_start_0:
0x88: {  	s2 =	sld [smem:$0x3FD9]  }
0x89: {  	s3 =	sld [smem:$0x3FFE];
	_ =	sdelay $0x1  }
0x8a: {  	s1 =	srdreg.scid  }
0x8b: {  	s0 =	sand.u32 $0x1, s1  }
0x8c: {  	s16 =	sshll.u32 s0, $0xA;
	s2 =	sadd.s32 s3, s2  }
0x8d: {  	s2 =	sadd.s32 s2, s16  }
0x8e: {  	[smem:$0x3FBB] =	sst s2  }
0x8f: {  	_ = 	snop  }
0x90: {  	(tm) =	ssettm $0x1  }
0x91: {  	s17 =	sld [smem:$0x3FFB];
	_ =	sdelay $0x3  }
0x92: {  	_ =	strace s17  }
0x93: {  	s2 =	sld [smem:$0x3FFC];
	_ =	sdelay $0x3  }
0x94: {  	_ =	strace s2  }
0x95: {  	s2 =	sld [smem:$0x3FFD];
	_ =	sdelay $0x3  }
0x96: {  	_ =	strace s2  }
0x97: {  	_ =	strace $0x8FFFFFFF  }
0x98: {  	s18 =	sld [smem:$0x3FDB];
	_ =	sdelay $0x1  }
0x99: {  	s19 =	simm.s32 $_scs_section_size  }
0x9a: {  	s4 =	simm.s32 $_size__tile_overlayer_lowered;
	s5 =	simm.s32 $_tile_overlayer_lowered  }
0x9b: {  	s22 =	simm.s32 $0x1BFF;
	s21 =	sshll.u32 s5, $0x1;
	s2 =	sadd.s32 s19, s18  }
0x9c: {  	s6 =	simm.s32 $0x0;
	s20 =	sshll.u32 s4, $0x1;
	s4 =	sadd.s32 s21, s2  }
0x9d: {  	[timem:s6], [sflag:s22] =	dma.local [hbm:s4], s20  }
0x9e: {  	_ =	swait.ge [sflag:s22], s20  }
0x9f: {  	s3 =	ssub.s32 $0x0, s20;
	[sflag:s22] =	ssyncset.done $0x0  }
0xa0: {  	[sflag:s22] =	ssyncadd.s32 s3;
	_ =	sdelay $0x1  }
0xa1: {  	s23 =	simm.s32 $0x1B8B  }
0xa2: {  	_ =	swait.ge [sflag:s23], $0x1  }
0xa3: {  	[sflag:s23] =	ssyncset.done $0x0  }
0xa4: {  	s25 =	simm.s32 $0x1B8E;
	s24 =	sld [smem:$0x3FFE];
	[sflag:s23] =	ssyncadd.s32 $0xFFFFFFFF  }
0xa5: {  	s26 =	simm.s32 $execute0_lowered;
	[smem:$0x3FD2] =	sst s25  }
0xa6: {  	s4 =	sshll.u32 s26, $0x1;
	_ =	strace $0x8000004F;
	[dreg:$0x1] =	wrdreg $0xFFFFFFFF  }
0xa7: {  	s28 =	simm.s32 $_size_execute0_lowered;
	s2 =	sadd.s32 s2, s4;
	[dreg:$0x0] =	wrdreg $0x0  }
0xa8: {  	s4 =	sshll.u32 s28, $0x1;
	[dreg:$0x2] =	wrdreg s2  }
0xa9: {  	[dreg:$0x3] =	wrdreg s4  }
0xaa: {  	[dreg:$0x4] =	wrdreg $0xC0  }
0xab: {  	_ =	task [dreg:s6], $0x5FFFF  }
0xac: {  	[dreg:$0x1] =	wrdreg $0xFFFFFFFF  }
0xad: {  	[dreg:$0x0] =	wrdreg $0x60  }
0xae: {  	[dreg:$0x2] =	wrdreg s24  }
0xaf: {  	[dreg:$0x3] =	wrdreg $0x140000  }
0xb0: {  	[dreg:$0x4] =	wrdreg $0x9  }
0xb1: {  	_ =	task.clear_ibuf [dreg:s6], $0x5FFFF;
	_ =	strace $0x9000004F  }
0xb2: {  	s29 =	simm.s32 $0x9;
	_ =	strace $0x80000051  }
0xb3: {  	_ =	swait.ge [sflag:s29], $0x1  }
0xb4: {  	[sflag:s29] =	ssyncadd.s32 $0xFFFFFFFF  }
0xb5: {  	_ =	strace $0x90000051  }
0xb6: {  	_ =	sfence  }
0xb7: {  	s30 =	sld [smem:$0x0];
	_ =	sdelay $0x2  }
0xb8: {  	s31 =	sshll.u32 s1, $0xD;
	s1 =	sshrl.u32 s1, $0x2  }
0xb9: {  	s3 =	sand.u32 $0x4000, s31;
	s1 =	sadd.s32 s1, s30  }
0xba: {  	s0 =	sor.u32 s3, s0;
	s1 =	sshll.u32 s1, $0x11  }
0xbb: {  	s0 =	sor.u32 s1, s0  }
0xbc: {  	s0 =	sadd.s32 $0x8F2B, s0  }
0xbd: {  	[sflag:s0] =	ssyncadd.remote.s32 $0x1  }
0xbe: {  	_ =	sfence.sel $0xFFFF  }
0xbf: {  	[dreg:$0x0] =	wrdreg $0xFFFFFFFF;
	(pc) =	sbr.abs _section_cstart, $3  }
0xc0: {  	[dreg:$0x1] =	wrdreg $0xFFFFFFFF  }
0xc1: {  	_ =	task.clear_ibuf [dreg:s6], $0x2FFFF;
	_ =	strace $0x9FFFFFFF  }
0xc2: {  	(tm) =	ssettm $0x7FFFFFFF  }
0xc3: {  	_ =	shalt  }
tec
execute0_lowered:
.L_overlay_start_1:
0x0: {  	(tag) =	ssettag $0x1  }
0x1: {  	s0 =	rddreg [dreg:$0x0]  }
0x2: {  	s1 =	rddreg [dreg:$0x1]  }
0x3: {  	s2 =	srdreg.scid;
	s9 =	stileid.u32  }
0x4: {  	s3 =	simm.s32 $0x0;
	s28 =	simm.s32 $0xC;
	s5 =	smul.u32 $0xA00, s9  }
0x5: {  	s29 =	simm.s32 $0x80;
	s30 =	simm.s32 $0x12000;
	s6 =	smul.u32 $0x28000, s9  }
0x6: {  	s31 =	simm.s32 $0x2;
	s2 =	sand.u32 $0x1, s2;
	s16 =	smul.u32 $0xA000, s9  }
0x7: {  	[smem:$0x7FF] =	sst s3;
	s8 =	sadd.s32 $0xCC00, s0;
	s4 =	smul.u32 $0x13880, s2  }
0x8: {  	_ =	strace $0x80000050;
	s7 =	ssub.s32 $0x2, s2;
	s2 =	smul.u32 $0xA0000, s2  }
0x9: {  	[dreg:$0x3] =	wrdreg s8;
	s5 =	sadd.s32 s5, s0;
	s13 =	sshrl.u32 s7, $0x1  }
0xa: {  	s15 =	sshrl.u32 s6, $0x2;
	s20 =	sadd.s32 $0x2000, s16;
	s23 =	sadd.s32 s16, s1  }
0xb: {  	s24 =	sadd.s32 $0x4000, s16;
	s4 =	sadd.s32 s4, s0;
	s0 =	sadd.s32 $0x48600, s0  }
0xc: {  	s10 =	ssub.s32 s7, s13;
	s14 =	sadd.s32 $0x17400, s5;
	s5 =	sadd.s32 $0x2C00, s5  }
0xd: {  	s17 =	sadd.s32 s2, s16;
	s7 =	sadd.s32 s15, s1;
	[dreg:$0x4] =	wrdreg s14  }
0xe: {  	s22 =	sadd.s32 s2, s20;
	[dreg:$0x5] =	wrdreg s5;
	s8 =	sadd.s32 $0x21400, s4  }
0xf: {  	s18 =	sshrl.u32 s17, $0x3;
	s19 =	smax.u32 s10, $0x1;
	s5 =	sadd.s32 $0x2000, s7  }
0x10: {  	s21 =	sadd.s32 $0x4000, s7;
	s13 =	sadd.s32 $0x6000, s7;
	[dreg:$0x7] =	wrdreg s19  }
0x11: {  	s14 =	sadd.s32 $0x8000, s7;
	s17 =	sadd.s32 s2, s24;
	[dreg:$0x8] =	wrdreg s5  }
0x12: {  	s4 =	sadd.s32 s0, s18;
	[dreg:$0x9] =	wrdreg s21;
	s5 =	sshrl.u32 s22, $0x3  }
0x13: {  	s18 =	sadd.s32 $0x6000, s16;
	s17 =	sshrl.u32 s17, $0x3;
	s21 =	sshrl.u32 s23, $0x3  }
0x14: {  	[dreg:$0x6] =	wrdreg s4;
	s15 =	sadd.s32 s0, s5;
	s4 =	sadd.s32 s20, s1  }
0x15: {  	s19 =	sadd.s32 s2, s18;
	s20 =	sadd.s32 $0x8000, s16;
	s16 =	sadd.s32 s0, s17  }
0x16: {  	s5 =	sadd.s32 s24, s1;
	s24 =	sadd.s32 s18, s1;
	s25 =	sshrl.u32 s19, $0x3  }
.Ltmp0:
0x17: {  	s2 =	sadd.s32 s2, s20;
	s26 =	sadd.s32 s20, s1;
	(pc) =	sbr.rel .LBB2_1-.Ltmp0, $4  }
0x18: {  	s19 =	simm.s32 $0xB;
	s22 =	sshrl.u32 s4, $0x3;
	s23 =	sshrl.u32 s5, $0x3  }
0x19: {  	s24 =	sshrl.u32 s24, $0x3;
	s20 =	simm.s32 $0x0;
	s17 =	sadd.s32 s0, s25  }
0x1a: {  	s2 =	sshrl.u32 s2, $0x3;
	s25 =	sshrl.u32 s26, $0x3;
	s26 =	simm.s32 $0xA000  }
0x1b: {  	s18 =	sadd.s32 s0, s2;
	s0 =	simm.s32 $0xC000;
	s2 =	simm.s32 $0xE000  }
.LBB2_4:
0x1c: {  	s4 =	stileid.u32  }
0x1d: {  	[bflag:$0x0] =	sbarrier.arrive $0xFFFF;
	s4 =	sshll.u32 s4, $0x6  }
0x1e: {  	s5 =	rddreg [dreg:$0x6];
	s4 =	sor.u32 $0x1C0C, s4  }
0x1f: {  	[hbm:s5], [sflag:s4] =	dma.local [spmem:s21], $0x400  }
0x20: {  	_ =	swait.ge [sflag:s28], $0x400  }
0x21: {  	[sflag:s28] =	ssyncset.done $0x0  }
0x22: {  	[sflag:s28] =	ssyncadd.s32 $0xFFFFFC00  }
0x23: {  	[hbm:s15], [sflag:s4] =	dma.local [spmem:s22], $0x400  }
0x24: {  	_ =	swait.ge [sflag:s28], $0x400  }
0x25: {  	[sflag:s28] =	ssyncset.done $0x0  }
0x26: {  	[sflag:s28] =	ssyncadd.s32 $0xFFFFFC00  }
0x27: {  	[hbm:s16], [sflag:s4] =	dma.local [spmem:s23], $0x400  }
0x28: {  	_ =	swait.ge [sflag:s28], $0x400  }
0x29: {  	[sflag:s28] =	ssyncset.done $0x0  }
0x2a: {  	[sflag:s28] =	ssyncadd.s32 $0xFFFFFC00  }
0x2b: {  	[hbm:s17], [sflag:s4] =	dma.local [spmem:s24], $0x400  }
0x2c: {  	_ =	swait.ge [sflag:s28], $0x400  }
0x2d: {  	[sflag:s28] =	ssyncset.done $0x0  }
0x2e: {  	[sflag:s28] =	ssyncadd.s32 $0xFFFFFC00  }
0x2f: {  	[hbm:s18], [sflag:s4] =	dma.local [spmem:s25], $0x400  }
0x30: {  	_ =	swait.ge [sflag:s28], $0x400  }
0x31: {  	s20 =	sadd.s32 $0x1, s20;
	s12 =	rddreg [dreg:$0x7]  }
0x32: {  	p0 =	sne.s32 s20, s12  }
.Ltmp1:
0x33: {  	_ = 	snop;
	(pc) =	sbr.rel @!p0 .LBB2_5-.Ltmp1, $3  }
0x34: {  	_ =	sdelay $0x1  }
0x35: {  	[sflag:s28] =	ssyncset.done $0x0  }
0x36: {  	[sflag:s28] =	ssyncadd.s32 $0xFFFFFC00  }
.LBB2_1:
0x37: {  	s4 =	rddreg [dreg:$0x4]  }
0x38: {  	[tilespmem:s3], [sflag:$0xB] =	stream.linear.gather [hbm4b:s4+s3], $0x5000, $0x38;
	[tilespmem:$0x1E000] =	vst v63  }
0x39: {  	_ =	swait.ge [sflag:s19], $0x5000  }
0x3a: {  	[sflag:s19] =	ssyncset.done $0x0  }
0x3b: {  	s5 =	simm.s32 $0x5000;
	s9 =	rddreg [dreg:$0x5];
	[sflag:s19] =	ssyncadd.s32 $0xFFFFB000  }
0x3c: {  	[tilespmem:s5], [sflag:$0xB] =	stream.linear.gather [hbm4b:s9+s3], $0x5000, $0x38;
	[tilespmem:$0x1E000] =	vst v63  }
0x3d: {  	_ =	swait.ge [sflag:s19], $0x5000  }
0x3e: {  	[sflag:s19] =	ssyncset.done $0x0  }
0x3f: {  	s10 =	rddreg [dreg:$0x3];
	[sflag:s19] =	ssyncadd.s32 $0xFFFFB000  }
0x40: {  	[tilespmem:s26], [sflag:$0xB] =	stream.linear.gather [hbm4b:s10+s3], $0x2000, $0x38;
	[tilespmem:$0x1E000] =	vst v63  }
0x41: {  	_ =	swait.ge [sflag:s19], $0x2000  }
0x42: {  	[sflag:s19] =	ssyncset.done $0x0  }
0x43: {  	[sflag:s19] =	ssyncadd.s32 $0xFFFFE000  }
0x44: {  	[spmem:s7] =	stream.linear.scatter [tilespmem:s26], [sflag:$0xC], $0x2000, $0x38;
	[tilespmem:$0x1E000] =	vst v63  }
0x45: {  	_ =	swait.ge [sflag:s28], $0x2000  }
0x46: {  	[sflag:s28] =	ssyncset.done $0x0  }
0x47: {  	s11 =	rddreg [dreg:$0x8];
	[sflag:s28] =	ssyncadd.s32 $0xFFFFE000  }
0x48: {  	[spmem:s11] =	stream.linear.scatter [tilespmem:s26], [sflag:$0xC], $0x2000, $0x38;
	[tilespmem:$0x1E000] =	vst v63  }
0x49: {  	_ =	swait.ge [sflag:s28], $0x2000  }
0x4a: {  	[sflag:s28] =	ssyncset.done $0x0  }
0x4b: {  	s12 =	rddreg [dreg:$0x9];
	[sflag:s28] =	ssyncadd.s32 $0xFFFFE000  }
0x4c: {  	[spmem:s12] =	stream.linear.scatter [tilespmem:s26], [sflag:$0xC], $0x2000, $0x38;
	[tilespmem:$0x1E000] =	vst v63  }
0x4d: {  	_ =	swait.ge [sflag:s28], $0x2000  }
0x4e: {  	[sflag:s28] =	ssyncset.done $0x0  }
0x4f: {  	[sflag:s28] =	ssyncadd.s32 $0xFFFFE000  }
0x50: {  	[spmem:s13] =	stream.linear.scatter [tilespmem:s26], [sflag:$0xC], $0x2000, $0x38;
	[tilespmem:$0x1E000] =	vst v63  }
0x51: {  	_ =	swait.ge [sflag:s28], $0x2000  }
0x52: {  	[sflag:s28] =	ssyncset.done $0x0  }
0x53: {  	[sflag:s28] =	ssyncadd.s32 $0xFFFFE000  }
0x54: {  	[spmem:s14] =	stream.linear.scatter [tilespmem:s26], [sflag:$0xC], $0x2000, $0x38;
	[tilespmem:$0x1E000] =	vst v63  }
0x55: {  	_ =	swait.ge [sflag:s28], $0x2000  }
0x56: {  	[sflag:s28] =	ssyncset.done $0x0  }
0x57: {  	s6 =	simm.s32 $0x0;
	[sflag:s28] =	ssyncadd.s32 $0xFFFFE000  }
0x58: {  	s4 =	simm.s32 $0x20;
	s5 =	simm.s32 $0xFFFFFFFF;
	[bflag:$0x0] =	sbarrier.arrive $0xFFFF  }
.LBB2_2:
0x59: {  	p1 =	seq.s32 s4, $0x20  }
0x5a: {  	s9 =	simm.s32 @!p1 $0x6  }
0x5b: {  	p0 =	seq.s32 @!p1 s4, $0x0;
	_ =	swait.ge @!p1 [sflag:s9], $0x2000  }
0x5c: {  	s11 =	sadd.s32 $0xFFFFFFFE, s5;
	p0 =	por p1, !p0;
	[sflag:s9] =	ssyncset.done @!p1 $0x0  }
0x5d: {  	p2 =	sgt.u32 s11, $0x9F;
	[sflag:s9] =	ssyncadd.s32 @!p1 $0xFFFFE000;
	s9 =	sshra.s32 @p0 s6, $0x2  }
0x5e: {  	[tilespmem:s26], [sflag:$0x1] =	stream.indirect.gather @p0 [hbm4b:s8+s29], $0x40, s9, s29, $0xb8;
	[tilespmem:$0x1E000] =	vst v63  }
0x5f: {  	s9 =	simm.s32 @!p2 $0x3  }
0x60: {  	_ =	swait.ge @!p2 [sflag:s9], $0x2000  }
0x61: {  	[sflag:s9] =	ssyncset.done @!p2 $0x0  }
0x62: {  	[sflag:s9] =	ssyncadd.s32 @!p2 $0xFFFFE000;
	s9 =	sshra.s32 @!p2 s6, $0x2  }
0x63: {  	s10 =	simm.s32 @!p2 $0x80;
	s11 =	simm.s32 @!p2 $0xE000;
	s9 =	sadd.s32 @!p2 $0x4E80, s9  }
0x64: {  	[spmem:s1] =	stream.indirect.scatter.add.f32 @!p2 [tilespmem:s11], [sflag:$0x8], $0x40, s9, s10, $0xb8;
	[tilespmem:$0x1E000] =	vst v63  }
0x65: {  	s9 =	simm.s32 @!p1 $0x7  }
0x66: {  	_ =	swait.ge @!p1 [sflag:s9], $0x2000  }
0x67: {  	[sflag:s9] =	ssyncset.done @!p1 $0x0  }
0x68: {  	s12 =	sadd.s32 $0xFFFFFFFF, s5;
	[sflag:s9] =	ssyncadd.s32 @!p1 $0xFFFFE000;
	s9 =	sshra.s32 @p0 s6, $0x2  }
0x69: {  	p2 =	sgt.u32 s12, $0x9F;
	s9 =	sadd.s32 @p0 $0x80, s9  }
0x6a: {  	[tilespmem:s0], [sflag:$0x2] =	stream.indirect.gather @p0 [hbm4b:s8+s29], $0x40, s9, s29, $0xb8;
	[tilespmem:$0x1E000] =	vst v63  }
0x6b: {  	s9 =	simm.s32 @!p2 $0x4  }
0x6c: {  	_ =	swait.ge @!p2 [sflag:s9], $0x2000  }
0x6d: {  	[sflag:s9] =	ssyncset.done @!p2 $0x0  }
0x6e: {  	[sflag:s9] =	ssyncadd.s32 @!p2 $0xFFFFE000;
	s9 =	sshra.s32 @!p2 s6, $0x2  }
0x6f: {  	s10 =	simm.s32 @!p2 $0x80;
	s11 =	simm.s32 @!p2 $0x10000;
	s9 =	sadd.s32 @!p2 $0x4F00, s9  }
0x70: {  	[spmem:s1] =	stream.indirect.scatter.add.f32 @!p2 [tilespmem:s11], [sflag:$0x9], $0x40, s9, s10, $0xb8;
	[tilespmem:$0x1E000] =	vst v63  }
0x71: {  	s9 =	simm.s32 @!p1 $0x8  }
0x72: {  	_ =	swait.ge @!p1 [sflag:s9], $0x2000  }
0x73: {  	[sflag:s9] =	ssyncset.done @!p1 $0x0  }
0x74: {  	[sflag:s9] =	ssyncadd.s32 @!p1 $0xFFFFE000;
	s9 =	sshra.s32 @p0 s6, $0x2  }
0x75: {  	p2 =	sgt.u32 s5, $0x9F;
	s9 =	sadd.s32 @p0 $0x100, s9  }
0x76: {  	[tilespmem:s2], [sflag:$0x3] =	stream.indirect.gather @p0 [hbm4b:s8+s29], $0x40, s9, s29, $0xb8;
	[tilespmem:$0x1E000] =	vst v63  }
0x77: {  	s9 =	simm.s32 @!p2 $0x5  }
0x78: {  	_ =	swait.ge @!p2 [sflag:s9], $0x2000  }
0x79: {  	[sflag:s9] =	ssyncset.done @!p2 $0x0  }
0x7a: {  	[sflag:s9] =	ssyncadd.s32 @!p2 $0xFFFFE000;
	s9 =	sshra.s32 @!p2 s6, $0x2  }
0x7b: {  	s10 =	simm.s32 @!p2 $0x80;
	s11 =	simm.s32 @!p2 $0x12000;
	s9 =	sadd.s32 @!p2 $0x4F80, s9  }
0x7c: {  	[spmem:s1] =	stream.indirect.scatter.add.f32 @!p2 [tilespmem:s11], [sflag:$0xA], $0x40, s9, s10, $0xb8;
	[tilespmem:$0x1E000] =	vst v63  }
0x7d: {  	s9 =	simm.s32 @!p1 $0x9  }
0x7e: {  	_ =	swait.ge @!p1 [sflag:s9], $0x2000  }
0x7f: {  	[sflag:s9] =	ssyncset.done @!p1 $0x0  }
0x80: {  	[sflag:s9] =	ssyncadd.s32 @!p1 $0xFFFFE000;
	s9 =	sshra.s32 @p0 s6, $0x2  }
0x81: {  	s12 =	simm.s32 @p0 $0x10000;
	s11 =	simm.s32 @p0 $0x80;
	s10 =	sadd.s32 @p0 $0x180, s9  }
0x82: {  	[tilespmem:s12], [sflag:$0x4] =	stream.indirect.gather @p0 [hbm4b:s8+s11], $0x40, s10, s11, $0xb8;
	[tilespmem:$0x1E000] =	vst v63  }
0x83: {  	s10 =	simm.s32 @p0 $0x1  }
0x84: {  	_ =	swait.ge @p0 [sflag:s10], $0x2000  }
0x85: {  	p1 =	seq.s32 @p0 s4, $0x20;
	[sflag:s10] =	ssyncset.done @p0 $0x0  }
0x86: {  	s9 =	sadd.s32 @p0 $0x5000, s9;
	[sflag:s10] =	ssyncadd.s32 @p0 $0xFFFFE000;
	s10 =	simm.s32 @p0 $0xA000  }
0x87: {  	[spmem:s1] =	stream.indirect.scatter.add.f32 @p0 [tilespmem:s10], [sflag:$0x6], $0x40, s9, s11, $0xb8;
	[tilespmem:$0x1E000] =	vst v63  }
0x88: {  	p0 =	por !p0, !p1  }
0x89: {  	p1 =	seq.s32 @p0 s4, $0x0  }
0x8a: {  	p1 =	por !p0, !p1  }
.Ltmp2:
0x8b: {  	_ = 	snop;
	(pc) =	sbr.rel @!p1 .LBB2_4-.Ltmp2, $4  }
0x8c: {  	s9 =	simm.s32 @p0 $0xA  }
0x8d: {  	_ =	swait.ge @p0 [sflag:s9], $0x2000  }
0x8e: {  	[sflag:s9] =	ssyncset.done @p0 $0x0  }
0x8f: {  	[sflag:s9] =	ssyncadd.s32 @p0 $0xFFFFE000  }
0x90: {  	s9 =	smov.u32 s6  }
0x91: {  	s9 =	simm.s32 @!p0 $0x0  }
0x92: {  	s9 =	sshra.s32 s9, $0x2  }
0x93: {  	s9 =	sadd.s32 $0x200, s9  }
0x94: {  	[tilespmem:s30], [sflag:$0x5] =	stream.indirect.gather [hbm4b:s8+s29], $0x40, s9, s29, $0xb8;
	[tilespmem:$0x1E000] =	vst v63  }
.Ltmp3:
0x95: {  	_ = 	snop;
	(pc) =	sbr.rel .LBB2_2-.Ltmp3, $4  }
0x96: {  	s12 =	sshra.s32 s6, $0x2;
	_ =	swait.ge [sflag:s31], $0x2000  }
0x97: {  	s6 =	sadd.s32 $0xA00, s6;
	s4 =	sadd.s32 $0xFFFFFFFF, s4;
	[sflag:s31] =	ssyncset.done $0x0  }
0x98: {  	s5 =	sadd.s32 $0x5, s5;
	s9 =	sadd.s32 $0x5080, s12;
	[sflag:s31] =	ssyncadd.s32 $0xFFFFE000  }
0x99: {  	[spmem:s1] =	stream.indirect.scatter.add.f32 [tilespmem:s0], [sflag:$0x7], $0x40, s9, s29, $0xb8;
	[tilespmem:$0x1E000] =	vst v63  }
.LBB2_5:
0x9a: {  	_ =	sfence.sel $0x180000  }
0x9b: {  	[bflag:$0x0] =	sbarrier.arrive $0xFFFF  }
0x9c: {  	_ =	strace $0x90000050  }
0x9d: {  	s0 =	stileid.u32;
	[bflag:$0x2] =	sbarrier.arrive $0xFFFF  }
0x9e: {  	p0 =	sne.s32 s0, $0x0;
	s0 =	rddreg [dreg:$0x2]  }
0x9f: {  	s0 =	sadd.s32 @!p0 $0x100000, s0  }
0xa0: {  	[sflag:s0] =	ssyncadd.tile.s32 @!p0 $0x1;
	_ =	shalt  }
.Lfunc_end2:
_tile_overlayer_lowered:
.L_overlay_start_2:
0xa1: {  	(tag) =	ssettag $0x2  }
0xa2: {  	s0 =	rddreg [dreg:$0x0];
	s2 =	stileid.u32  }
0xa3: {  	s1 =	rddreg [dreg:$0x1];
	p0 =	sne.s32 s2, $0x0  }
0xa4: {  	s3 =	rddreg [dreg:$0x2];
	[bflag:$0x3] =	sbarrier.arrive $0xFFFF;
	s2 =	simm.s32 @!p0 $0x1C0C  }
0xa5: {  	[timem:s3], [sflag:s2] =	dma.local @!p0 [hbm:s0], s1  }
0xa6: {  	s0 =	simm.s32 @!p0 $0xC  }
0xa7: {  	_ =	swait.ge @!p0 [sflag:s0], s1  }
0xa8: {  	s1 =	ssub.s32 @!p0 $0x0, s1;
	[sflag:s0] =	ssyncset.done @!p0 $0x0  }
0xa9: {  	[sflag:s0] =	ssyncadd.s32 @!p0 s1  }
0xaa: {  	[bflag:$0x3] =	sbarrier.arrive $0xFFFF  }
0xab: {  	_ =	shalt  }

</sc_bundles>
